<compile_context>
chip_gen: v7x
topology: tpu7x:2x2x1
jax: 0.10.2.dev20260603
libtpu: 0.0.44.dev20260713+nightly
codegen_flags: <defaults>
</compile_context>

<pallas_src>
import functools
import jax
import jax.numpy as jnp
from jax import lax
from jax.experimental import pallas as pl
from jax.experimental.pallas import tpu as pltpu
from jax.experimental.pallas import tpu_sc as plsc

_N = 100000
_C = 512
_NCLS = 20
_NSP = 8
_SP0 = 8
_K = 25
_BN = 2000
_NB = _N // _BN
_BP = 4000
_NP = _N // _BP
_TS = 800
_NT = _N // _TS
_NW = 32


def _logits_kernel(feat_ref, coord_ref, w_ref, b_ref,
                   logits_ref, labt_ref, part_ref):
    logits = jnp.dot(feat_ref[...], w_ref[...],
                     preferred_element_type=jnp.float32) + b_ref[...]
    logits_ref[...] = logits
    m = jnp.max(logits, axis=1, keepdims=True)
    lane = jax.lax.broadcasted_iota(jnp.int32, logits.shape, 1)
    label = jnp.min(jnp.where(logits == m, lane, _NCLS),
                    axis=1, keepdims=True)
    labt_ref[0] = jnp.transpose(label.astype(jnp.float32))
    cls = jax.lax.broadcasted_iota(jnp.int32, (_BN, _NSP), 1) + _SP0
    onehot = (label == cls).astype(jnp.float32)
    coordaug = jnp.concatenate(
        [coord_ref[...], jnp.ones((_BN, 1), jnp.float32)], axis=1)
    part_ref[0] = jax.lax.dot_general(
        coordaug, onehot, (((0,), (0,)), ((), ())),
        preferred_element_type=jnp.float32)


def _topk_kernel(coordt_ref, part_ref, labt_ref, d2sel_ref, meta_ref,
                 candv_scr, candc_scr, scr_ref):
    i = pl.program_id(0)

    @pl.when(i == 0)
    def _cents():
        s = part_ref[0]
        for j in range(1, _NB):
            s = s + part_ref[j]
        t = jnp.transpose(s)
        cnt = jnp.maximum(t[:, 3:4], 1.0)
        scr_ref[:, 3:6] = t[:, 0:3] / cnt

    cx = scr_ref[:, 3:4]
    cy = scr_ref[:, 4:5]
    cz = scr_ref[:, 5:6]
    dx = coordt_ref[0, 0:1, :] - cx
    dy = coordt_ref[0, 1:2, :] - cy
    dz = coordt_ref[0, 2:3, :] - cz
    d2 = dx * dx + dy * dy + dz * dz
    labt = labt_ref[0]
    cls = jax.lax.broadcasted_iota(
        jnp.int32, (_NSP, 1), 0).astype(jnp.float32) + float(_SP0)
    onehot = labt == cls
    d2sel_ref[0] = jnp.sum(jnp.where(onehot, d2, 0.0),
                           axis=0, keepdims=True)
    d2m = d2
    for it in range(_K):
        vmin = jnp.min(d2m, axis=1, keepdims=True)
        eq = d2m == vmin
        candv_scr[pl.ds(_NSP * i, _NSP), it:it + 1] = vmin
        candc_scr[pl.ds(_NSP * i, _NSP), it:it + 1] = jnp.sum(
            eq.astype(jnp.float32), axis=1, keepdims=True)
        d2m = jnp.where(eq, jnp.inf, d2m)

    @pl.when(i == _NP - 1)
    def _merge():
        cv = jnp.concatenate(
            [candv_scr[_NSP * j:_NSP * (j + 1), :] for j in range(_NP)],
            axis=1)
        cc = jnp.concatenate(
            [candc_scr[_NSP * j:_NSP * (j + 1), :] for j in range(_NP)],
            axis=1)
        active = jnp.ones((_NSP, 1), dtype=jnp.bool_)
        cum = jnp.zeros((_NSP, 1), dtype=jnp.float32)
        thr = jnp.zeros((_NSP, 1), dtype=jnp.float32)
        for _ in range(_K):
            vmin = jnp.min(cv, axis=1, keepdims=True)
            eqm = cv == vmin
            csum = jnp.sum(jnp.where(eqm, cc, 0.0), axis=1, keepdims=True)
            newcum = cum + csum
            hit = active & (newcum >= _K)
            thr = jnp.where(hit, vmin, thr)
            active = active & (~hit)
            cum = newcum
            cv = jnp.where(eqm, jnp.inf, cv)
        out = jnp.concatenate(
            [thr, jnp.zeros((_NSP, 7), jnp.float32)], axis=1)
        meta_ref[...] = out


def _sc_apply_body(logits_hbm, lab_hbm, d2_hbm, meta_hbm, out_hbm,
                   lvm, labvm, d2vm, metavm):
    wid = lax.axis_index("s") * 2 + lax.axis_index("c")
    pltpu.sync_copy(meta_hbm, metavm)
    ntiles = (_NT - wid + _NW - 1) // _NW

    def tile_body(t, carry):
        tile = wid + t * _NW
        tb = tile * _TS
        pltpu.sync_copy(logits_hbm.at[pl.ds(tb, _TS)], lvm)
        pltpu.sync_copy(lab_hbm.at[pl.ds(tb, _TS)], labvm)
        pltpu.sync_copy(d2_hbm.at[pl.ds(tb, _TS)], d2vm)

        def grp(k, c):
            pidx = k * 16 + lax.iota(jnp.int32, 16)
            lab = labvm[pl.ds(k * 16, 16)]
            labi = lab.astype(jnp.int32) - _SP0
            insp = (labi >= 0) & (labi < _NSP)
            si = jnp.where(insp, labi, 0)
            z16 = jnp.zeros((16,), jnp.int32)
            thr = plsc.load_gather(metavm, [si, z16])
            d2a = d2vm[pl.ds(k * 16, 16)]
            reset = insp & (d2a > thr)
            for j in range(_NCLS):
                tv = jnp.full((16,), 10.0 if j == 1 else 0.0, jnp.float32)
                plsc.store_scatter(lvm, [pidx, z16 + j], tv, mask=reset)
            return c

        lax.fori_loop(0, _TS // 16, grp, 0)
        pltpu.sync_copy(lvm, out_hbm.at[pl.ds(tb, _TS)])
        return carry

    lax.fori_loop(0, ntiles, tile_body, 0)


def _sc_apply(logits, labflat, d2, meta):
    mesh = plsc.VectorSubcoreMesh(core_axis_name="c", subcore_axis_name="s")
    fn = functools.partial(
        pl.kernel, mesh=mesh,
        out_type=jax.ShapeDtypeStruct((_N, _NCLS), jnp.float32),
        scratch_types=[
            pltpu.VMEM((_TS, _NCLS), jnp.float32),
            pltpu.VMEM((_TS,), jnp.float32),
            pltpu.VMEM((_TS,), jnp.float32),
            pltpu.VMEM((_NSP, 8), jnp.float32),
        ],
        compiler_params=pltpu.CompilerParams(needs_layout_passes=False),
    )(_sc_apply_body)
    return fn(logits, labflat, d2, meta)


def kernel(feat, coord, W, b):
    b2 = b.reshape(1, _NCLS)
    coordt = coord.reshape(_NP, _BP, 3).transpose(0, 2, 1)
    logits, labt, parts = pl.pallas_call(
        _logits_kernel,
        grid=(_NB,),
        in_specs=[
            pl.BlockSpec((_BN, _C), lambda i: (i, 0)),
            pl.BlockSpec((_BN, 3), lambda i: (i, 0)),
            pl.BlockSpec((_C, _NCLS), lambda i: (0, 0)),
            pl.BlockSpec((1, _NCLS), lambda i: (0, 0)),
        ],
        out_specs=[
            pl.BlockSpec((_BN, _NCLS), lambda i: (i, 0)),
            pl.BlockSpec((1, 1, _BN), lambda i: (i, 0, 0)),
            pl.BlockSpec((1, 4, _NSP), lambda i: (i, 0, 0)),
        ],
        out_shape=[
            jax.ShapeDtypeStruct((_N, _NCLS), jnp.float32),
            jax.ShapeDtypeStruct((_NB, 1, _BN), jnp.float32),
            jax.ShapeDtypeStruct((_NB, 4, _NSP), jnp.float32),
        ],
        compiler_params=pltpu.CompilerParams(
            dimension_semantics=("parallel",)),
    )(feat, coord, W, b2)

    labt4 = labt.reshape(_NP, 1, _BP)
    d2sel, meta = pl.pallas_call(
        _topk_kernel,
        grid=(_NP,),
        in_specs=[
            pl.BlockSpec((1, 3, _BP), lambda i: (i, 0, 0)),
            pl.BlockSpec((_NB, 4, _NSP), lambda i: (0, 0, 0)),
            pl.BlockSpec((1, 1, _BP), lambda i: (i, 0, 0)),
        ],
        out_specs=[
            pl.BlockSpec((1, 1, _BP), lambda i: (i, 0, 0)),
            pl.BlockSpec((_NSP, 8), lambda i: (0, 0)),
        ],
        out_shape=[
            jax.ShapeDtypeStruct((_NP, 1, _BP), jnp.float32),
            jax.ShapeDtypeStruct((_NSP, 8), jnp.float32),
        ],
        scratch_shapes=[
            pltpu.VMEM((_NP * _NSP, _K), jnp.float32),
            pltpu.VMEM((_NP * _NSP, _K), jnp.float32),
            pltpu.VMEM((_NSP, 8), jnp.float32),
        ],
        compiler_params=pltpu.CompilerParams(
            dimension_semantics=("arbitrary",)),
    )(coordt, parts, labt4)

    labflat = labt.reshape(_N)
    return _sc_apply(logits, labflat, d2sel.reshape(_N), meta)

# --- scband reference (transcript-rebuilt; emitter-appended) ---
"""Pipeline reference for scband-default-segmentor-v2-19189913879116 (READ-ONLY COPY).

The authoritative reference and input builder live on the scoring server;
editing this copy changes nothing except your own understanding.
"""

import jax, jax.numpy as jnp
import numpy as np

N = 100000
C = 512
NUM_CLASSES = 20
SPARSE_INDICES = tuple(range(8, 16))
K_NEAREST = 25


def setup_inputs(seed: int = 0) -> dict:
    key = jax.random.key(seed)
    k1, k2, k3, k4 = jax.random.split(key, 4)
    feat = jax.random.normal(k1, (N, C), dtype=jnp.float32)
    coord = jax.random.normal(k2, (N, 3), dtype=jnp.float32) * 10.0
    W = jax.random.normal(k3, (C, NUM_CLASSES), dtype=jnp.float32) * (1.0 / np.sqrt(C))
    b = jax.random.normal(k4, (NUM_CLASSES,), dtype=jnp.float32) * 0.01
    return {"feat": feat, "coord": coord, "W": W, "b": b}


def _post_process(coords, logits):
    # faithful jax translation of post_process_predictions
    n = coords.shape[0]
    k = min(K_NEAREST, n)
    pred_labels = jnp.argmax(logits, axis=1)
    processed = logits
    target_row = jnp.zeros((logits.shape[1],), dtype=logits.dtype).at[1].set(10.0)
    for class_idx in SPARSE_INDICES:
        class_mask = pred_labels == class_idx
        cnt = jnp.sum(class_mask)
        safe_cnt = jnp.maximum(cnt, 1).astype(coords.dtype)
        # mean of class coords (masked mean; if class empty, reset_mask is all-false so no effect)
        centroid = jnp.sum(jnp.where(class_mask[:, None], coords, 0.0), axis=0) / safe_cnt
        # cdist(coords, centroid[None]) squeezed -> euclidean distances
        distances = jnp.sqrt(jnp.sum((coords - centroid[None, :]) ** 2, axis=1) + 1e-12)
        # topk smallest distances
        _, nearest_indices = jax.lax.top_k(-distances, k)
        nearest_mask = jnp.zeros((n,), dtype=bool).at[nearest_indices].set(True)
        reset_mask = class_mask & (~nearest_mask)
        processed = jnp.where(reset_mask[:, None], target_row[None, :], processed)
    return processed


def reference(feat, coord, W, b):
    # seg_head (nn.Linear) -> postprocess (inference path, offset=None)
    seg_logits = feat @ W + b
    return _post_process(coord, seg_logits)

if __name__ == "__main__":
    import jax
    _d = setup_inputs()
    print(jax.jit(kernel)(*tuple(_d.values())))

</pallas_src>

<mosaic_0001>
#map = affine_map<(d0, d1) -> (0, 0)>
#map1 = affine_map<(d0, d1) -> (0)>
module attributes {stable_mosaic.version = 14 : i64} {
  func.func @_sc_apply_body(%arg0: i32, %arg1: i32, %arg2: memref<100000x20xf32, #tpu.memory_space<hbm>>, %arg3: memref<100000xf32, #tpu.memory_space<hbm>>, %arg4: memref<100000xf32, #tpu.memory_space<hbm>>, %arg5: memref<8x8xf32, #tpu.memory_space<hbm>>, %arg6: memref<100000x20xf32, #tpu.memory_space<hbm>>, %arg7: memref<800x20xf32, #tpu.memory_space<vmem>>, %arg8: memref<800xf32, #tpu.memory_space<vmem>>, %arg9: memref<800xf32, #tpu.memory_space<vmem>>, %arg10: memref<8x8xf32, #tpu.memory_space<vmem>>) attributes {dimension_semantics = [#tpu.dimension_semantics<core_parallel>, #tpu.dimension_semantics<subcore_parallel>], iteration_bounds = array<i64: 2, 16>, scalar_prefetch = 0 : i64, scratch_operands = 4 : i64, tpu.core_type = #tpu.core_type<sc_vector_subcore>, window_params = [{transform_indices = #map}, {transform_indices = #map1}, {transform_indices = #map1}, {transform_indices = #map}, {transform_indices = #map}]} {
    %mul3A = arith.constant 2 : i32
    %mul3A_0 = arith.muli %arg1, %mul3A : i32
    %add3A = arith.addi %mul3A_0, %arg0 : i32
    "tpu.region"() ({
      %run_scoped3A = tpu.sem_alloc : memref<!tpu.dma_semaphore, #tpu.memory_space<semaphore_mem>>
      tpu.enqueue_dma source(%arg5 : memref<8x8xf32, #tpu.memory_space<hbm>>) target(%arg10 : memref<8x8xf32, #tpu.memory_space<vmem>>) target_semaphore(%run_scoped3A : memref<!tpu.dma_semaphore, #tpu.memory_space<semaphore_mem>>)
      tpu.wait_dma2 semaphore(%run_scoped3A : memref<!tpu.dma_semaphore, #tpu.memory_space<semaphore_mem>>) src(%arg5 : memref<8x8xf32, #tpu.memory_space<hbm>>) dst(%arg10 : memref<8x8xf32, #tpu.memory_space<vmem>>)
      tpu.yield
    }) : () -> ()
    %sub3A = arith.constant 125 : i32
    %sub3A_1 = arith.subi %sub3A, %add3A : i32
    %add3A_2 = arith.constant 32 : i32
    %add3A_3 = arith.addi %sub3A_1, %add3A_2 : i32
    %sub3A_4 = arith.constant 1 : i32
    %sub3A_5 = arith.subi %add3A_3, %sub3A_4 : i32
    %jit3A = arith.constant 32 : i32
    %div3A = arith.divsi %sub3A_5, %jit3A : i32
    %sign3A = arith.constant 0 : i32
    %sign3A_6 = arith.cmpi sgt, %sub3A_5, %sign3A : i32
    %sign3A_7 = arith.extui %sign3A_6 : i1 to i32
    %sign3A_8 = arith.constant 0 : i32
    %sign3A_9 = arith.cmpi slt, %sub3A_5, %sign3A_8 : i32
    %sign3A_10 = arith.extui %sign3A_9 : i1 to i32
    %sign3A_11 = arith.subi %sign3A_7, %sign3A_10 : i32
    %sign3A_12 = arith.constant 0 : i32
    %sign3A_13 = arith.cmpi sgt, %jit3A, %sign3A_12 : i32
    %sign3A_14 = arith.extui %sign3A_13 : i1 to i32
    %sign3A_15 = arith.constant 0 : i32
    %sign3A_16 = arith.cmpi slt, %jit3A, %sign3A_15 : i32
    %sign3A_17 = arith.extui %sign3A_16 : i1 to i32
    %sign3A_18 = arith.subi %sign3A_14, %sign3A_17 : i32
    %ne3A = arith.cmpi ne, %sign3A_11, %sign3A_18 : i32
    %rem3A = arith.remsi %sub3A_5, %jit3A : i32
    %ne3A_19 = arith.constant 0 : i32
    %ne3A_20 = arith.cmpi ne, %rem3A, %ne3A_19 : i32
    %and3A = arith.andi %ne3A, %ne3A_20 : i1
    %sub3A_21 = arith.constant 1 : i32
    %sub3A_22 = arith.subi %div3A, %sub3A_21 : i32
    %select_n3A = arith.select %and3A, %sub3A_22, %div3A : i32
    %while3A = arith.constant 0 : i32
    %while3A_23 = arith.constant 0 : i32
    %while3A_24 = arith.subi %select_n3A, %while3A_23 : i32
    %while3A_25 = arith.addi %while3A_23, %while3A_24 : i32
    %while3A_26 = arith.constant 1 : i32
    %while3A_27 = arith.divsi %while3A_24, %while3A_26 : i32
    %while3A_28 = arith.muli %while3A_27, %while3A_26 : i32
    %while3A_29 = arith.addi %while3A_23, %while3A_28 : i32
    %while3A_30 = arith.constant 1 : i32
    scf.for %while3A_32 = %while3A_23 to %while3A_29 step %while3A_30  : i32 {
      %mul3A_33 = arith.constant 32 : i32
      %mul3A_34 = arith.muli %while3A_32, %mul3A_33 : i32
      %add3A_35 = arith.addi %add3A, %mul3A_34 : i32
      %mul3A_36 = arith.constant 800 : i32
      %mul3A_37 = arith.muli %add3A_35, %mul3A_36 : i32
      "tpu.region"() ({
        %run_scoped3A = tpu.sem_alloc : memref<!tpu.dma_semaphore, #tpu.memory_space<semaphore_mem>>
        %dma_start3A = arith.constant 0 : i32
        %dma_start3A_43 = tpu.memref_slice %arg2[%mul3A_37, %dma_start3A] : memref<100000x20xf32, #tpu.memory_space<hbm>> -> memref<800x20xf32, #tpu.memory_space<hbm>>
        %dma_start3A_44 = arith.constant 0 : i32
        %dma_start3A_45 = tpu.memref_slice %arg2[%mul3A_37, %dma_start3A_44] : memref<100000x20xf32, #tpu.memory_space<hbm>> -> memref<800x20xf32, #tpu.memory_space<hbm>>
        tpu.enqueue_dma source(%dma_start3A_45 : memref<800x20xf32, #tpu.memory_space<hbm>>) target(%arg7 : memref<800x20xf32, #tpu.memory_space<vmem>>) target_semaphore(%run_scoped3A : memref<!tpu.dma_semaphore, #tpu.memory_space<semaphore_mem>>)
        %dma_wait3A = arith.constant 0 : i32
        %dma_wait3A_46 = tpu.memref_slice %arg2[%mul3A_37, %dma_wait3A] : memref<100000x20xf32, #tpu.memory_space<hbm>> -> memref<800x20xf32, #tpu.memory_space<hbm>>
        %dma_wait3A_47 = arith.constant 0 : i32
        %dma_wait3A_48 = tpu.memref_slice %arg2[%mul3A_37, %dma_wait3A_47] : memref<100000x20xf32, #tpu.memory_space<hbm>> -> memref<800x20xf32, #tpu.memory_space<hbm>>
        tpu.wait_dma2 semaphore(%run_scoped3A : memref<!tpu.dma_semaphore, #tpu.memory_space<semaphore_mem>>) src(%dma_wait3A_48 : memref<800x20xf32, #tpu.memory_space<hbm>>) dst(%arg7 : memref<800x20xf32, #tpu.memory_space<vmem>>)
        tpu.yield
      }) : () -> ()
      "tpu.region"() ({
        %run_scoped3A = tpu.sem_alloc : memref<!tpu.dma_semaphore, #tpu.memory_space<semaphore_mem>>
        %dma_start3A = tpu.memref_slice %arg3[%mul3A_37] : memref<100000xf32, #tpu.memory_space<hbm>> -> memref<800xf32, #tpu.memory_space<hbm>>
        %dma_start3A_43 = tpu.memref_slice %arg3[%mul3A_37] : memref<100000xf32, #tpu.memory_space<hbm>> -> memref<800xf32, #tpu.memory_space<hbm>>
        tpu.enqueue_dma source(%dma_start3A_43 : memref<800xf32, #tpu.memory_space<hbm>>) target(%arg8 : memref<800xf32, #tpu.memory_space<vmem>>) target_semaphore(%run_scoped3A : memref<!tpu.dma_semaphore, #tpu.memory_space<semaphore_mem>>)
        %dma_wait3A = tpu.memref_slice %arg3[%mul3A_37] : memref<100000xf32, #tpu.memory_space<hbm>> -> memref<800xf32, #tpu.memory_space<hbm>>
        %dma_wait3A_44 = tpu.memref_slice %arg3[%mul3A_37] : memref<100000xf32, #tpu.memory_space<hbm>> -> memref<800xf32, #tpu.memory_space<hbm>>
        tpu.wait_dma2 semaphore(%run_scoped3A : memref<!tpu.dma_semaphore, #tpu.memory_space<semaphore_mem>>) src(%dma_wait3A_44 : memref<800xf32, #tpu.memory_space<hbm>>) dst(%arg8 : memref<800xf32, #tpu.memory_space<vmem>>)
        tpu.yield
      }) : () -> ()
      "tpu.region"() ({
        %run_scoped3A = tpu.sem_alloc : memref<!tpu.dma_semaphore, #tpu.memory_space<semaphore_mem>>
        %dma_start3A = tpu.memref_slice %arg4[%mul3A_37] : memref<100000xf32, #tpu.memory_space<hbm>> -> memref<800xf32, #tpu.memory_space<hbm>>
        %dma_start3A_43 = tpu.memref_slice %arg4[%mul3A_37] : memref<100000xf32, #tpu.memory_space<hbm>> -> memref<800xf32, #tpu.memory_space<hbm>>
        tpu.enqueue_dma source(%dma_start3A_43 : memref<800xf32, #tpu.memory_space<hbm>>) target(%arg9 : memref<800xf32, #tpu.memory_space<vmem>>) target_semaphore(%run_scoped3A : memref<!tpu.dma_semaphore, #tpu.memory_space<semaphore_mem>>)
        %dma_wait3A = tpu.memref_slice %arg4[%mul3A_37] : memref<100000xf32, #tpu.memory_space<hbm>> -> memref<800xf32, #tpu.memory_space<hbm>>
        %dma_wait3A_44 = tpu.memref_slice %arg4[%mul3A_37] : memref<100000xf32, #tpu.memory_space<hbm>> -> memref<800xf32, #tpu.memory_space<hbm>>
        tpu.wait_dma2 semaphore(%run_scoped3A : memref<!tpu.dma_semaphore, #tpu.memory_space<semaphore_mem>>) src(%dma_wait3A_44 : memref<800xf32, #tpu.memory_space<hbm>>) dst(%arg9 : memref<800xf32, #tpu.memory_space<vmem>>)
        tpu.yield
      }) : () -> ()
      %scan3A = arith.constant 0 : i32
      %scan3A_38 = arith.constant 0 : i32
      %scan3A_39 = arith.constant 50 : i32
      %scan3A_40 = arith.addi %scan3A_38, %scan3A_39 : i32
      %scan3A_41 = arith.constant 1 : i32
      scf.for %scan3A_43 = %scan3A_38 to %scan3A_40 step %scan3A_41  : i32 {
        %mul3A_44 = arith.constant 16 : i32
        %mul3A_45 = arith.muli %scan3A_43, %mul3A_44 : i32
        %iota3A = tpu.iota {dimensions = array<i32: 0>} : vector<16xi32>
        %add3A_46 = vector.broadcast %mul3A_45 : i32 to vector<16xi32>
        %add3A_47 = arith.addi %add3A_46, %iota3A : vector<16xi32>
        %mul3A_48 = arith.constant 16 : i32
        %mul3A_49 = arith.muli %scan3A_43, %mul3A_48 : i32
        %get3A = arith.index_cast %mul3A_49 : i32 to index
        %get3A_50 = tpu.vector_load %arg8[%get3A] {strides = array<i32>} : memref<800xf32, #tpu.memory_space<vmem>>, vector<16xf32>,
        %convert_element_type3A = arith.fptosi %get3A_50 : vector<16xf32> to vector<16xi32>
        %sub3A_51 = arith.constant 8 : i32
        %sub3A_52 = vector.broadcast %sub3A_51 : i32 to vector<16xi32>
        %sub3A_53 = arith.subi %convert_element_type3A, %sub3A_52 : vector<16xi32>
        %ge3A = arith.constant 0 : i32
        %ge3A_54 = vector.broadcast %ge3A : i32 to vector<16xi32>
        %ge3A_55 = arith.cmpi sge, %sub3A_53, %ge3A_54 : vector<16xi32>
        %lt3A = arith.constant 8 : i32
        %lt3A_56 = vector.broadcast %lt3A : i32 to vector<16xi32>
        %lt3A_57 = arith.cmpi slt, %sub3A_53, %lt3A_56 : vector<16xi32>
        %and3A_58 = arith.andi %ge3A_55, %lt3A_57 : vector<16xi1>
        %jit3A_59 = arith.constant 0 : i32
        %broadcast_in_dim3A = vector.broadcast %jit3A_59 : i32 to vector<16xi32>
        %select_n3A_60 = arith.select %and3A_58, %sub3A_53, %broadcast_in_dim3A : vector<16xi1>, vector<16xi32>
        %broadcast_in_dim3A_61 = arith.constant 0 : i32
        %broadcast_in_dim3A_62 = vector.broadcast %broadcast_in_dim3A_61 : i32 to vector<16xi32>
        %gather3A = tpu.vector_load_idx %arg10[%select_n3A_60, %broadcast_in_dim3A_62] : memref<8x8xf32, #tpu.memory_space<vmem>>[vector<16xi32>, vector<16xi32>], vector<16xf32>,
        %mul3A_63 = arith.constant 16 : i32
        %mul3A_64 = arith.muli %scan3A_43, %mul3A_63 : i32
        %get3A_65 = arith.index_cast %mul3A_64 : i32 to index
        %get3A_66 = tpu.vector_load %arg9[%get3A_65] {strides = array<i32>} : memref<800xf32, #tpu.memory_space<vmem>>, vector<16xf32>,
        %gt3A = arith.cmpf ogt, %get3A_66, %gather3A : vector<16xf32>
        %and3A_67 = arith.andi %and3A_58, %gt3A : vector<16xi1>
        %broadcast_in_dim3A_68 = arith.constant 0.000000e+00 : f32
        %broadcast_in_dim3A_69 = vector.broadcast %broadcast_in_dim3A_68 : f32 to vector<16xf32>
        %add3A_70 = arith.constant 0 : i32
        %add3A_71 = vector.broadcast %add3A_70 : i32 to vector<16xi32>
        %add3A_72 = arith.addi %broadcast_in_dim3A_62, %add3A_71 : vector<16xi32>
        tpu.vector_store_idx %arg7[%add3A_47, %add3A_72], %broadcast_in_dim3A_69 masked %and3A_67 : memref<800x20xf32, #tpu.memory_space<vmem>>[vector<16xi32>, vector<16xi32>], vector<16xf32>, vector<16xi1>
        %broadcast_in_dim3A_73 = arith.constant 1.000000e+01 : f32
        %broadcast_in_dim3A_74 = vector.broadcast %broadcast_in_dim3A_73 : f32 to vector<16xf32>
        %add3A_75 = arith.constant 1 : i32
        %add3A_76 = vector.broadcast %add3A_75 : i32 to vector<16xi32>
        %add3A_77 = arith.addi %broadcast_in_dim3A_62, %add3A_76 : vector<16xi32>
        tpu.vector_store_idx %arg7[%add3A_47, %add3A_77], %broadcast_in_dim3A_74 masked %and3A_67 : memref<800x20xf32, #tpu.memory_space<vmem>>[vector<16xi32>, vector<16xi32>], vector<16xf32>, vector<16xi1>
        %broadcast_in_dim3A_78 = arith.constant 0.000000e+00 : f32
        %broadcast_in_dim3A_79 = vector.broadcast %broadcast_in_dim3A_78 : f32 to vector<16xf32>
        %add3A_80 = arith.constant 2 : i32
        %add3A_81 = vector.broadcast %add3A_80 : i32 to vector<16xi32>
        %add3A_82 = arith.addi %broadcast_in_dim3A_62, %add3A_81 : vector<16xi32>
        tpu.vector_store_idx %arg7[%add3A_47, %add3A_82], %broadcast_in_dim3A_79 masked %and3A_67 : memref<800x20xf32, #tpu.memory_space<vmem>>[vector<16xi32>, vector<16xi32>], vector<16xf32>, vector<16xi1>
        %broadcast_in_dim3A_83 = arith.constant 0.000000e+00 : f32
        %broadcast_in_dim3A_84 = vector.broadcast %broadcast_in_dim3A_83 : f32 to vector<16xf32>
        %add3A_85 = arith.constant 3 : i32
        %add3A_86 = vector.broadcast %add3A_85 : i32 to vector<16xi32>
        %add3A_87 = arith.addi %broadcast_in_dim3A_62, %add3A_86 : vector<16xi32>
        tpu.vector_store_idx %arg7[%add3A_47, %add3A_87], %broadcast_in_dim3A_84 masked %and3A_67 : memref<800x20xf32, #tpu.memory_space<vmem>>[vector<16xi32>, vector<16xi32>], vector<16xf32>, vector<16xi1>
        %broadcast_in_dim3A_88 = arith.constant 0.000000e+00 : f32
        %broadcast_in_dim3A_89 = vector.broadcast %broadcast_in_dim3A_88 : f32 to vector<16xf32>
        %add3A_90 = arith.constant 4 : i32
        %add3A_91 = vector.broadcast %add3A_90 : i32 to vector<16xi32>
        %add3A_92 = arith.addi %broadcast_in_dim3A_62, %add3A_91 : vector<16xi32>
        tpu.vector_store_idx %arg7[%add3A_47, %add3A_92], %broadcast_in_dim3A_89 masked %and3A_67 : memref<800x20xf32, #tpu.memory_space<vmem>>[vector<16xi32>, vector<16xi32>], vector<16xf32>, vector<16xi1>
        %broadcast_in_dim3A_93 = arith.constant 0.000000e+00 : f32
        %broadcast_in_dim3A_94 = vector.broadcast %broadcast_in_dim3A_93 : f32 to vector<16xf32>
        %add3A_95 = arith.constant 5 : i32
        %add3A_96 = vector.broadcast %add3A_95 : i32 to vector<16xi32>
        %add3A_97 = arith.addi %broadcast_in_dim3A_62, %add3A_96 : vector<16xi32>
        tpu.vector_store_idx %arg7[%add3A_47, %add3A_97], %broadcast_in_dim3A_94 masked %and3A_67 : memref<800x20xf32, #tpu.memory_space<vmem>>[vector<16xi32>, vector<16xi32>], vector<16xf32>, vector<16xi1>
        %broadcast_in_dim3A_98 = arith.constant 0.000000e+00 : f32
        %broadcast_in_dim3A_99 = vector.broadcast %broadcast_in_dim3A_98 : f32 to vector<16xf32>
        %add3A_100 = arith.constant 6 : i32
        %add3A_101 = vector.broadcast %add3A_100 : i32 to vector<16xi32>
        %add3A_102 = arith.addi %broadcast_in_dim3A_62, %add3A_101 : vector<16xi32>
        tpu.vector_store_idx %arg7[%add3A_47, %add3A_102], %broadcast_in_dim3A_99 masked %and3A_67 : memref<800x20xf32, #tpu.memory_space<vmem>>[vector<16xi32>, vector<16xi32>], vector<16xf32>, vector<16xi1>
        %broadcast_in_dim3A_103 = arith.constant 0.000000e+00 : f32
        %broadcast_in_dim3A_104 = vector.broadcast %broadcast_in_dim3A_103 : f32 to vector<16xf32>
        %add3A_105 = arith.constant 7 : i32
        %add3A_106 = vector.broadcast %add3A_105 : i32 to vector<16xi32>
        %add3A_107 = arith.addi %broadcast_in_dim3A_62, %add3A_106 : vector<16xi32>
        tpu.vector_store_idx %arg7[%add3A_47, %add3A_107], %broadcast_in_dim3A_104 masked %and3A_67 : memref<800x20xf32, #tpu.memory_space<vmem>>[vector<16xi32>, vector<16xi32>], vector<16xf32>, vector<16xi1>
        %broadcast_in_dim3A_108 = arith.constant 0.000000e+00 : f32
        %broadcast_in_dim3A_109 = vector.broadcast %broadcast_in_dim3A_108 : f32 to vector<16xf32>
        %add3A_110 = arith.constant 8 : i32
        %add3A_111 = vector.broadcast %add3A_110 : i32 to vector<16xi32>
        %add3A_112 = arith.addi %broadcast_in_dim3A_62, %add3A_111 : vector<16xi32>
        tpu.vector_store_idx %arg7[%add3A_47, %add3A_112], %broadcast_in_dim3A_109 masked %and3A_67 : memref<800x20xf32, #tpu.memory_space<vmem>>[vector<16xi32>, vector<16xi32>], vector<16xf32>, vector<16xi1>
        %broadcast_in_dim3A_113 = arith.constant 0.000000e+00 : f32
        %broadcast_in_dim3A_114 = vector.broadcast %broadcast_in_dim3A_113 : f32 to vector<16xf32>
        %add3A_115 = arith.constant 9 : i32
        %add3A_116 = vector.broadcast %add3A_115 : i32 to vector<16xi32>
        %add3A_117 = arith.addi %broadcast_in_dim3A_62, %add3A_116 : vector<16xi32>
        tpu.vector_store_idx %arg7[%add3A_47, %add3A_117], %broadcast_in_dim3A_114 masked %and3A_67 : memref<800x20xf32, #tpu.memory_space<vmem>>[vector<16xi32>, vector<16xi32>], vector<16xf32>, vector<16xi1>
        %broadcast_in_dim3A_118 = arith.constant 0.000000e+00 : f32
        %broadcast_in_dim3A_119 = vector.broadcast %broadcast_in_dim3A_118 : f32 to vector<16xf32>
        %add3A_120 = arith.constant 10 : i32
        %add3A_121 = vector.broadcast %add3A_120 : i32 to vector<16xi32>
        %add3A_122 = arith.addi %broadcast_in_dim3A_62, %add3A_121 : vector<16xi32>
        tpu.vector_store_idx %arg7[%add3A_47, %add3A_122], %broadcast_in_dim3A_119 masked %and3A_67 : memref<800x20xf32, #tpu.memory_space<vmem>>[vector<16xi32>, vector<16xi32>], vector<16xf32>, vector<16xi1>
        %broadcast_in_dim3A_123 = arith.constant 0.000000e+00 : f32
        %broadcast_in_dim3A_124 = vector.broadcast %broadcast_in_dim3A_123 : f32 to vector<16xf32>
        %add3A_125 = arith.constant 11 : i32
        %add3A_126 = vector.broadcast %add3A_125 : i32 to vector<16xi32>
        %add3A_127 = arith.addi %broadcast_in_dim3A_62, %add3A_126 : vector<16xi32>
        tpu.vector_store_idx %arg7[%add3A_47, %add3A_127], %broadcast_in_dim3A_124 masked %and3A_67 : memref<800x20xf32, #tpu.memory_space<vmem>>[vector<16xi32>, vector<16xi32>], vector<16xf32>, vector<16xi1>
        %broadcast_in_dim3A_128 = arith.constant 0.000000e+00 : f32
        %broadcast_in_dim3A_129 = vector.broadcast %broadcast_in_dim3A_128 : f32 to vector<16xf32>
        %add3A_130 = arith.constant 12 : i32
        %add3A_131 = vector.broadcast %add3A_130 : i32 to vector<16xi32>
        %add3A_132 = arith.addi %broadcast_in_dim3A_62, %add3A_131 : vector<16xi32>
        tpu.vector_store_idx %arg7[%add3A_47, %add3A_132], %broadcast_in_dim3A_129 masked %and3A_67 : memref<800x20xf32, #tpu.memory_space<vmem>>[vector<16xi32>, vector<16xi32>], vector<16xf32>, vector<16xi1>
        %broadcast_in_dim3A_133 = arith.constant 0.000000e+00 : f32
        %broadcast_in_dim3A_134 = vector.broadcast %broadcast_in_dim3A_133 : f32 to vector<16xf32>
        %add3A_135 = arith.constant 13 : i32
        %add3A_136 = vector.broadcast %add3A_135 : i32 to vector<16xi32>
        %add3A_137 = arith.addi %broadcast_in_dim3A_62, %add3A_136 : vector<16xi32>
        tpu.vector_store_idx %arg7[%add3A_47, %add3A_137], %broadcast_in_dim3A_134 masked %and3A_67 : memref<800x20xf32, #tpu.memory_space<vmem>>[vector<16xi32>, vector<16xi32>], vector<16xf32>, vector<16xi1>
        %broadcast_in_dim3A_138 = arith.constant 0.000000e+00 : f32
        %broadcast_in_dim3A_139 = vector.broadcast %broadcast_in_dim3A_138 : f32 to vector<16xf32>
        %add3A_140 = arith.constant 14 : i32
        %add3A_141 = vector.broadcast %add3A_140 : i32 to vector<16xi32>
        %add3A_142 = arith.addi %broadcast_in_dim3A_62, %add3A_141 : vector<16xi32>
        tpu.vector_store_idx %arg7[%add3A_47, %add3A_142], %broadcast_in_dim3A_139 masked %and3A_67 : memref<800x20xf32, #tpu.memory_space<vmem>>[vector<16xi32>, vector<16xi32>], vector<16xf32>, vector<16xi1>
        %broadcast_in_dim3A_143 = arith.constant 0.000000e+00 : f32
        %broadcast_in_dim3A_144 = vector.broadcast %broadcast_in_dim3A_143 : f32 to vector<16xf32>
        %add3A_145 = arith.constant 15 : i32
        %add3A_146 = vector.broadcast %add3A_145 : i32 to vector<16xi32>
        %add3A_147 = arith.addi %broadcast_in_dim3A_62, %add3A_146 : vector<16xi32>
        tpu.vector_store_idx %arg7[%add3A_47, %add3A_147], %broadcast_in_dim3A_144 masked %and3A_67 : memref<800x20xf32, #tpu.memory_space<vmem>>[vector<16xi32>, vector<16xi32>], vector<16xf32>, vector<16xi1>
        %broadcast_in_dim3A_148 = arith.constant 0.000000e+00 : f32
        %broadcast_in_dim3A_149 = vector.broadcast %broadcast_in_dim3A_148 : f32 to vector<16xf32>
        %add3A_150 = arith.constant 16 : i32
        %add3A_151 = vector.broadcast %add3A_150 : i32 to vector<16xi32>
        %add3A_152 = arith.addi %broadcast_in_dim3A_62, %add3A_151 : vector<16xi32>
        tpu.vector_store_idx %arg7[%add3A_47, %add3A_152], %broadcast_in_dim3A_149 masked %and3A_67 : memref<800x20xf32, #tpu.memory_space<vmem>>[vector<16xi32>, vector<16xi32>], vector<16xf32>, vector<16xi1>
        %broadcast_in_dim3A_153 = arith.constant 0.000000e+00 : f32
        %broadcast_in_dim3A_154 = vector.broadcast %broadcast_in_dim3A_153 : f32 to vector<16xf32>
        %add3A_155 = arith.constant 17 : i32
        %add3A_156 = vector.broadcast %add3A_155 : i32 to vector<16xi32>
        %add3A_157 = arith.addi %broadcast_in_dim3A_62, %add3A_156 : vector<16xi32>
        tpu.vector_store_idx %arg7[%add3A_47, %add3A_157], %broadcast_in_dim3A_154 masked %and3A_67 : memref<800x20xf32, #tpu.memory_space<vmem>>[vector<16xi32>, vector<16xi32>], vector<16xf32>, vector<16xi1>
        %broadcast_in_dim3A_158 = arith.constant 0.000000e+00 : f32
        %broadcast_in_dim3A_159 = vector.broadcast %broadcast_in_dim3A_158 : f32 to vector<16xf32>
        %add3A_160 = arith.constant 18 : i32
        %add3A_161 = vector.broadcast %add3A_160 : i32 to vector<16xi32>
        %add3A_162 = arith.addi %broadcast_in_dim3A_62, %add3A_161 : vector<16xi32>
        tpu.vector_store_idx %arg7[%add3A_47, %add3A_162], %broadcast_in_dim3A_159 masked %and3A_67 : memref<800x20xf32, #tpu.memory_space<vmem>>[vector<16xi32>, vector<16xi32>], vector<16xf32>, vector<16xi1>
        %broadcast_in_dim3A_163 = arith.constant 0.000000e+00 : f32
        %broadcast_in_dim3A_164 = vector.broadcast %broadcast_in_dim3A_163 : f32 to vector<16xf32>
        %add3A_165 = arith.constant 19 : i32
        %add3A_166 = vector.broadcast %add3A_165 : i32 to vector<16xi32>
        %add3A_167 = arith.addi %broadcast_in_dim3A_62, %add3A_166 : vector<16xi32>
        tpu.vector_store_idx %arg7[%add3A_47, %add3A_167], %broadcast_in_dim3A_164 masked %and3A_67 : memref<800x20xf32, #tpu.memory_space<vmem>>[vector<16xi32>, vector<16xi32>], vector<16xf32>, vector<16xi1>
      }
      %scan3A_42 = arith.constant 50 : i32
      "tpu.region"() ({
        %run_scoped3A = tpu.sem_alloc : memref<!tpu.dma_semaphore, #tpu.memory_space<semaphore_mem>>
        %dma_start3A = arith.constant 0 : i32
        %dma_start3A_43 = tpu.memref_slice %arg6[%mul3A_37, %dma_start3A] : memref<100000x20xf32, #tpu.memory_space<hbm>> -> memref<800x20xf32, #tpu.memory_space<hbm>>
        %dma_start3A_44 = arith.constant 0 : i32
        %dma_start3A_45 = tpu.memref_slice %arg6[%mul3A_37, %dma_start3A_44] : memref<100000x20xf32, #tpu.memory_space<hbm>> -> memref<800x20xf32, #tpu.memory_space<hbm>>
        tpu.enqueue_dma source(%arg7 : memref<800x20xf32, #tpu.memory_space<vmem>>) target(%dma_start3A_45 : memref<800x20xf32, #tpu.memory_space<hbm>>) target_semaphore(%run_scoped3A : memref<!tpu.dma_semaphore, #tpu.memory_space<semaphore_mem>>)
        %dma_wait3A = arith.constant 0 : i32
        %dma_wait3A_46 = tpu.memref_slice %arg6[%mul3A_37, %dma_wait3A] : memref<100000x20xf32, #tpu.memory_space<hbm>> -> memref<800x20xf32, #tpu.memory_space<hbm>>
        %dma_wait3A_47 = arith.constant 0 : i32
        %dma_wait3A_48 = tpu.memref_slice %arg6[%mul3A_37, %dma_wait3A_47] : memref<100000x20xf32, #tpu.memory_space<hbm>> -> memref<800x20xf32, #tpu.memory_space<hbm>>
        tpu.wait_dma2 semaphore(%run_scoped3A : memref<!tpu.dma_semaphore, #tpu.memory_space<semaphore_mem>>) src(%arg7 : memref<800x20xf32, #tpu.memory_space<vmem>>) dst(%dma_wait3A_48 : memref<800x20xf32, #tpu.memory_space<hbm>>)
        tpu.yield
      }) : () -> ()
    }
    %while3A_31 = arith.constant 1 : i32
    scf.for %while3A_32 = %while3A_29 to %while3A_25 step %while3A_31  : i32 {
      %mul3A_33 = arith.constant 32 : i32
      %mul3A_34 = arith.muli %while3A_32, %mul3A_33 : i32
      %add3A_35 = arith.addi %add3A, %mul3A_34 : i32
      %mul3A_36 = arith.constant 800 : i32
      %mul3A_37 = arith.muli %add3A_35, %mul3A_36 : i32
      "tpu.region"() ({
        %run_scoped3A = tpu.sem_alloc : memref<!tpu.dma_semaphore, #tpu.memory_space<semaphore_mem>>
        %dma_start3A = arith.constant 0 : i32
        %dma_start3A_43 = tpu.memref_slice %arg2[%mul3A_37, %dma_start3A] : memref<100000x20xf32, #tpu.memory_space<hbm>> -> memref<800x20xf32, #tpu.memory_space<hbm>>
        %dma_start3A_44 = arith.constant 0 : i32
        %dma_start3A_45 = tpu.memref_slice %arg2[%mul3A_37, %dma_start3A_44] : memref<100000x20xf32, #tpu.memory_space<hbm>> -> memref<800x20xf32, #tpu.memory_space<hbm>>
        tpu.enqueue_dma source(%dma_start3A_45 : memref<800x20xf32, #tpu.memory_space<hbm>>) target(%arg7 : memref<800x20xf32, #tpu.memory_space<vmem>>) target_semaphore(%run_scoped3A : memref<!tpu.dma_semaphore, #tpu.memory_space<semaphore_mem>>)
        %dma_wait3A = arith.constant 0 : i32
        %dma_wait3A_46 = tpu.memref_slice %arg2[%mul3A_37, %dma_wait3A] : memref<100000x20xf32, #tpu.memory_space<hbm>> -> memref<800x20xf32, #tpu.memory_space<hbm>>
        %dma_wait3A_47 = arith.constant 0 : i32
        %dma_wait3A_48 = tpu.memref_slice %arg2[%mul3A_37, %dma_wait3A_47] : memref<100000x20xf32, #tpu.memory_space<hbm>> -> memref<800x20xf32, #tpu.memory_space<hbm>>
        tpu.wait_dma2 semaphore(%run_scoped3A : memref<!tpu.dma_semaphore, #tpu.memory_space<semaphore_mem>>) src(%dma_wait3A_48 : memref<800x20xf32, #tpu.memory_space<hbm>>) dst(%arg7 : memref<800x20xf32, #tpu.memory_space<vmem>>)
        tpu.yield
      }) : () -> ()
      "tpu.region"() ({
        %run_scoped3A = tpu.sem_alloc : memref<!tpu.dma_semaphore, #tpu.memory_space<semaphore_mem>>
        %dma_start3A = tpu.memref_slice %arg3[%mul3A_37] : memref<100000xf32, #tpu.memory_space<hbm>> -> memref<800xf32, #tpu.memory_space<hbm>>
        %dma_start3A_43 = tpu.memref_slice %arg3[%mul3A_37] : memref<100000xf32, #tpu.memory_space<hbm>> -> memref<800xf32, #tpu.memory_space<hbm>>
        tpu.enqueue_dma source(%dma_start3A_43 : memref<800xf32, #tpu.memory_space<hbm>>) target(%arg8 : memref<800xf32, #tpu.memory_space<vmem>>) target_semaphore(%run_scoped3A : memref<!tpu.dma_semaphore, #tpu.memory_space<semaphore_mem>>)
        %dma_wait3A = tpu.memref_slice %arg3[%mul3A_37] : memref<100000xf32, #tpu.memory_space<hbm>> -> memref<800xf32, #tpu.memory_space<hbm>>
        %dma_wait3A_44 = tpu.memref_slice %arg3[%mul3A_37] : memref<100000xf32, #tpu.memory_space<hbm>> -> memref<800xf32, #tpu.memory_space<hbm>>
        tpu.wait_dma2 semaphore(%run_scoped3A : memref<!tpu.dma_semaphore, #tpu.memory_space<semaphore_mem>>) src(%dma_wait3A_44 : memref<800xf32, #tpu.memory_space<hbm>>) dst(%arg8 : memref<800xf32, #tpu.memory_space<vmem>>)
        tpu.yield
      }) : () -> ()
      "tpu.region"() ({
        %run_scoped3A = tpu.sem_alloc : memref<!tpu.dma_semaphore, #tpu.memory_space<semaphore_mem>>
        %dma_start3A = tpu.memref_slice %arg4[%mul3A_37] : memref<100000xf32, #tpu.memory_space<hbm>> -> memref<800xf32, #tpu.memory_space<hbm>>
        %dma_start3A_43 = tpu.memref_slice %arg4[%mul3A_37] : memref<100000xf32, #tpu.memory_space<hbm>> -> memref<800xf32, #tpu.memory_space<hbm>>
        tpu.enqueue_dma source(%dma_start3A_43 : memref<800xf32, #tpu.memory_space<hbm>>) target(%arg9 : memref<800xf32, #tpu.memory_space<vmem>>) target_semaphore(%run_scoped3A : memref<!tpu.dma_semaphore, #tpu.memory_space<semaphore_mem>>)
        %dma_wait3A = tpu.memref_slice %arg4[%mul3A_37] : memref<100000xf32, #tpu.memory_space<hbm>> -> memref<800xf32, #tpu.memory_space<hbm>>
        %dma_wait3A_44 = tpu.memref_slice %arg4[%mul3A_37] : memref<100000xf32, #tpu.memory_space<hbm>> -> memref<800xf32, #tpu.memory_space<hbm>>
        tpu.wait_dma2 semaphore(%run_scoped3A : memref<!tpu.dma_semaphore, #tpu.memory_space<semaphore_mem>>) src(%dma_wait3A_44 : memref<800xf32, #tpu.memory_space<hbm>>) dst(%arg9 : memref<800xf32, #tpu.memory_space<vmem>>)
        tpu.yield
      }) : () -> ()
      %scan3A = arith.constant 0 : i32
      %scan3A_38 = arith.constant 0 : i32
      %scan3A_39 = arith.constant 50 : i32
      %scan3A_40 = arith.addi %scan3A_38, %scan3A_39 : i32
      %scan3A_41 = arith.constant 1 : i32
      scf.for %scan3A_43 = %scan3A_38 to %scan3A_40 step %scan3A_41  : i32 {
        %mul3A_44 = arith.constant 16 : i32
        %mul3A_45 = arith.muli %scan3A_43, %mul3A_44 : i32
        %iota3A = tpu.iota {dimensions = array<i32: 0>} : vector<16xi32>
        %add3A_46 = vector.broadcast %mul3A_45 : i32 to vector<16xi32>
        %add3A_47 = arith.addi %add3A_46, %iota3A : vector<16xi32>
        %mul3A_48 = arith.constant 16 : i32
        %mul3A_49 = arith.muli %scan3A_43, %mul3A_48 : i32
        %get3A = arith.index_cast %mul3A_49 : i32 to index
        %get3A_50 = tpu.vector_load %arg8[%get3A] {strides = array<i32>} : memref<800xf32, #tpu.memory_space<vmem>>, vector<16xf32>,
        %convert_element_type3A = arith.fptosi %get3A_50 : vector<16xf32> to vector<16xi32>
        %sub3A_51 = arith.constant 8 : i32
        %sub3A_52 = vector.broadcast %sub3A_51 : i32 to vector<16xi32>
        %sub3A_53 = arith.subi %convert_element_type3A, %sub3A_52 : vector<16xi32>
        %ge3A = arith.constant 0 : i32
        %ge3A_54 = vector.broadcast %ge3A : i32 to vector<16xi32>
        %ge3A_55 = arith.cmpi sge, %sub3A_53, %ge3A_54 : vector<16xi32>
        %lt3A = arith.constant 8 : i32
        %lt3A_56 = vector.broadcast %lt3A : i32 to vector<16xi32>
        %lt3A_57 = arith.cmpi slt, %sub3A_53, %lt3A_56 : vector<16xi32>
        %and3A_58 = arith.andi %ge3A_55, %lt3A_57 : vector<16xi1>
        %jit3A_59 = arith.constant 0 : i32
        %broadcast_in_dim3A = vector.broadcast %jit3A_59 : i32 to vector<16xi32>
        %select_n3A_60 = arith.select %and3A_58, %sub3A_53, %broadcast_in_dim3A : vector<16xi1>, vector<16xi32>
        %broadcast_in_dim3A_61 = arith.constant 0 : i32
        %broadcast_in_dim3A_62 = vector.broadcast %broadcast_in_dim3A_61 : i32 to vector<16xi32>
        %gather3A = tpu.vector_load_idx %arg10[%select_n3A_60, %broadcast_in_dim3A_62] : memref<8x8xf32, #tpu.memory_space<vmem>>[vector<16xi32>, vector<16xi32>], vector<16xf32>,
        %mul3A_63 = arith.constant 16 : i32
        %mul3A_64 = arith.muli %scan3A_43, %mul3A_63 : i32
        %get3A_65 = arith.index_cast %mul3A_64 : i32 to index
        %get3A_66 = tpu.vector_load %arg9[%get3A_65] {strides = array<i32>} : memref<800xf32, #tpu.memory_space<vmem>>, vector<16xf32>,
        %gt3A = arith.cmpf ogt, %get3A_66, %gather3A : vector<16xf32>
        %and3A_67 = arith.andi %and3A_58, %gt3A : vector<16xi1>
        %broadcast_in_dim3A_68 = arith.constant 0.000000e+00 : f32
        %broadcast_in_dim3A_69 = vector.broadcast %broadcast_in_dim3A_68 : f32 to vector<16xf32>
        %add3A_70 = arith.constant 0 : i32
        %add3A_71 = vector.broadcast %add3A_70 : i32 to vector<16xi32>
        %add3A_72 = arith.addi %broadcast_in_dim3A_62, %add3A_71 : vector<16xi32>
        tpu.vector_store_idx %arg7[%add3A_47, %add3A_72], %broadcast_in_dim3A_69 masked %and3A_67 : memref<800x20xf32, #tpu.memory_space<vmem>>[vector<16xi32>, vector<16xi32>], vector<16xf32>, vector<16xi1>
        %broadcast_in_dim3A_73 = arith.constant 1.000000e+01 : f32
        %broadcast_in_dim3A_74 = vector.broadcast %broadcast_in_dim3A_73 : f32 to vector<16xf32>
        %add3A_75 = arith.constant 1 : i32
        %add3A_76 = vector.broadcast %add3A_75 : i32 to vector<16xi32>
        %add3A_77 = arith.addi %broadcast_in_dim3A_62, %add3A_76 : vector<16xi32>
        tpu.vector_store_idx %arg7[%add3A_47, %add3A_77], %broadcast_in_dim3A_74 masked %and3A_67 : memref<800x20xf32, #tpu.memory_space<vmem>>[vector<16xi32>, vector<16xi32>], vector<16xf32>, vector<16xi1>
        %broadcast_in_dim3A_78 = arith.constant 0.000000e+00 : f32
        %broadcast_in_dim3A_79 = vector.broadcast %broadcast_in_dim3A_78 : f32 to vector<16xf32>
        %add3A_80 = arith.constant 2 : i32
        %add3A_81 = vector.broadcast %add3A_80 : i32 to vector<16xi32>
        %add3A_82 = arith.addi %broadcast_in_dim3A_62, %add3A_81 : vector<16xi32>
        tpu.vector_store_idx %arg7[%add3A_47, %add3A_82], %broadcast_in_dim3A_79 masked %and3A_67 : memref<800x20xf32, #tpu.memory_space<vmem>>[vector<16xi32>, vector<16xi32>], vector<16xf32>, vector<16xi1>
        %broadcast_in_dim3A_83 = arith.constant 0.000000e+00 : f32
        %broadcast_in_dim3A_84 = vector.broadcast %broadcast_in_dim3A_83 : f32 to vector<16xf32>
        %add3A_85 = arith.constant 3 : i32
        %add3A_86 = vector.broadcast %add3A_85 : i32 to vector<16xi32>
        %add3A_87 = arith.addi %broadcast_in_dim3A_62, %add3A_86 : vector<16xi32>
        tpu.vector_store_idx %arg7[%add3A_47, %add3A_87], %broadcast_in_dim3A_84 masked %and3A_67 : memref<800x20xf32, #tpu.memory_space<vmem>>[vector<16xi32>, vector<16xi32>], vector<16xf32>, vector<16xi1>
        %broadcast_in_dim3A_88 = arith.constant 0.000000e+00 : f32
        %broadcast_in_dim3A_89 = vector.broadcast %broadcast_in_dim3A_88 : f32 to vector<16xf32>
        %add3A_90 = arith.constant 4 : i32
        %add3A_91 = vector.broadcast %add3A_90 : i32 to vector<16xi32>
        %add3A_92 = arith.addi %broadcast_in_dim3A_62, %add3A_91 : vector<16xi32>
        tpu.vector_store_idx %arg7[%add3A_47, %add3A_92], %broadcast_in_dim3A_89 masked %and3A_67 : memref<800x20xf32, #tpu.memory_space<vmem>>[vector<16xi32>, vector<16xi32>], vector<16xf32>, vector<16xi1>
        %broadcast_in_dim3A_93 = arith.constant 0.000000e+00 : f32
        %broadcast_in_dim3A_94 = vector.broadcast %broadcast_in_dim3A_93 : f32 to vector<16xf32>
        %add3A_95 = arith.constant 5 : i32
        %add3A_96 = vector.broadcast %add3A_95 : i32 to vector<16xi32>
        %add3A_97 = arith.addi %broadcast_in_dim3A_62, %add3A_96 : vector<16xi32>
        tpu.vector_store_idx %arg7[%add3A_47, %add3A_97], %broadcast_in_dim3A_94 masked %and3A_67 : memref<800x20xf32, #tpu.memory_space<vmem>>[vector<16xi32>, vector<16xi32>], vector<16xf32>, vector<16xi1>
        %broadcast_in_dim3A_98 = arith.constant 0.000000e+00 : f32
        %broadcast_in_dim3A_99 = vector.broadcast %broadcast_in_dim3A_98 : f32 to vector<16xf32>
        %add3A_100 = arith.constant 6 : i32
        %add3A_101 = vector.broadcast %add3A_100 : i32 to vector<16xi32>
        %add3A_102 = arith.addi %broadcast_in_dim3A_62, %add3A_101 : vector<16xi32>
        tpu.vector_store_idx %arg7[%add3A_47, %add3A_102], %broadcast_in_dim3A_99 masked %and3A_67 : memref<800x20xf32, #tpu.memory_space<vmem>>[vector<16xi32>, vector<16xi32>], vector<16xf32>, vector<16xi1>
        %broadcast_in_dim3A_103 = arith.constant 0.000000e+00 : f32
        %broadcast_in_dim3A_104 = vector.broadcast %broadcast_in_dim3A_103 : f32 to vector<16xf32>
        %add3A_105 = arith.constant 7 : i32
        %add3A_106 = vector.broadcast %add3A_105 : i32 to vector<16xi32>
        %add3A_107 = arith.addi %broadcast_in_dim3A_62, %add3A_106 : vector<16xi32>
        tpu.vector_store_idx %arg7[%add3A_47, %add3A_107], %broadcast_in_dim3A_104 masked %and3A_67 : memref<800x20xf32, #tpu.memory_space<vmem>>[vector<16xi32>, vector<16xi32>], vector<16xf32>, vector<16xi1>
        %broadcast_in_dim3A_108 = arith.constant 0.000000e+00 : f32
        %broadcast_in_dim3A_109 = vector.broadcast %broadcast_in_dim3A_108 : f32 to vector<16xf32>
        %add3A_110 = arith.constant 8 : i32
        %add3A_111 = vector.broadcast %add3A_110 : i32 to vector<16xi32>
        %add3A_112 = arith.addi %broadcast_in_dim3A_62, %add3A_111 : vector<16xi32>
        tpu.vector_store_idx %arg7[%add3A_47, %add3A_112], %broadcast_in_dim3A_109 masked %and3A_67 : memref<800x20xf32, #tpu.memory_space<vmem>>[vector<16xi32>, vector<16xi32>], vector<16xf32>, vector<16xi1>
        %broadcast_in_dim3A_113 = arith.constant 0.000000e+00 : f32
        %broadcast_in_dim3A_114 = vector.broadcast %broadcast_in_dim3A_113 : f32 to vector<16xf32>
        %add3A_115 = arith.constant 9 : i32
        %add3A_116 = vector.broadcast %add3A_115 : i32 to vector<16xi32>
        %add3A_117 = arith.addi %broadcast_in_dim3A_62, %add3A_116 : vector<16xi32>
        tpu.vector_store_idx %arg7[%add3A_47, %add3A_117], %broadcast_in_dim3A_114 masked %and3A_67 : memref<800x20xf32, #tpu.memory_space<vmem>>[vector<16xi32>, vector<16xi32>], vector<16xf32>, vector<16xi1>
        %broadcast_in_dim3A_118 = arith.constant 0.000000e+00 : f32
        %broadcast_in_dim3A_119 = vector.broadcast %broadcast_in_dim3A_118 : f32 to vector<16xf32>
        %add3A_120 = arith.constant 10 : i32
        %add3A_121 = vector.broadcast %add3A_120 : i32 to vector<16xi32>
        %add3A_122 = arith.addi %broadcast_in_dim3A_62, %add3A_121 : vector<16xi32>
        tpu.vector_store_idx %arg7[%add3A_47, %add3A_122], %broadcast_in_dim3A_119 masked %and3A_67 : memref<800x20xf32, #tpu.memory_space<vmem>>[vector<16xi32>, vector<16xi32>], vector<16xf32>, vector<16xi1>
        %broadcast_in_dim3A_123 = arith.constant 0.000000e+00 : f32
        %broadcast_in_dim3A_124 = vector.broadcast %broadcast_in_dim3A_123 : f32 to vector<16xf32>
        %add3A_125 = arith.constant 11 : i32
        %add3A_126 = vector.broadcast %add3A_125 : i32 to vector<16xi32>
        %add3A_127 = arith.addi %broadcast_in_dim3A_62, %add3A_126 : vector<16xi32>
        tpu.vector_store_idx %arg7[%add3A_47, %add3A_127], %broadcast_in_dim3A_124 masked %and3A_67 : memref<800x20xf32, #tpu.memory_space<vmem>>[vector<16xi32>, vector<16xi32>], vector<16xf32>, vector<16xi1>
        %broadcast_in_dim3A_128 = arith.constant 0.000000e+00 : f32
        %broadcast_in_dim3A_129 = vector.broadcast %broadcast_in_dim3A_128 : f32 to vector<16xf32>
        %add3A_130 = arith.constant 12 : i32
        %add3A_131 = vector.broadcast %add3A_130 : i32 to vector<16xi32>
        %add3A_132 = arith.addi %broadcast_in_dim3A_62, %add3A_131 : vector<16xi32>
        tpu.vector_store_idx %arg7[%add3A_47, %add3A_132], %broadcast_in_dim3A_129 masked %and3A_67 : memref<800x20xf32, #tpu.memory_space<vmem>>[vector<16xi32>, vector<16xi32>], vector<16xf32>, vector<16xi1>
        %broadcast_in_dim3A_133 = arith.constant 0.000000e+00 : f32
        %broadcast_in_dim3A_134 = vector.broadcast %broadcast_in_dim3A_133 : f32 to vector<16xf32>
        %add3A_135 = arith.constant 13 : i32
        %add3A_136 = vector.broadcast %add3A_135 : i32 to vector<16xi32>
        %add3A_137 = arith.addi %broadcast_in_dim3A_62, %add3A_136 : vector<16xi32>
        tpu.vector_store_idx %arg7[%add3A_47, %add3A_137], %broadcast_in_dim3A_134 masked %and3A_67 : memref<800x20xf32, #tpu.memory_space<vmem>>[vector<16xi32>, vector<16xi32>], vector<16xf32>, vector<16xi1>
        %broadcast_in_dim3A_138 = arith.constant 0.000000e+00 : f32
        %broadcast_in_dim3A_139 = vector.broadcast %broadcast_in_dim3A_138 : f32 to vector<16xf32>
        %add3A_140 = arith.constant 14 : i32
        %add3A_141 = vector.broadcast %add3A_140 : i32 to vector<16xi32>
        %add3A_142 = arith.addi %broadcast_in_dim3A_62, %add3A_141 : vector<16xi32>
        tpu.vector_store_idx %arg7[%add3A_47, %add3A_142], %broadcast_in_dim3A_139 masked %and3A_67 : memref<800x20xf32, #tpu.memory_space<vmem>>[vector<16xi32>, vector<16xi32>], vector<16xf32>, vector<16xi1>
        %broadcast_in_dim3A_143 = arith.constant 0.000000e+00 : f32
        %broadcast_in_dim3A_144 = vector.broadcast %broadcast_in_dim3A_143 : f32 to vector<16xf32>
        %add3A_145 = arith.constant 15 : i32
        %add3A_146 = vector.broadcast %add3A_145 : i32 to vector<16xi32>
        %add3A_147 = arith.addi %broadcast_in_dim3A_62, %add3A_146 : vector<16xi32>
        tpu.vector_store_idx %arg7[%add3A_47, %add3A_147], %broadcast_in_dim3A_144 masked %and3A_67 : memref<800x20xf32, #tpu.memory_space<vmem>>[vector<16xi32>, vector<16xi32>], vector<16xf32>, vector<16xi1>
        %broadcast_in_dim3A_148 = arith.constant 0.000000e+00 : f32
        %broadcast_in_dim3A_149 = vector.broadcast %broadcast_in_dim3A_148 : f32 to vector<16xf32>
        %add3A_150 = arith.constant 16 : i32
        %add3A_151 = vector.broadcast %add3A_150 : i32 to vector<16xi32>
        %add3A_152 = arith.addi %broadcast_in_dim3A_62, %add3A_151 : vector<16xi32>
        tpu.vector_store_idx %arg7[%add3A_47, %add3A_152], %broadcast_in_dim3A_149 masked %and3A_67 : memref<800x20xf32, #tpu.memory_space<vmem>>[vector<16xi32>, vector<16xi32>], vector<16xf32>, vector<16xi1>
        %broadcast_in_dim3A_153 = arith.constant 0.000000e+00 : f32
        %broadcast_in_dim3A_154 = vector.broadcast %broadcast_in_dim3A_153 : f32 to vector<16xf32>
        %add3A_155 = arith.constant 17 : i32
        %add3A_156 = vector.broadcast %add3A_155 : i32 to vector<16xi32>
        %add3A_157 = arith.addi %broadcast_in_dim3A_62, %add3A_156 : vector<16xi32>
        tpu.vector_store_idx %arg7[%add3A_47, %add3A_157], %broadcast_in_dim3A_154 masked %and3A_67 : memref<800x20xf32, #tpu.memory_space<vmem>>[vector<16xi32>, vector<16xi32>], vector<16xf32>, vector<16xi1>
        %broadcast_in_dim3A_158 = arith.constant 0.000000e+00 : f32
        %broadcast_in_dim3A_159 = vector.broadcast %broadcast_in_dim3A_158 : f32 to vector<16xf32>
        %add3A_160 = arith.constant 18 : i32
        %add3A_161 = vector.broadcast %add3A_160 : i32 to vector<16xi32>
        %add3A_162 = arith.addi %broadcast_in_dim3A_62, %add3A_161 : vector<16xi32>
        tpu.vector_store_idx %arg7[%add3A_47, %add3A_162], %broadcast_in_dim3A_159 masked %and3A_67 : memref<800x20xf32, #tpu.memory_space<vmem>>[vector<16xi32>, vector<16xi32>], vector<16xf32>, vector<16xi1>
        %broadcast_in_dim3A_163 = arith.constant 0.000000e+00 : f32
        %broadcast_in_dim3A_164 = vector.broadcast %broadcast_in_dim3A_163 : f32 to vector<16xf32>
        %add3A_165 = arith.constant 19 : i32
        %add3A_166 = vector.broadcast %add3A_165 : i32 to vector<16xi32>
        %add3A_167 = arith.addi %broadcast_in_dim3A_62, %add3A_166 : vector<16xi32>
        tpu.vector_store_idx %arg7[%add3A_47, %add3A_167], %broadcast_in_dim3A_164 masked %and3A_67 : memref<800x20xf32, #tpu.memory_space<vmem>>[vector<16xi32>, vector<16xi32>], vector<16xf32>, vector<16xi1>
      }
      %scan3A_42 = arith.constant 50 : i32
      "tpu.region"() ({
        %run_scoped3A = tpu.sem_alloc : memref<!tpu.dma_semaphore, #tpu.memory_space<semaphore_mem>>
        %dma_start3A = arith.constant 0 : i32
        %dma_start3A_43 = tpu.memref_slice %arg6[%mul3A_37, %dma_start3A] : memref<100000x20xf32, #tpu.memory_space<hbm>> -> memref<800x20xf32, #tpu.memory_space<hbm>>
        %dma_start3A_44 = arith.constant 0 : i32
        %dma_start3A_45 = tpu.memref_slice %arg6[%mul3A_37, %dma_start3A_44] : memref<100000x20xf32, #tpu.memory_space<hbm>> -> memref<800x20xf32, #tpu.memory_space<hbm>>
        tpu.enqueue_dma source(%arg7 : memref<800x20xf32, #tpu.memory_space<vmem>>) target(%dma_start3A_45 : memref<800x20xf32, #tpu.memory_space<hbm>>) target_semaphore(%run_scoped3A : memref<!tpu.dma_semaphore, #tpu.memory_space<semaphore_mem>>)
        %dma_wait3A = arith.constant 0 : i32
        %dma_wait3A_46 = tpu.memref_slice %arg6[%mul3A_37, %dma_wait3A] : memref<100000x20xf32, #tpu.memory_space<hbm>> -> memref<800x20xf32, #tpu.memory_space<hbm>>
        %dma_wait3A_47 = arith.constant 0 : i32
        %dma_wait3A_48 = tpu.memref_slice %arg6[%mul3A_37, %dma_wait3A_47] : memref<100000x20xf32, #tpu.memory_space<hbm>> -> memref<800x20xf32, #tpu.memory_space<hbm>>
        tpu.wait_dma2 semaphore(%run_scoped3A : memref<!tpu.dma_semaphore, #tpu.memory_space<semaphore_mem>>) src(%arg7 : memref<800x20xf32, #tpu.memory_space<vmem>>) dst(%dma_wait3A_48 : memref<800x20xf32, #tpu.memory_space<hbm>>)
        tpu.yield
      }) : () -> ()
    }
    return
  }
}

module attributes {stable_mosaic.version = 14 : i64} {
  func.func @_logits_kernel(%arg0: i32, %arg1: memref<2000x512xf32, #tpu.memory_space<vmem>>, %arg2: memref<2000x3xf32, #tpu.memory_space<vmem>>, %arg3: memref<512x20xf32, #tpu.memory_space<vmem>>, %arg4: memref<1x20xf32, #tpu.memory_space<vmem>>, %arg5: memref<2000x20xf32, #tpu.memory_space<vmem>>, %arg6: memref<1x1x2000xf32, #tpu.memory_space<vmem>>, %arg7: memref<1x4x8xf32, #tpu.memory_space<vmem>>) attributes {dimension_semantics = [#tpu.dimension_semantics<parallel>], iteration_bounds = array<i64: 50>, scalar_prefetch = 0 : i64, scratch_operands = 0 : i64, tpu.core_type = #tpu.core_type<tc>, window_params = [{transform_indices = @transform_0, window_bounds = array<i64: 2000, 512>}, {transform_indices = @transform_1, window_bounds = array<i64: 2000, 3>}, {pipeline_mode = #tpu.pipeline_mode<synchronous>, transform_indices = @transform_2, window_bounds = array<i64: 512, 20>}, {pipeline_mode = #tpu.pipeline_mode<synchronous>, transform_indices = @transform_3, window_bounds = array<i64: 1, 20>}, {transform_indices = @transform_4, window_bounds = array<i64: 2000, 20>}, {transform_indices = @transform_5, window_bounds = array<i64: 1, 1, 2000>}, {transform_indices = @transform_6, window_bounds = array<i64: 1, 4, 8>}]} {
    %get3A = arith.constant 0 : index
    %get3A_0 = arith.constant 0 : index
    %get3A_1 = vector.load %arg1[%get3A, %get3A_0] : memref<2000x512xf32, #tpu.memory_space<vmem>>, vector<2000x512xf32>
    %get3A_2 = arith.constant 0 : index
    %get3A_3 = arith.constant 0 : index
    %get3A_4 = vector.load %arg3[%get3A_2, %get3A_3] : memref<512x20xf32, #tpu.memory_space<vmem>>, vector<512x20xf32>
    %dot_general3A = arith.constant dense<0.000000e+00> : vector<2000x20xf32>
    %dot_general3A_5 = tpu.matmul %get3A_1, %get3A_4, %dot_general3A {dimension_numbers = #tpu.dot_dimension_numbers<[1], [0], [0], [1], [0, 0, 1, 1], [], []>, transpose_lhs_hint = false} : vector<2000x512xf32>, vector<512x20xf32>, vector<2000x20xf32> -> vector<2000x20xf32>
    %get3A_6 = arith.constant 0 : index
    %get3A_7 = arith.constant 0 : index
    %get3A_8 = vector.load %arg4[%get3A_6, %get3A_7] : memref<1x20xf32, #tpu.memory_space<vmem>>, vector<1x20xf32>
    %add3A = vector.broadcast %get3A_8 : vector<1x20xf32> to vector<2000x20xf32>
    %add3A_9 = arith.addf %dot_general3A_5, %add3A : vector<2000x20xf32>
    %swap3A = arith.constant 0 : index
    %swap3A_10 = arith.constant 0 : index
    %swap3A_11 = vector.load %arg5[%swap3A, %swap3A_10] : memref<2000x20xf32, #tpu.memory_space<vmem>>, vector<2000x20xf32>
    tpu.vector_store %arg5[%swap3A, %swap3A_10], %add3A_9 {strides = array<i32>} : memref<2000x20xf32, #tpu.memory_space<vmem>>, vector<2000x20xf32>,
    %reduce_max3A = arith.constant dense<0xFF800000> : vector<2000xf32>
    %reduce_max3A_12 = vector.multi_reduction <maximumf>, %add3A_9, %reduce_max3A [1] : vector<2000x20xf32> to vector<2000xf32>
    %broadcast_in_dim3A = vector.shape_cast %reduce_max3A_12 : vector<2000xf32> to vector<2000x1xf32>
    %iota3A = tpu.iota {dimensions = array<i32: 1>} : vector<2000x20xi32>
    %eq3A = vector.broadcast %broadcast_in_dim3A : vector<2000x1xf32> to vector<2000x20xf32>
    %eq3A_13 = arith.cmpf oeq, %add3A_9, %eq3A : vector<2000x20xf32>
    %jit3A = arith.constant 20 : i32
    %broadcast_in_dim3A_14 = vector.broadcast %jit3A : i32 to vector<2000x20xi32>
    %select_n3A = arith.select %eq3A_13, %iota3A, %broadcast_in_dim3A_14 : vector<2000x20xi1>, vector<2000x20xi32>
    %reduce_min3A = arith.constant dense<2147483647> : vector<2000xi32>
    %reduce_min3A_15 = vector.multi_reduction <minsi>, %select_n3A, %reduce_min3A [1] : vector<2000x20xi32> to vector<2000xi32>
    %broadcast_in_dim3A_16 = vector.shape_cast %reduce_min3A_15 : vector<2000xi32> to vector<2000x1xi32>
    %convert_element_type3A = arith.sitofp %broadcast_in_dim3A_16 : vector<2000x1xi32> to vector<2000x1xf32>
    %transpose3A = tpu.transpose %convert_element_type3A, [1, 0] : vector<2000x1xf32> -> vector<1x2000xf32>
    %swap3A_17 = arith.constant 0 : index
    %swap3A_18 = arith.constant 0 : index
    %swap3A_19 = arith.constant 0 : index
    %swap3A_20 = vector.load %arg6[%swap3A_17, %swap3A_18, %swap3A_19] : memref<1x1x2000xf32, #tpu.memory_space<vmem>>, vector<1x1x2000xf32>
    %swap3A_21 = vector.shape_cast %swap3A_20 : vector<1x1x2000xf32> to vector<1x2000xf32>
    %swap3A_22 = vector.shape_cast %transpose3A : vector<1x2000xf32> to vector<1x1x2000xf32>
    tpu.vector_store %arg6[%swap3A_17, %swap3A_18, %swap3A_19], %swap3A_22 {strides = array<i32>} : memref<1x1x2000xf32, #tpu.memory_space<vmem>>, vector<1x1x2000xf32>,
    %iota3A_23 = tpu.iota {dimensions = array<i32: 1>} : vector<2000x8xi32>
    %add3A_24 = arith.constant 8 : i32
    %add3A_25 = vector.broadcast %add3A_24 : i32 to vector<2000x8xi32>
    %add3A_26 = arith.addi %iota3A_23, %add3A_25 : vector<2000x8xi32>
    %eq3A_27 = vector.broadcast %broadcast_in_dim3A_16 : vector<2000x1xi32> to vector<2000x8xi32>
    %eq3A_28 = arith.cmpi eq, %eq3A_27, %add3A_26 : vector<2000x8xi32>
    %convert_element_type3A_29 = arith.extui %eq3A_28 : vector<2000x8xi1> to vector<2000x8xi32>
    %convert_element_type3A_30 = arith.sitofp %convert_element_type3A_29 : vector<2000x8xi32> to vector<2000x8xf32>
    %get3A_31 = arith.constant 0 : index
    %get3A_32 = arith.constant 0 : index
    %get3A_33 = vector.load %arg2[%get3A_31, %get3A_32] : memref<2000x3xf32, #tpu.memory_space<vmem>>, vector<2000x3xf32>
    %broadcast_in_dim3A_34 = arith.constant 1.000000e+00 : f32
    %broadcast_in_dim3A_35 = vector.broadcast %broadcast_in_dim3A_34 : f32 to vector<2000x1xf32>
    %concatenate3A = tpu.concatenate %get3A_33, %broadcast_in_dim3A_35 in 1 : vector<2000x3xf32>, vector<2000x1xf32> -> vector<2000x4xf32>
    %dot_general3A_36 = arith.constant dense<0.000000e+00> : vector<4x8xf32>
    %dot_general3A_37 = tpu.matmul %concatenate3A, %convert_element_type3A_30, %dot_general3A_36 {dimension_numbers = #tpu.dot_dimension_numbers<[0], [0], [1], [1], [0, 1, 1, 1], [], []>, transpose_lhs_hint = false} : vector<2000x4xf32>, vector<2000x8xf32>, vector<4x8xf32> -> vector<4x8xf32>
    %swap3A_38 = arith.constant 0 : index
    %swap3A_39 = arith.constant 0 : index
    %swap3A_40 = arith.constant 0 : index
    %swap3A_41 = vector.load %arg7[%swap3A_38, %swap3A_39, %swap3A_40] : memref<1x4x8xf32, #tpu.memory_space<vmem>>, vector<1x4x8xf32>
    %swap3A_42 = vector.shape_cast %swap3A_41 : vector<1x4x8xf32> to vector<4x8xf32>
    %swap3A_43 = vector.shape_cast %dot_general3A_37 : vector<4x8xf32> to vector<1x4x8xf32>
    tpu.vector_store %arg7[%swap3A_38, %swap3A_39, %swap3A_40], %swap3A_43 {strides = array<i32>} : memref<1x4x8xf32, #tpu.memory_space<vmem>>, vector<1x4x8xf32>,
    return
  }
  func.func @transform_0(%arg0: i32) -> (i32, i32) {
    %c0_i32 = arith.constant 0 : i32
    %c0_i32_0 = arith.constant 0 : i32
    return %arg0, %c0_i32 : i32, i32
  }
  func.func @transform_1(%arg0: i32) -> (i32, i32) {
    %c0_i32 = arith.constant 0 : i32
    %c0_i32_0 = arith.constant 0 : i32
    return %arg0, %c0_i32 : i32, i32
  }
  func.func @transform_2(%arg0: i32) -> (i32, i32) {
    %c0_i32 = arith.constant 0 : i32
    %c0_i32_0 = arith.constant 0 : i32
    %c0_i32_1 = arith.constant 0 : i32
    return %c0_i32, %c0_i32_0 : i32, i32
  }
  func.func @transform_3(%arg0: i32) -> (i32, i32) {
    %c0_i32 = arith.constant 0 : i32
    %c0_i32_0 = arith.constant 0 : i32
    %c0_i32_1 = arith.constant 0 : i32
    return %c0_i32, %c0_i32_0 : i32, i32
  }
  func.func @transform_4(%arg0: i32) -> (i32, i32) {
    %c0_i32 = arith.constant 0 : i32
    %c0_i32_0 = arith.constant 0 : i32
    return %arg0, %c0_i32 : i32, i32
  }
  func.func @transform_5(%arg0: i32) -> (i32, i32, i32) {
    %c0_i32 = arith.constant 0 : i32
    %c0_i32_0 = arith.constant 0 : i32
    %c0_i32_1 = arith.constant 0 : i32
    return %arg0, %c0_i32, %c0_i32_0 : i32, i32, i32
  }
  func.func @transform_6(%arg0: i32) -> (i32, i32, i32) {
    %c0_i32 = arith.constant 0 : i32
    %c0_i32_0 = arith.constant 0 : i32
    %c0_i32_1 = arith.constant 0 : i32
    return %arg0, %c0_i32, %c0_i32_0 : i32, i32, i32
  }
}

module attributes {stable_mosaic.version = 14 : i64} {
  func.func @_topk_kernel(%arg0: i32, %arg1: memref<1x3x4000xf32, #tpu.memory_space<vmem>>, %arg2: memref<50x4x8xf32, #tpu.memory_space<vmem>>, %arg3: memref<1x1x4000xf32, #tpu.memory_space<vmem>>, %arg4: memref<1x1x4000xf32, #tpu.memory_space<vmem>>, %arg5: memref<8x8xf32, #tpu.memory_space<vmem>>, %arg6: memref<200x25xf32, #tpu.memory_space<vmem>>, %arg7: memref<200x25xf32, #tpu.memory_space<vmem>>, %arg8: memref<8x8xf32, #tpu.memory_space<vmem>>) attributes {dimension_semantics = [#tpu.dimension_semantics<arbitrary>], iteration_bounds = array<i64: 25>, scalar_prefetch = 0 : i64, scratch_operands = 3 : i64, tpu.core_type = #tpu.core_type<tc>, window_params = [{transform_indices = @transform_0, window_bounds = array<i64: 1, 3, 4000>}, {pipeline_mode = #tpu.pipeline_mode<synchronous>, transform_indices = @transform_1, window_bounds = array<i64: 50, 4, 8>}, {transform_indices = @transform_2, window_bounds = array<i64: 1, 1, 4000>}, {transform_indices = @transform_3, window_bounds = array<i64: 1, 1, 4000>}, {pipeline_mode = #tpu.pipeline_mode<synchronous>, transform_indices = @transform_4, window_bounds = array<i64: 8, 8>}]} {
    %eq3A = arith.constant 0 : i32
    %eq3A_0 = arith.cmpi eq, %arg0, %eq3A : i32
    %convert_element_type3A = arith.extui %eq3A_0 : i1 to i32
    %cond3A = arith.constant 0 : i32
    %cond3A_1 = arith.cmpi ne, %convert_element_type3A, %cond3A : i32
    scf.if %cond3A_1 {
      %get3A_631 = arith.constant 0 : index
      %get3A_632 = arith.constant 0 : index
      %get3A_633 = arith.constant 0 : index
      %get3A_634 = vector.load %arg2[%get3A_631, %get3A_632, %get3A_633] : memref<50x4x8xf32, #tpu.memory_space<vmem>>, vector<1x4x8xf32>
      %get3A_635 = vector.shape_cast %get3A_634 : vector<1x4x8xf32> to vector<4x8xf32>
      %get3A_636 = arith.constant 1 : index
      %get3A_637 = arith.constant 0 : index
      %get3A_638 = arith.constant 0 : index
      %get3A_639 = vector.load %arg2[%get3A_636, %get3A_637, %get3A_638] : memref<50x4x8xf32, #tpu.memory_space<vmem>>, vector<1x4x8xf32>
      %get3A_640 = vector.shape_cast %get3A_639 : vector<1x4x8xf32> to vector<4x8xf32>
      %add3A_641 = arith.addf %get3A_635, %get3A_640 : vector<4x8xf32>
      %get3A_642 = arith.constant 2 : index
      %get3A_643 = arith.constant 0 : index
      %get3A_644 = arith.constant 0 : index
      %get3A_645 = vector.load %arg2[%get3A_642, %get3A_643, %get3A_644] : memref<50x4x8xf32, #tpu.memory_space<vmem>>, vector<1x4x8xf32>
      %get3A_646 = vector.shape_cast %get3A_645 : vector<1x4x8xf32> to vector<4x8xf32>
      %add3A_647 = arith.addf %add3A_641, %get3A_646 : vector<4x8xf32>
      %get3A_648 = arith.constant 3 : index
      %get3A_649 = arith.constant 0 : index
      %get3A_650 = arith.constant 0 : index
      %get3A_651 = vector.load %arg2[%get3A_648, %get3A_649, %get3A_650] : memref<50x4x8xf32, #tpu.memory_space<vmem>>, vector<1x4x8xf32>
      %get3A_652 = vector.shape_cast %get3A_651 : vector<1x4x8xf32> to vector<4x8xf32>
      %add3A_653 = arith.addf %add3A_647, %get3A_652 : vector<4x8xf32>
      %get3A_654 = arith.constant 4 : index
      %get3A_655 = arith.constant 0 : index
      %get3A_656 = arith.constant 0 : index
      %get3A_657 = vector.load %arg2[%get3A_654, %get3A_655, %get3A_656] : memref<50x4x8xf32, #tpu.memory_space<vmem>>, vector<1x4x8xf32>
      %get3A_658 = vector.shape_cast %get3A_657 : vector<1x4x8xf32> to vector<4x8xf32>
      %add3A_659 = arith.addf %add3A_653, %get3A_658 : vector<4x8xf32>
      %get3A_660 = arith.constant 5 : index
      %get3A_661 = arith.constant 0 : index
      %get3A_662 = arith.constant 0 : index
      %get3A_663 = vector.load %arg2[%get3A_660, %get3A_661, %get3A_662] : memref<50x4x8xf32, #tpu.memory_space<vmem>>, vector<1x4x8xf32>
      %get3A_664 = vector.shape_cast %get3A_663 : vector<1x4x8xf32> to vector<4x8xf32>
      %add3A_665 = arith.addf %add3A_659, %get3A_664 : vector<4x8xf32>
      %get3A_666 = arith.constant 6 : index
      %get3A_667 = arith.constant 0 : index
      %get3A_668 = arith.constant 0 : index
      %get3A_669 = vector.load %arg2[%get3A_666, %get3A_667, %get3A_668] : memref<50x4x8xf32, #tpu.memory_space<vmem>>, vector<1x4x8xf32>
      %get3A_670 = vector.shape_cast %get3A_669 : vector<1x4x8xf32> to vector<4x8xf32>
      %add3A_671 = arith.addf %add3A_665, %get3A_670 : vector<4x8xf32>
      %get3A_672 = arith.constant 7 : index
      %get3A_673 = arith.constant 0 : index
      %get3A_674 = arith.constant 0 : index
      %get3A_675 = vector.load %arg2[%get3A_672, %get3A_673, %get3A_674] : memref<50x4x8xf32, #tpu.memory_space<vmem>>, vector<1x4x8xf32>
      %get3A_676 = vector.shape_cast %get3A_675 : vector<1x4x8xf32> to vector<4x8xf32>
      %add3A_677 = arith.addf %add3A_671, %get3A_676 : vector<4x8xf32>
      %get3A_678 = arith.constant 8 : index
      %get3A_679 = arith.constant 0 : index
      %get3A_680 = arith.constant 0 : index
      %get3A_681 = vector.load %arg2[%get3A_678, %get3A_679, %get3A_680] : memref<50x4x8xf32, #tpu.memory_space<vmem>>, vector<1x4x8xf32>
      %get3A_682 = vector.shape_cast %get3A_681 : vector<1x4x8xf32> to vector<4x8xf32>
      %add3A_683 = arith.addf %add3A_677, %get3A_682 : vector<4x8xf32>
      %get3A_684 = arith.constant 9 : index
      %get3A_685 = arith.constant 0 : index
      %get3A_686 = arith.constant 0 : index
      %get3A_687 = vector.load %arg2[%get3A_684, %get3A_685, %get3A_686] : memref<50x4x8xf32, #tpu.memory_space<vmem>>, vector<1x4x8xf32>
      %get3A_688 = vector.shape_cast %get3A_687 : vector<1x4x8xf32> to vector<4x8xf32>
      %add3A_689 = arith.addf %add3A_683, %get3A_688 : vector<4x8xf32>
      %get3A_690 = arith.constant 10 : index
      %get3A_691 = arith.constant 0 : index
      %get3A_692 = arith.constant 0 : index
      %get3A_693 = vector.load %arg2[%get3A_690, %get3A_691, %get3A_692] : memref<50x4x8xf32, #tpu.memory_space<vmem>>, vector<1x4x8xf32>
      %get3A_694 = vector.shape_cast %get3A_693 : vector<1x4x8xf32> to vector<4x8xf32>
      %add3A_695 = arith.addf %add3A_689, %get3A_694 : vector<4x8xf32>
      %get3A_696 = arith.constant 11 : index
      %get3A_697 = arith.constant 0 : index
      %get3A_698 = arith.constant 0 : index
      %get3A_699 = vector.load %arg2[%get3A_696, %get3A_697, %get3A_698] : memref<50x4x8xf32, #tpu.memory_space<vmem>>, vector<1x4x8xf32>
      %get3A_700 = vector.shape_cast %get3A_699 : vector<1x4x8xf32> to vector<4x8xf32>
      %add3A_701 = arith.addf %add3A_695, %get3A_700 : vector<4x8xf32>
      %get3A_702 = arith.constant 12 : index
      %get3A_703 = arith.constant 0 : index
      %get3A_704 = arith.constant 0 : index
      %get3A_705 = vector.load %arg2[%get3A_702, %get3A_703, %get3A_704] : memref<50x4x8xf32, #tpu.memory_space<vmem>>, vector<1x4x8xf32>
      %get3A_706 = vector.shape_cast %get3A_705 : vector<1x4x8xf32> to vector<4x8xf32>
      %add3A_707 = arith.addf %add3A_701, %get3A_706 : vector<4x8xf32>
      %get3A_708 = arith.constant 13 : index
      %get3A_709 = arith.constant 0 : index
      %get3A_710 = arith.constant 0 : index
      %get3A_711 = vector.load %arg2[%get3A_708, %get3A_709, %get3A_710] : memref<50x4x8xf32, #tpu.memory_space<vmem>>, vector<1x4x8xf32>
      %get3A_712 = vector.shape_cast %get3A_711 : vector<1x4x8xf32> to vector<4x8xf32>
      %add3A_713 = arith.addf %add3A_707, %get3A_712 : vector<4x8xf32>
      %get3A_714 = arith.constant 14 : index
      %get3A_715 = arith.constant 0 : index
      %get3A_716 = arith.constant 0 : index
      %get3A_717 = vector.load %arg2[%get3A_714, %get3A_715, %get3A_716] : memref<50x4x8xf32, #tpu.memory_space<vmem>>, vector<1x4x8xf32>
      %get3A_718 = vector.shape_cast %get3A_717 : vector<1x4x8xf32> to vector<4x8xf32>
      %add3A_719 = arith.addf %add3A_713, %get3A_718 : vector<4x8xf32>
      %get3A_720 = arith.constant 15 : index
      %get3A_721 = arith.constant 0 : index
      %get3A_722 = arith.constant 0 : index
      %get3A_723 = vector.load %arg2[%get3A_720, %get3A_721, %get3A_722] : memref<50x4x8xf32, #tpu.memory_space<vmem>>, vector<1x4x8xf32>
      %get3A_724 = vector.shape_cast %get3A_723 : vector<1x4x8xf32> to vector<4x8xf32>
      %add3A_725 = arith.addf %add3A_719, %get3A_724 : vector<4x8xf32>
      %get3A_726 = arith.constant 16 : index
      %get3A_727 = arith.constant 0 : index
      %get3A_728 = arith.constant 0 : index
      %get3A_729 = vector.load %arg2[%get3A_726, %get3A_727, %get3A_728] : memref<50x4x8xf32, #tpu.memory_space<vmem>>, vector<1x4x8xf32>
      %get3A_730 = vector.shape_cast %get3A_729 : vector<1x4x8xf32> to vector<4x8xf32>
      %add3A_731 = arith.addf %add3A_725, %get3A_730 : vector<4x8xf32>
      %get3A_732 = arith.constant 17 : index
      %get3A_733 = arith.constant 0 : index
      %get3A_734 = arith.constant 0 : index
      %get3A_735 = vector.load %arg2[%get3A_732, %get3A_733, %get3A_734] : memref<50x4x8xf32, #tpu.memory_space<vmem>>, vector<1x4x8xf32>
      %get3A_736 = vector.shape_cast %get3A_735 : vector<1x4x8xf32> to vector<4x8xf32>
      %add3A_737 = arith.addf %add3A_731, %get3A_736 : vector<4x8xf32>
      %get3A_738 = arith.constant 18 : index
      %get3A_739 = arith.constant 0 : index
      %get3A_740 = arith.constant 0 : index
      %get3A_741 = vector.load %arg2[%get3A_738, %get3A_739, %get3A_740] : memref<50x4x8xf32, #tpu.memory_space<vmem>>, vector<1x4x8xf32>
      %get3A_742 = vector.shape_cast %get3A_741 : vector<1x4x8xf32> to vector<4x8xf32>
      %add3A_743 = arith.addf %add3A_737, %get3A_742 : vector<4x8xf32>
      %get3A_744 = arith.constant 19 : index
      %get3A_745 = arith.constant 0 : index
      %get3A_746 = arith.constant 0 : index
      %get3A_747 = vector.load %arg2[%get3A_744, %get3A_745, %get3A_746] : memref<50x4x8xf32, #tpu.memory_space<vmem>>, vector<1x4x8xf32>
      %get3A_748 = vector.shape_cast %get3A_747 : vector<1x4x8xf32> to vector<4x8xf32>
      %add3A_749 = arith.addf %add3A_743, %get3A_748 : vector<4x8xf32>
      %get3A_750 = arith.constant 20 : index
      %get3A_751 = arith.constant 0 : index
      %get3A_752 = arith.constant 0 : index
      %get3A_753 = vector.load %arg2[%get3A_750, %get3A_751, %get3A_752] : memref<50x4x8xf32, #tpu.memory_space<vmem>>, vector<1x4x8xf32>
      %get3A_754 = vector.shape_cast %get3A_753 : vector<1x4x8xf32> to vector<4x8xf32>
      %add3A_755 = arith.addf %add3A_749, %get3A_754 : vector<4x8xf32>
      %get3A_756 = arith.constant 21 : index
      %get3A_757 = arith.constant 0 : index
      %get3A_758 = arith.constant 0 : index
      %get3A_759 = vector.load %arg2[%get3A_756, %get3A_757, %get3A_758] : memref<50x4x8xf32, #tpu.memory_space<vmem>>, vector<1x4x8xf32>
      %get3A_760 = vector.shape_cast %get3A_759 : vector<1x4x8xf32> to vector<4x8xf32>
      %add3A_761 = arith.addf %add3A_755, %get3A_760 : vector<4x8xf32>
      %get3A_762 = arith.constant 22 : index
      %get3A_763 = arith.constant 0 : index
      %get3A_764 = arith.constant 0 : index
      %get3A_765 = vector.load %arg2[%get3A_762, %get3A_763, %get3A_764] : memref<50x4x8xf32, #tpu.memory_space<vmem>>, vector<1x4x8xf32>
      %get3A_766 = vector.shape_cast %get3A_765 : vector<1x4x8xf32> to vector<4x8xf32>
      %add3A_767 = arith.addf %add3A_761, %get3A_766 : vector<4x8xf32>
      %get3A_768 = arith.constant 23 : index
      %get3A_769 = arith.constant 0 : index
      %get3A_770 = arith.constant 0 : index
      %get3A_771 = vector.load %arg2[%get3A_768, %get3A_769, %get3A_770] : memref<50x4x8xf32, #tpu.memory_space<vmem>>, vector<1x4x8xf32>
      %get3A_772 = vector.shape_cast %get3A_771 : vector<1x4x8xf32> to vector<4x8xf32>
      %add3A_773 = arith.addf %add3A_767, %get3A_772 : vector<4x8xf32>
      %get3A_774 = arith.constant 24 : index
      %get3A_775 = arith.constant 0 : index
      %get3A_776 = arith.constant 0 : index
      %get3A_777 = vector.load %arg2[%get3A_774, %get3A_775, %get3A_776] : memref<50x4x8xf32, #tpu.memory_space<vmem>>, vector<1x4x8xf32>
      %get3A_778 = vector.shape_cast %get3A_777 : vector<1x4x8xf32> to vector<4x8xf32>
      %add3A_779 = arith.addf %add3A_773, %get3A_778 : vector<4x8xf32>
      %get3A_780 = arith.constant 25 : index
      %get3A_781 = arith.constant 0 : index
      %get3A_782 = arith.constant 0 : index
      %get3A_783 = vector.load %arg2[%get3A_780, %get3A_781, %get3A_782] : memref<50x4x8xf32, #tpu.memory_space<vmem>>, vector<1x4x8xf32>
      %get3A_784 = vector.shape_cast %get3A_783 : vector<1x4x8xf32> to vector<4x8xf32>
      %add3A_785 = arith.addf %add3A_779, %get3A_784 : vector<4x8xf32>
      %get3A_786 = arith.constant 26 : index
      %get3A_787 = arith.constant 0 : index
      %get3A_788 = arith.constant 0 : index
      %get3A_789 = vector.load %arg2[%get3A_786, %get3A_787, %get3A_788] : memref<50x4x8xf32, #tpu.memory_space<vmem>>, vector<1x4x8xf32>
      %get3A_790 = vector.shape_cast %get3A_789 : vector<1x4x8xf32> to vector<4x8xf32>
      %add3A_791 = arith.addf %add3A_785, %get3A_790 : vector<4x8xf32>
      %get3A_792 = arith.constant 27 : index
      %get3A_793 = arith.constant 0 : index
      %get3A_794 = arith.constant 0 : index
      %get3A_795 = vector.load %arg2[%get3A_792, %get3A_793, %get3A_794] : memref<50x4x8xf32, #tpu.memory_space<vmem>>, vector<1x4x8xf32>
      %get3A_796 = vector.shape_cast %get3A_795 : vector<1x4x8xf32> to vector<4x8xf32>
      %add3A_797 = arith.addf %add3A_791, %get3A_796 : vector<4x8xf32>
      %get3A_798 = arith.constant 28 : index
      %get3A_799 = arith.constant 0 : index
      %get3A_800 = arith.constant 0 : index
      %get3A_801 = vector.load %arg2[%get3A_798, %get3A_799, %get3A_800] : memref<50x4x8xf32, #tpu.memory_space<vmem>>, vector<1x4x8xf32>
      %get3A_802 = vector.shape_cast %get3A_801 : vector<1x4x8xf32> to vector<4x8xf32>
      %add3A_803 = arith.addf %add3A_797, %get3A_802 : vector<4x8xf32>
      %get3A_804 = arith.constant 29 : index
      %get3A_805 = arith.constant 0 : index
      %get3A_806 = arith.constant 0 : index
      %get3A_807 = vector.load %arg2[%get3A_804, %get3A_805, %get3A_806] : memref<50x4x8xf32, #tpu.memory_space<vmem>>, vector<1x4x8xf32>
      %get3A_808 = vector.shape_cast %get3A_807 : vector<1x4x8xf32> to vector<4x8xf32>
      %add3A_809 = arith.addf %add3A_803, %get3A_808 : vector<4x8xf32>
      %get3A_810 = arith.constant 30 : index
      %get3A_811 = arith.constant 0 : index
      %get3A_812 = arith.constant 0 : index
      %get3A_813 = vector.load %arg2[%get3A_810, %get3A_811, %get3A_812] : memref<50x4x8xf32, #tpu.memory_space<vmem>>, vector<1x4x8xf32>
      %get3A_814 = vector.shape_cast %get3A_813 : vector<1x4x8xf32> to vector<4x8xf32>
      %add3A_815 = arith.addf %add3A_809, %get3A_814 : vector<4x8xf32>
      %get3A_816 = arith.constant 31 : index
      %get3A_817 = arith.constant 0 : index
      %get3A_818 = arith.constant 0 : index
      %get3A_819 = vector.load %arg2[%get3A_816, %get3A_817, %get3A_818] : memref<50x4x8xf32, #tpu.memory_space<vmem>>, vector<1x4x8xf32>
      %get3A_820 = vector.shape_cast %get3A_819 : vector<1x4x8xf32> to vector<4x8xf32>
      %add3A_821 = arith.addf %add3A_815, %get3A_820 : vector<4x8xf32>
      %get3A_822 = arith.constant 32 : index
      %get3A_823 = arith.constant 0 : index
      %get3A_824 = arith.constant 0 : index
      %get3A_825 = vector.load %arg2[%get3A_822, %get3A_823, %get3A_824] : memref<50x4x8xf32, #tpu.memory_space<vmem>>, vector<1x4x8xf32>
      %get3A_826 = vector.shape_cast %get3A_825 : vector<1x4x8xf32> to vector<4x8xf32>
      %add3A_827 = arith.addf %add3A_821, %get3A_826 : vector<4x8xf32>
      %get3A_828 = arith.constant 33 : index
      %get3A_829 = arith.constant 0 : index
      %get3A_830 = arith.constant 0 : index
      %get3A_831 = vector.load %arg2[%get3A_828, %get3A_829, %get3A_830] : memref<50x4x8xf32, #tpu.memory_space<vmem>>, vector<1x4x8xf32>
      %get3A_832 = vector.shape_cast %get3A_831 : vector<1x4x8xf32> to vector<4x8xf32>
      %add3A_833 = arith.addf %add3A_827, %get3A_832 : vector<4x8xf32>
      %get3A_834 = arith.constant 34 : index
      %get3A_835 = arith.constant 0 : index
      %get3A_836 = arith.constant 0 : index
      %get3A_837 = vector.load %arg2[%get3A_834, %get3A_835, %get3A_836] : memref<50x4x8xf32, #tpu.memory_space<vmem>>, vector<1x4x8xf32>
      %get3A_838 = vector.shape_cast %get3A_837 : vector<1x4x8xf32> to vector<4x8xf32>
      %add3A_839 = arith.addf %add3A_833, %get3A_838 : vector<4x8xf32>
      %get3A_840 = arith.constant 35 : index
      %get3A_841 = arith.constant 0 : index
      %get3A_842 = arith.constant 0 : index
      %get3A_843 = vector.load %arg2[%get3A_840, %get3A_841, %get3A_842] : memref<50x4x8xf32, #tpu.memory_space<vmem>>, vector<1x4x8xf32>
      %get3A_844 = vector.shape_cast %get3A_843 : vector<1x4x8xf32> to vector<4x8xf32>
      %add3A_845 = arith.addf %add3A_839, %get3A_844 : vector<4x8xf32>
      %get3A_846 = arith.constant 36 : index
      %get3A_847 = arith.constant 0 : index
      %get3A_848 = arith.constant 0 : index
      %get3A_849 = vector.load %arg2[%get3A_846, %get3A_847, %get3A_848] : memref<50x4x8xf32, #tpu.memory_space<vmem>>, vector<1x4x8xf32>
      %get3A_850 = vector.shape_cast %get3A_849 : vector<1x4x8xf32> to vector<4x8xf32>
      %add3A_851 = arith.addf %add3A_845, %get3A_850 : vector<4x8xf32>
      %get3A_852 = arith.constant 37 : index
      %get3A_853 = arith.constant 0 : index
      %get3A_854 = arith.constant 0 : index
      %get3A_855 = vector.load %arg2[%get3A_852, %get3A_853, %get3A_854] : memref<50x4x8xf32, #tpu.memory_space<vmem>>, vector<1x4x8xf32>
      %get3A_856 = vector.shape_cast %get3A_855 : vector<1x4x8xf32> to vector<4x8xf32>
      %add3A_857 = arith.addf %add3A_851, %get3A_856 : vector<4x8xf32>
      %get3A_858 = arith.constant 38 : index
      %get3A_859 = arith.constant 0 : index
      %get3A_860 = arith.constant 0 : index
      %get3A_861 = vector.load %arg2[%get3A_858, %get3A_859, %get3A_860] : memref<50x4x8xf32, #tpu.memory_space<vmem>>, vector<1x4x8xf32>
      %get3A_862 = vector.shape_cast %get3A_861 : vector<1x4x8xf32> to vector<4x8xf32>
      %add3A_863 = arith.addf %add3A_857, %get3A_862 : vector<4x8xf32>
      %get3A_864 = arith.constant 39 : index
      %get3A_865 = arith.constant 0 : index
      %get3A_866 = arith.constant 0 : index
      %get3A_867 = vector.load %arg2[%get3A_864, %get3A_865, %get3A_866] : memref<50x4x8xf32, #tpu.memory_space<vmem>>, vector<1x4x8xf32>
      %get3A_868 = vector.shape_cast %get3A_867 : vector<1x4x8xf32> to vector<4x8xf32>
      %add3A_869 = arith.addf %add3A_863, %get3A_868 : vector<4x8xf32>
      %get3A_870 = arith.constant 40 : index
      %get3A_871 = arith.constant 0 : index
      %get3A_872 = arith.constant 0 : index
      %get3A_873 = vector.load %arg2[%get3A_870, %get3A_871, %get3A_872] : memref<50x4x8xf32, #tpu.memory_space<vmem>>, vector<1x4x8xf32>
      %get3A_874 = vector.shape_cast %get3A_873 : vector<1x4x8xf32> to vector<4x8xf32>
      %add3A_875 = arith.addf %add3A_869, %get3A_874 : vector<4x8xf32>
      %get3A_876 = arith.constant 41 : index
      %get3A_877 = arith.constant 0 : index
      %get3A_878 = arith.constant 0 : index
      %get3A_879 = vector.load %arg2[%get3A_876, %get3A_877, %get3A_878] : memref<50x4x8xf32, #tpu.memory_space<vmem>>, vector<1x4x8xf32>
      %get3A_880 = vector.shape_cast %get3A_879 : vector<1x4x8xf32> to vector<4x8xf32>
      %add3A_881 = arith.addf %add3A_875, %get3A_880 : vector<4x8xf32>
      %get3A_882 = arith.constant 42 : index
      %get3A_883 = arith.constant 0 : index
      %get3A_884 = arith.constant 0 : index
      %get3A_885 = vector.load %arg2[%get3A_882, %get3A_883, %get3A_884] : memref<50x4x8xf32, #tpu.memory_space<vmem>>, vector<1x4x8xf32>
      %get3A_886 = vector.shape_cast %get3A_885 : vector<1x4x8xf32> to vector<4x8xf32>
      %add3A_887 = arith.addf %add3A_881, %get3A_886 : vector<4x8xf32>
      %get3A_888 = arith.constant 43 : index
      %get3A_889 = arith.constant 0 : index
      %get3A_890 = arith.constant 0 : index
      %get3A_891 = vector.load %arg2[%get3A_888, %get3A_889, %get3A_890] : memref<50x4x8xf32, #tpu.memory_space<vmem>>, vector<1x4x8xf32>
      %get3A_892 = vector.shape_cast %get3A_891 : vector<1x4x8xf32> to vector<4x8xf32>
      %add3A_893 = arith.addf %add3A_887, %get3A_892 : vector<4x8xf32>
      %get3A_894 = arith.constant 44 : index
      %get3A_895 = arith.constant 0 : index
      %get3A_896 = arith.constant 0 : index
      %get3A_897 = vector.load %arg2[%get3A_894, %get3A_895, %get3A_896] : memref<50x4x8xf32, #tpu.memory_space<vmem>>, vector<1x4x8xf32>
      %get3A_898 = vector.shape_cast %get3A_897 : vector<1x4x8xf32> to vector<4x8xf32>
      %add3A_899 = arith.addf %add3A_893, %get3A_898 : vector<4x8xf32>
      %get3A_900 = arith.constant 45 : index
      %get3A_901 = arith.constant 0 : index
      %get3A_902 = arith.constant 0 : index
      %get3A_903 = vector.load %arg2[%get3A_900, %get3A_901, %get3A_902] : memref<50x4x8xf32, #tpu.memory_space<vmem>>, vector<1x4x8xf32>
      %get3A_904 = vector.shape_cast %get3A_903 : vector<1x4x8xf32> to vector<4x8xf32>
      %add3A_905 = arith.addf %add3A_899, %get3A_904 : vector<4x8xf32>
      %get3A_906 = arith.constant 46 : index
      %get3A_907 = arith.constant 0 : index
      %get3A_908 = arith.constant 0 : index
      %get3A_909 = vector.load %arg2[%get3A_906, %get3A_907, %get3A_908] : memref<50x4x8xf32, #tpu.memory_space<vmem>>, vector<1x4x8xf32>
      %get3A_910 = vector.shape_cast %get3A_909 : vector<1x4x8xf32> to vector<4x8xf32>
      %add3A_911 = arith.addf %add3A_905, %get3A_910 : vector<4x8xf32>
      %get3A_912 = arith.constant 47 : index
      %get3A_913 = arith.constant 0 : index
      %get3A_914 = arith.constant 0 : index
      %get3A_915 = vector.load %arg2[%get3A_912, %get3A_913, %get3A_914] : memref<50x4x8xf32, #tpu.memory_space<vmem>>, vector<1x4x8xf32>
      %get3A_916 = vector.shape_cast %get3A_915 : vector<1x4x8xf32> to vector<4x8xf32>
      %add3A_917 = arith.addf %add3A_911, %get3A_916 : vector<4x8xf32>
      %get3A_918 = arith.constant 48 : index
      %get3A_919 = arith.constant 0 : index
      %get3A_920 = arith.constant 0 : index
      %get3A_921 = vector.load %arg2[%get3A_918, %get3A_919, %get3A_920] : memref<50x4x8xf32, #tpu.memory_space<vmem>>, vector<1x4x8xf32>
      %get3A_922 = vector.shape_cast %get3A_921 : vector<1x4x8xf32> to vector<4x8xf32>
      %add3A_923 = arith.addf %add3A_917, %get3A_922 : vector<4x8xf32>
      %get3A_924 = arith.constant 49 : index
      %get3A_925 = arith.constant 0 : index
      %get3A_926 = arith.constant 0 : index
      %get3A_927 = vector.load %arg2[%get3A_924, %get3A_925, %get3A_926] : memref<50x4x8xf32, #tpu.memory_space<vmem>>, vector<1x4x8xf32>
      %get3A_928 = vector.shape_cast %get3A_927 : vector<1x4x8xf32> to vector<4x8xf32>
      %add3A_929 = arith.addf %add3A_923, %get3A_928 : vector<4x8xf32>
      %transpose3A = tpu.transpose %add3A_929, [1, 0] : vector<4x8xf32> -> vector<8x4xf32>
      %slice3A = vector.extract_strided_slice %transpose3A {offsets = [0, 3], sizes = [8, 1], strides = [1, 1]} : vector<8x4xf32> to vector<8x1xf32>
      %max3A = arith.constant 1.000000e+00 : f32
      %max3A_930 = vector.broadcast %max3A : f32 to vector<8x1xf32>
      %max3A_931 = arith.maximumf %slice3A, %max3A_930 : vector<8x1xf32>
      %slice3A_932 = vector.extract_strided_slice %transpose3A {offsets = [0, 0], sizes = [8, 3], strides = [1, 1]} : vector<8x4xf32> to vector<8x3xf32>
      %div3A = vector.broadcast %max3A_931 : vector<8x1xf32> to vector<8x3xf32>
      %div3A_933 = arith.divf %slice3A_932, %div3A : vector<8x3xf32>
      %swap3A_934 = arith.constant 0 : index
      %swap3A_935 = arith.constant 3 : index
      %swap3A_936 = vector.load %arg8[%swap3A_934, %swap3A_935] : memref<8x8xf32, #tpu.memory_space<vmem>>, vector<8x3xf32>
      tpu.vector_store %arg8[%swap3A_934, %swap3A_935], %div3A_933 {strides = array<i32>} : memref<8x8xf32, #tpu.memory_space<vmem>>, vector<8x3xf32>,
    } else {
    }
    %get3A = arith.constant 0 : index
    %get3A_2 = arith.constant 3 : index
    %get3A_3 = vector.load %arg8[%get3A, %get3A_2] : memref<8x8xf32, #tpu.memory_space<vmem>>, vector<8x1xf32>
    %get3A_4 = arith.constant 0 : index
    %get3A_5 = arith.constant 4 : index
    %get3A_6 = vector.load %arg8[%get3A_4, %get3A_5] : memref<8x8xf32, #tpu.memory_space<vmem>>, vector<8x1xf32>
    %get3A_7 = arith.constant 0 : index
    %get3A_8 = arith.constant 5 : index
    %get3A_9 = vector.load %arg8[%get3A_7, %get3A_8] : memref<8x8xf32, #tpu.memory_space<vmem>>, vector<8x1xf32>
    %get3A_10 = arith.constant 0 : index
    %get3A_11 = arith.constant 0 : index
    %get3A_12 = arith.constant 0 : index
    %get3A_13 = vector.load %arg1[%get3A_10, %get3A_11, %get3A_12] : memref<1x3x4000xf32, #tpu.memory_space<vmem>>, vector<1x1x4000xf32>
    %get3A_14 = vector.shape_cast %get3A_13 : vector<1x1x4000xf32> to vector<1x4000xf32>
    %sub3A = vector.broadcast %get3A_14 : vector<1x4000xf32> to vector<8x4000xf32>
    %sub3A_15 = vector.broadcast %get3A_3 : vector<8x1xf32> to vector<8x4000xf32>
    %sub3A_16 = arith.subf %sub3A, %sub3A_15 : vector<8x4000xf32>
    %get3A_17 = arith.constant 0 : index
    %get3A_18 = arith.constant 1 : index
    %get3A_19 = arith.constant 0 : index
    %get3A_20 = vector.load %arg1[%get3A_17, %get3A_18, %get3A_19] : memref<1x3x4000xf32, #tpu.memory_space<vmem>>, vector<1x1x4000xf32>
    %get3A_21 = vector.shape_cast %get3A_20 : vector<1x1x4000xf32> to vector<1x4000xf32>
    %sub3A_22 = vector.broadcast %get3A_21 : vector<1x4000xf32> to vector<8x4000xf32>
    %sub3A_23 = vector.broadcast %get3A_6 : vector<8x1xf32> to vector<8x4000xf32>
    %sub3A_24 = arith.subf %sub3A_22, %sub3A_23 : vector<8x4000xf32>
    %get3A_25 = arith.constant 0 : index
    %get3A_26 = arith.constant 2 : index
    %get3A_27 = arith.constant 0 : index
    %get3A_28 = vector.load %arg1[%get3A_25, %get3A_26, %get3A_27] : memref<1x3x4000xf32, #tpu.memory_space<vmem>>, vector<1x1x4000xf32>
    %get3A_29 = vector.shape_cast %get3A_28 : vector<1x1x4000xf32> to vector<1x4000xf32>
    %sub3A_30 = vector.broadcast %get3A_29 : vector<1x4000xf32> to vector<8x4000xf32>
    %sub3A_31 = vector.broadcast %get3A_9 : vector<8x1xf32> to vector<8x4000xf32>
    %sub3A_32 = arith.subf %sub3A_30, %sub3A_31 : vector<8x4000xf32>
    %mul3A = arith.mulf %sub3A_16, %sub3A_16 : vector<8x4000xf32>
    %mul3A_33 = arith.mulf %sub3A_24, %sub3A_24 : vector<8x4000xf32>
    %add3A = arith.addf %mul3A, %mul3A_33 : vector<8x4000xf32>
    %mul3A_34 = arith.mulf %sub3A_32, %sub3A_32 : vector<8x4000xf32>
    %add3A_35 = arith.addf %add3A, %mul3A_34 : vector<8x4000xf32>
    %get3A_36 = arith.constant 0 : index
    %get3A_37 = arith.constant 0 : index
    %get3A_38 = arith.constant 0 : index
    %get3A_39 = vector.load %arg3[%get3A_36, %get3A_37, %get3A_38] : memref<1x1x4000xf32, #tpu.memory_space<vmem>>, vector<1x1x4000xf32>
    %get3A_40 = vector.shape_cast %get3A_39 : vector<1x1x4000xf32> to vector<1x4000xf32>
    %iota3A = tpu.iota {dimensions = array<i32: 0>} : vector<8x1xi32>
    %convert_element_type3A_41 = arith.sitofp %iota3A : vector<8x1xi32> to vector<8x1xf32>
    %add3A_42 = arith.constant 8.000000e+00 : f32
    %add3A_43 = vector.broadcast %add3A_42 : f32 to vector<8x1xf32>
    %add3A_44 = arith.addf %convert_element_type3A_41, %add3A_43 : vector<8x1xf32>
    %eq3A_45 = vector.broadcast %get3A_40 : vector<1x4000xf32> to vector<8x4000xf32>
    %eq3A_46 = vector.broadcast %add3A_44 : vector<8x1xf32> to vector<8x4000xf32>
    %eq3A_47 = arith.cmpf oeq, %eq3A_45, %eq3A_46 : vector<8x4000xf32>
    %jit3A = arith.constant 0.000000e+00 : f32
    %broadcast_in_dim3A = vector.broadcast %jit3A : f32 to vector<8x4000xf32>
    %select_n3A = arith.select %eq3A_47, %add3A_35, %broadcast_in_dim3A : vector<8x4000xi1>, vector<8x4000xf32>
    %reduce_sum3A = arith.constant dense<0.000000e+00> : vector<4000xf32>
    %reduce_sum3A_48 = vector.multi_reduction <add>, %select_n3A, %reduce_sum3A [0] : vector<8x4000xf32> to vector<4000xf32>
    %broadcast_in_dim3A_49 = vector.shape_cast %reduce_sum3A_48 : vector<4000xf32> to vector<1x4000xf32>
    %swap3A = arith.constant 0 : index
    %swap3A_50 = arith.constant 0 : index
    %swap3A_51 = arith.constant 0 : index
    %swap3A_52 = vector.load %arg4[%swap3A, %swap3A_50, %swap3A_51] : memref<1x1x4000xf32, #tpu.memory_space<vmem>>, vector<1x1x4000xf32>
    %swap3A_53 = vector.shape_cast %swap3A_52 : vector<1x1x4000xf32> to vector<1x4000xf32>
    %swap3A_54 = vector.shape_cast %broadcast_in_dim3A_49 : vector<1x4000xf32> to vector<1x1x4000xf32>
    tpu.vector_store %arg4[%swap3A, %swap3A_50, %swap3A_51], %swap3A_54 {strides = array<i32>} : memref<1x1x4000xf32, #tpu.memory_space<vmem>>, vector<1x1x4000xf32>,
    %reduce_min3A = arith.constant dense<0x7F800000> : vector<8xf32>
    %reduce_min3A_55 = vector.multi_reduction <minimumf>, %add3A_35, %reduce_min3A [1] : vector<8x4000xf32> to vector<8xf32>
    %broadcast_in_dim3A_56 = vector.shape_cast %reduce_min3A_55 : vector<8xf32> to vector<8x1xf32>
    %eq3A_57 = vector.broadcast %broadcast_in_dim3A_56 : vector<8x1xf32> to vector<8x4000xf32>
    %eq3A_58 = arith.cmpf oeq, %add3A_35, %eq3A_57 : vector<8x4000xf32>
    %mul3A_59 = arith.constant 8 : i32
    %mul3A_60 = arith.muli %mul3A_59, %arg0 : i32
    %swap3A_61 = arith.index_cast %mul3A_60 : i32 to index
    %swap3A_62 = arith.constant 0 : index
    %swap3A_63 = vector.load %arg6[%swap3A_61, %swap3A_62] : memref<200x25xf32, #tpu.memory_space<vmem>>, vector<8x1xf32>
    tpu.vector_store %arg6[%swap3A_61, %swap3A_62], %broadcast_in_dim3A_56 {strides = array<i32>} : memref<200x25xf32, #tpu.memory_space<vmem>>, vector<8x1xf32>,
    %convert_element_type3A_64 = arith.extui %eq3A_58 : vector<8x4000xi1> to vector<8x4000xi32>
    %convert_element_type3A_65 = arith.sitofp %convert_element_type3A_64 : vector<8x4000xi32> to vector<8x4000xf32>
    %reduce_sum3A_66 = arith.constant dense<0.000000e+00> : vector<8xf32>
    %reduce_sum3A_67 = vector.multi_reduction <add>, %convert_element_type3A_65, %reduce_sum3A_66 [1] : vector<8x4000xf32> to vector<8xf32>
    %broadcast_in_dim3A_68 = vector.shape_cast %reduce_sum3A_67 : vector<8xf32> to vector<8x1xf32>
    %mul3A_69 = arith.constant 8 : i32
    %mul3A_70 = arith.muli %mul3A_69, %arg0 : i32
    %swap3A_71 = arith.index_cast %mul3A_70 : i32 to index
    %swap3A_72 = arith.constant 0 : index
    %swap3A_73 = vector.load %arg7[%swap3A_71, %swap3A_72] : memref<200x25xf32, #tpu.memory_space<vmem>>, vector<8x1xf32>
    tpu.vector_store %arg7[%swap3A_71, %swap3A_72], %broadcast_in_dim3A_68 {strides = array<i32>} : memref<200x25xf32, #tpu.memory_space<vmem>>, vector<8x1xf32>,
    %jit3A_74 = arith.constant 0x7F800000 : f32
    %broadcast_in_dim3A_75 = vector.broadcast %jit3A_74 : f32 to vector<8x4000xf32>
    %select_n3A_76 = arith.select %eq3A_58, %broadcast_in_dim3A_75, %add3A_35 : vector<8x4000xi1>, vector<8x4000xf32>
    %reduce_min3A_77 = arith.constant dense<0x7F800000> : vector<8xf32>
    %reduce_min3A_78 = vector.multi_reduction <minimumf>, %select_n3A_76, %reduce_min3A_77 [1] : vector<8x4000xf32> to vector<8xf32>
    %broadcast_in_dim3A_79 = vector.shape_cast %reduce_min3A_78 : vector<8xf32> to vector<8x1xf32>
    %eq3A_80 = vector.broadcast %broadcast_in_dim3A_79 : vector<8x1xf32> to vector<8x4000xf32>
    %eq3A_81 = arith.cmpf oeq, %select_n3A_76, %eq3A_80 : vector<8x4000xf32>
    %mul3A_82 = arith.constant 8 : i32
    %mul3A_83 = arith.muli %mul3A_82, %arg0 : i32
    %swap3A_84 = arith.index_cast %mul3A_83 : i32 to index
    %swap3A_85 = arith.constant 1 : index
    %swap3A_86 = vector.load %arg6[%swap3A_84, %swap3A_85] : memref<200x25xf32, #tpu.memory_space<vmem>>, vector<8x1xf32>
    tpu.vector_store %arg6[%swap3A_84, %swap3A_85], %broadcast_in_dim3A_79 {strides = array<i32>} : memref<200x25xf32, #tpu.memory_space<vmem>>, vector<8x1xf32>,
    %convert_element_type3A_87 = arith.extui %eq3A_81 : vector<8x4000xi1> to vector<8x4000xi32>
    %convert_element_type3A_88 = arith.sitofp %convert_element_type3A_87 : vector<8x4000xi32> to vector<8x4000xf32>
    %reduce_sum3A_89 = arith.constant dense<0.000000e+00> : vector<8xf32>
    %reduce_sum3A_90 = vector.multi_reduction <add>, %convert_element_type3A_88, %reduce_sum3A_89 [1] : vector<8x4000xf32> to vector<8xf32>
    %broadcast_in_dim3A_91 = vector.shape_cast %reduce_sum3A_90 : vector<8xf32> to vector<8x1xf32>
    %mul3A_92 = arith.constant 8 : i32
    %mul3A_93 = arith.muli %mul3A_92, %arg0 : i32
    %swap3A_94 = arith.index_cast %mul3A_93 : i32 to index
    %swap3A_95 = arith.constant 1 : index
    %swap3A_96 = vector.load %arg7[%swap3A_94, %swap3A_95] : memref<200x25xf32, #tpu.memory_space<vmem>>, vector<8x1xf32>
    tpu.vector_store %arg7[%swap3A_94, %swap3A_95], %broadcast_in_dim3A_91 {strides = array<i32>} : memref<200x25xf32, #tpu.memory_space<vmem>>, vector<8x1xf32>,
    %jit3A_97 = arith.constant 0x7F800000 : f32
    %broadcast_in_dim3A_98 = vector.broadcast %jit3A_97 : f32 to vector<8x4000xf32>
    %select_n3A_99 = arith.select %eq3A_81, %broadcast_in_dim3A_98, %select_n3A_76 : vector<8x4000xi1>, vector<8x4000xf32>
    %reduce_min3A_100 = arith.constant dense<0x7F800000> : vector<8xf32>
    %reduce_min3A_101 = vector.multi_reduction <minimumf>, %select_n3A_99, %reduce_min3A_100 [1] : vector<8x4000xf32> to vector<8xf32>
    %broadcast_in_dim3A_102 = vector.shape_cast %reduce_min3A_101 : vector<8xf32> to vector<8x1xf32>
    %eq3A_103 = vector.broadcast %broadcast_in_dim3A_102 : vector<8x1xf32> to vector<8x4000xf32>
    %eq3A_104 = arith.cmpf oeq, %select_n3A_99, %eq3A_103 : vector<8x4000xf32>
    %mul3A_105 = arith.constant 8 : i32
    %mul3A_106 = arith.muli %mul3A_105, %arg0 : i32
    %swap3A_107 = arith.index_cast %mul3A_106 : i32 to index
    %swap3A_108 = arith.constant 2 : index
    %swap3A_109 = vector.load %arg6[%swap3A_107, %swap3A_108] : memref<200x25xf32, #tpu.memory_space<vmem>>, vector<8x1xf32>
    tpu.vector_store %arg6[%swap3A_107, %swap3A_108], %broadcast_in_dim3A_102 {strides = array<i32>} : memref<200x25xf32, #tpu.memory_space<vmem>>, vector<8x1xf32>,
    %convert_element_type3A_110 = arith.extui %eq3A_104 : vector<8x4000xi1> to vector<8x4000xi32>
    %convert_element_type3A_111 = arith.sitofp %convert_element_type3A_110 : vector<8x4000xi32> to vector<8x4000xf32>
    %reduce_sum3A_112 = arith.constant dense<0.000000e+00> : vector<8xf32>
    %reduce_sum3A_113 = vector.multi_reduction <add>, %convert_element_type3A_111, %reduce_sum3A_112 [1] : vector<8x4000xf32> to vector<8xf32>
    %broadcast_in_dim3A_114 = vector.shape_cast %reduce_sum3A_113 : vector<8xf32> to vector<8x1xf32>
    %mul3A_115 = arith.constant 8 : i32
    %mul3A_116 = arith.muli %mul3A_115, %arg0 : i32
    %swap3A_117 = arith.index_cast %mul3A_116 : i32 to index
    %swap3A_118 = arith.constant 2 : index
    %swap3A_119 = vector.load %arg7[%swap3A_117, %swap3A_118] : memref<200x25xf32, #tpu.memory_space<vmem>>, vector<8x1xf32>
    tpu.vector_store %arg7[%swap3A_117, %swap3A_118], %broadcast_in_dim3A_114 {strides = array<i32>} : memref<200x25xf32, #tpu.memory_space<vmem>>, vector<8x1xf32>,
    %jit3A_120 = arith.constant 0x7F800000 : f32
    %broadcast_in_dim3A_121 = vector.broadcast %jit3A_120 : f32 to vector<8x4000xf32>
    %select_n3A_122 = arith.select %eq3A_104, %broadcast_in_dim3A_121, %select_n3A_99 : vector<8x4000xi1>, vector<8x4000xf32>
    %reduce_min3A_123 = arith.constant dense<0x7F800000> : vector<8xf32>
    %reduce_min3A_124 = vector.multi_reduction <minimumf>, %select_n3A_122, %reduce_min3A_123 [1] : vector<8x4000xf32> to vector<8xf32>
    %broadcast_in_dim3A_125 = vector.shape_cast %reduce_min3A_124 : vector<8xf32> to vector<8x1xf32>
    %eq3A_126 = vector.broadcast %broadcast_in_dim3A_125 : vector<8x1xf32> to vector<8x4000xf32>
    %eq3A_127 = arith.cmpf oeq, %select_n3A_122, %eq3A_126 : vector<8x4000xf32>
    %mul3A_128 = arith.constant 8 : i32
    %mul3A_129 = arith.muli %mul3A_128, %arg0 : i32
    %swap3A_130 = arith.index_cast %mul3A_129 : i32 to index
    %swap3A_131 = arith.constant 3 : index
    %swap3A_132 = vector.load %arg6[%swap3A_130, %swap3A_131] : memref<200x25xf32, #tpu.memory_space<vmem>>, vector<8x1xf32>
    tpu.vector_store %arg6[%swap3A_130, %swap3A_131], %broadcast_in_dim3A_125 {strides = array<i32>} : memref<200x25xf32, #tpu.memory_space<vmem>>, vector<8x1xf32>,
    %convert_element_type3A_133 = arith.extui %eq3A_127 : vector<8x4000xi1> to vector<8x4000xi32>
    %convert_element_type3A_134 = arith.sitofp %convert_element_type3A_133 : vector<8x4000xi32> to vector<8x4000xf32>
    %reduce_sum3A_135 = arith.constant dense<0.000000e+00> : vector<8xf32>
    %reduce_sum3A_136 = vector.multi_reduction <add>, %convert_element_type3A_134, %reduce_sum3A_135 [1] : vector<8x4000xf32> to vector<8xf32>
    %broadcast_in_dim3A_137 = vector.shape_cast %reduce_sum3A_136 : vector<8xf32> to vector<8x1xf32>
    %mul3A_138 = arith.constant 8 : i32
    %mul3A_139 = arith.muli %mul3A_138, %arg0 : i32
    %swap3A_140 = arith.index_cast %mul3A_139 : i32 to index
    %swap3A_141 = arith.constant 3 : index
    %swap3A_142 = vector.load %arg7[%swap3A_140, %swap3A_141] : memref<200x25xf32, #tpu.memory_space<vmem>>, vector<8x1xf32>
    tpu.vector_store %arg7[%swap3A_140, %swap3A_141], %broadcast_in_dim3A_137 {strides = array<i32>} : memref<200x25xf32, #tpu.memory_space<vmem>>, vector<8x1xf32>,
    %jit3A_143 = arith.constant 0x7F800000 : f32
    %broadcast_in_dim3A_144 = vector.broadcast %jit3A_143 : f32 to vector<8x4000xf32>
    %select_n3A_145 = arith.select %eq3A_127, %broadcast_in_dim3A_144, %select_n3A_122 : vector<8x4000xi1>, vector<8x4000xf32>
    %reduce_min3A_146 = arith.constant dense<0x7F800000> : vector<8xf32>
    %reduce_min3A_147 = vector.multi_reduction <minimumf>, %select_n3A_145, %reduce_min3A_146 [1] : vector<8x4000xf32> to vector<8xf32>
    %broadcast_in_dim3A_148 = vector.shape_cast %reduce_min3A_147 : vector<8xf32> to vector<8x1xf32>
    %eq3A_149 = vector.broadcast %broadcast_in_dim3A_148 : vector<8x1xf32> to vector<8x4000xf32>
    %eq3A_150 = arith.cmpf oeq, %select_n3A_145, %eq3A_149 : vector<8x4000xf32>
    %mul3A_151 = arith.constant 8 : i32
    %mul3A_152 = arith.muli %mul3A_151, %arg0 : i32
    %swap3A_153 = arith.index_cast %mul3A_152 : i32 to index
    %swap3A_154 = arith.constant 4 : index
    %swap3A_155 = vector.load %arg6[%swap3A_153, %swap3A_154] : memref<200x25xf32, #tpu.memory_space<vmem>>, vector<8x1xf32>
    tpu.vector_store %arg6[%swap3A_153, %swap3A_154], %broadcast_in_dim3A_148 {strides = array<i32>} : memref<200x25xf32, #tpu.memory_space<vmem>>, vector<8x1xf32>,
    %convert_element_type3A_156 = arith.extui %eq3A_150 : vector<8x4000xi1> to vector<8x4000xi32>
    %convert_element_type3A_157 = arith.sitofp %convert_element_type3A_156 : vector<8x4000xi32> to vector<8x4000xf32>
    %reduce_sum3A_158 = arith.constant dense<0.000000e+00> : vector<8xf32>
    %reduce_sum3A_159 = vector.multi_reduction <add>, %convert_element_type3A_157, %reduce_sum3A_158 [1] : vector<8x4000xf32> to vector<8xf32>
    %broadcast_in_dim3A_160 = vector.shape_cast %reduce_sum3A_159 : vector<8xf32> to vector<8x1xf32>
    %mul3A_161 = arith.constant 8 : i32
    %mul3A_162 = arith.muli %mul3A_161, %arg0 : i32
    %swap3A_163 = arith.index_cast %mul3A_162 : i32 to index
    %swap3A_164 = arith.constant 4 : index
    %swap3A_165 = vector.load %arg7[%swap3A_163, %swap3A_164] : memref<200x25xf32, #tpu.memory_space<vmem>>, vector<8x1xf32>
    tpu.vector_store %arg7[%swap3A_163, %swap3A_164], %broadcast_in_dim3A_160 {strides = array<i32>} : memref<200x25xf32, #tpu.memory_space<vmem>>, vector<8x1xf32>,
    %jit3A_166 = arith.constant 0x7F800000 : f32
    %broadcast_in_dim3A_167 = vector.broadcast %jit3A_166 : f32 to vector<8x4000xf32>
    %select_n3A_168 = arith.select %eq3A_150, %broadcast_in_dim3A_167, %select_n3A_145 : vector<8x4000xi1>, vector<8x4000xf32>
    %reduce_min3A_169 = arith.constant dense<0x7F800000> : vector<8xf32>
    %reduce_min3A_170 = vector.multi_reduction <minimumf>, %select_n3A_168, %reduce_min3A_169 [1] : vector<8x4000xf32> to vector<8xf32>
    %broadcast_in_dim3A_171 = vector.shape_cast %reduce_min3A_170 : vector<8xf32> to vector<8x1xf32>
    %eq3A_172 = vector.broadcast %broadcast_in_dim3A_171 : vector<8x1xf32> to vector<8x4000xf32>
    %eq3A_173 = arith.cmpf oeq, %select_n3A_168, %eq3A_172 : vector<8x4000xf32>
    %mul3A_174 = arith.constant 8 : i32
    %mul3A_175 = arith.muli %mul3A_174, %arg0 : i32
    %swap3A_176 = arith.index_cast %mul3A_175 : i32 to index
    %swap3A_177 = arith.constant 5 : index
    %swap3A_178 = vector.load %arg6[%swap3A_176, %swap3A_177] : memref<200x25xf32, #tpu.memory_space<vmem>>, vector<8x1xf32>
    tpu.vector_store %arg6[%swap3A_176, %swap3A_177], %broadcast_in_dim3A_171 {strides = array<i32>} : memref<200x25xf32, #tpu.memory_space<vmem>>, vector<8x1xf32>,
    %convert_element_type3A_179 = arith.extui %eq3A_173 : vector<8x4000xi1> to vector<8x4000xi32>
    %convert_element_type3A_180 = arith.sitofp %convert_element_type3A_179 : vector<8x4000xi32> to vector<8x4000xf32>
    %reduce_sum3A_181 = arith.constant dense<0.000000e+00> : vector<8xf32>
    %reduce_sum3A_182 = vector.multi_reduction <add>, %convert_element_type3A_180, %reduce_sum3A_181 [1] : vector<8x4000xf32> to vector<8xf32>
    %broadcast_in_dim3A_183 = vector.shape_cast %reduce_sum3A_182 : vector<8xf32> to vector<8x1xf32>
    %mul3A_184 = arith.constant 8 : i32
    %mul3A_185 = arith.muli %mul3A_184, %arg0 : i32
    %swap3A_186 = arith.index_cast %mul3A_185 : i32 to index
    %swap3A_187 = arith.constant 5 : index
    %swap3A_188 = vector.load %arg7[%swap3A_186, %swap3A_187] : memref<200x25xf32, #tpu.memory_space<vmem>>, vector<8x1xf32>
    tpu.vector_store %arg7[%swap3A_186, %swap3A_187], %broadcast_in_dim3A_183 {strides = array<i32>} : memref<200x25xf32, #tpu.memory_space<vmem>>, vector<8x1xf32>,
    %jit3A_189 = arith.constant 0x7F800000 : f32
    %broadcast_in_dim3A_190 = vector.broadcast %jit3A_189 : f32 to vector<8x4000xf32>
    %select_n3A_191 = arith.select %eq3A_173, %broadcast_in_dim3A_190, %select_n3A_168 : vector<8x4000xi1>, vector<8x4000xf32>
    %reduce_min3A_192 = arith.constant dense<0x7F800000> : vector<8xf32>
    %reduce_min3A_193 = vector.multi_reduction <minimumf>, %select_n3A_191, %reduce_min3A_192 [1] : vector<8x4000xf32> to vector<8xf32>
    %broadcast_in_dim3A_194 = vector.shape_cast %reduce_min3A_193 : vector<8xf32> to vector<8x1xf32>
    %eq3A_195 = vector.broadcast %broadcast_in_dim3A_194 : vector<8x1xf32> to vector<8x4000xf32>
    %eq3A_196 = arith.cmpf oeq, %select_n3A_191, %eq3A_195 : vector<8x4000xf32>
    %mul3A_197 = arith.constant 8 : i32
    %mul3A_198 = arith.muli %mul3A_197, %arg0 : i32
    %swap3A_199 = arith.index_cast %mul3A_198 : i32 to index
    %swap3A_200 = arith.constant 6 : index
    %swap3A_201 = vector.load %arg6[%swap3A_199, %swap3A_200] : memref<200x25xf32, #tpu.memory_space<vmem>>, vector<8x1xf32>
    tpu.vector_store %arg6[%swap3A_199, %swap3A_200], %broadcast_in_dim3A_194 {strides = array<i32>} : memref<200x25xf32, #tpu.memory_space<vmem>>, vector<8x1xf32>,
    %convert_element_type3A_202 = arith.extui %eq3A_196 : vector<8x4000xi1> to vector<8x4000xi32>
    %convert_element_type3A_203 = arith.sitofp %convert_element_type3A_202 : vector<8x4000xi32> to vector<8x4000xf32>
    %reduce_sum3A_204 = arith.constant dense<0.000000e+00> : vector<8xf32>
    %reduce_sum3A_205 = vector.multi_reduction <add>, %convert_element_type3A_203, %reduce_sum3A_204 [1] : vector<8x4000xf32> to vector<8xf32>
    %broadcast_in_dim3A_206 = vector.shape_cast %reduce_sum3A_205 : vector<8xf32> to vector<8x1xf32>
    %mul3A_207 = arith.constant 8 : i32
    %mul3A_208 = arith.muli %mul3A_207, %arg0 : i32
    %swap3A_209 = arith.index_cast %mul3A_208 : i32 to index
    %swap3A_210 = arith.constant 6 : index
    %swap3A_211 = vector.load %arg7[%swap3A_209, %swap3A_210] : memref<200x25xf32, #tpu.memory_space<vmem>>, vector<8x1xf32>
    tpu.vector_store %arg7[%swap3A_209, %swap3A_210], %broadcast_in_dim3A_206 {strides = array<i32>} : memref<200x25xf32, #tpu.memory_space<vmem>>, vector<8x1xf32>,
    %jit3A_212 = arith.constant 0x7F800000 : f32
    %broadcast_in_dim3A_213 = vector.broadcast %jit3A_212 : f32 to vector<8x4000xf32>
    %select_n3A_214 = arith.select %eq3A_196, %broadcast_in_dim3A_213, %select_n3A_191 : vector<8x4000xi1>, vector<8x4000xf32>
    %reduce_min3A_215 = arith.constant dense<0x7F800000> : vector<8xf32>
    %reduce_min3A_216 = vector.multi_reduction <minimumf>, %select_n3A_214, %reduce_min3A_215 [1] : vector<8x4000xf32> to vector<8xf32>
    %broadcast_in_dim3A_217 = vector.shape_cast %reduce_min3A_216 : vector<8xf32> to vector<8x1xf32>
    %eq3A_218 = vector.broadcast %broadcast_in_dim3A_217 : vector<8x1xf32> to vector<8x4000xf32>
    %eq3A_219 = arith.cmpf oeq, %select_n3A_214, %eq3A_218 : vector<8x4000xf32>
    %mul3A_220 = arith.constant 8 : i32
    %mul3A_221 = arith.muli %mul3A_220, %arg0 : i32
    %swap3A_222 = arith.index_cast %mul3A_221 : i32 to index
    %swap3A_223 = arith.constant 7 : index
    %swap3A_224 = vector.load %arg6[%swap3A_222, %swap3A_223] : memref<200x25xf32, #tpu.memory_space<vmem>>, vector<8x1xf32>
    tpu.vector_store %arg6[%swap3A_222, %swap3A_223], %broadcast_in_dim3A_217 {strides = array<i32>} : memref<200x25xf32, #tpu.memory_space<vmem>>, vector<8x1xf32>,
    %convert_element_type3A_225 = arith.extui %eq3A_219 : vector<8x4000xi1> to vector<8x4000xi32>
    %convert_element_type3A_226 = arith.sitofp %convert_element_type3A_225 : vector<8x4000xi32> to vector<8x4000xf32>
    %reduce_sum3A_227 = arith.constant dense<0.000000e+00> : vector<8xf32>
    %reduce_sum3A_228 = vector.multi_reduction <add>, %convert_element_type3A_226, %reduce_sum3A_227 [1] : vector<8x4000xf32> to vector<8xf32>
    %broadcast_in_dim3A_229 = vector.shape_cast %reduce_sum3A_228 : vector<8xf32> to vector<8x1xf32>
    %mul3A_230 = arith.constant 8 : i32
    %mul3A_231 = arith.muli %mul3A_230, %arg0 : i32
    %swap3A_232 = arith.index_cast %mul3A_231 : i32 to index
    %swap3A_233 = arith.constant 7 : index
    %swap3A_234 = vector.load %arg7[%swap3A_232, %swap3A_233] : memref<200x25xf32, #tpu.memory_space<vmem>>, vector<8x1xf32>
    tpu.vector_store %arg7[%swap3A_232, %swap3A_233], %broadcast_in_dim3A_229 {strides = array<i32>} : memref<200x25xf32, #tpu.memory_space<vmem>>, vector<8x1xf32>,
    %jit3A_235 = arith.constant 0x7F800000 : f32
    %broadcast_in_dim3A_236 = vector.broadcast %jit3A_235 : f32 to vector<8x4000xf32>
    %select_n3A_237 = arith.select %eq3A_219, %broadcast_in_dim3A_236, %select_n3A_214 : vector<8x4000xi1>, vector<8x4000xf32>
    %reduce_min3A_238 = arith.constant dense<0x7F800000> : vector<8xf32>
    %reduce_min3A_239 = vector.multi_reduction <minimumf>, %select_n3A_237, %reduce_min3A_238 [1] : vector<8x4000xf32> to vector<8xf32>
    %broadcast_in_dim3A_240 = vector.shape_cast %reduce_min3A_239 : vector<8xf32> to vector<8x1xf32>
    %eq3A_241 = vector.broadcast %broadcast_in_dim3A_240 : vector<8x1xf32> to vector<8x4000xf32>
    %eq3A_242 = arith.cmpf oeq, %select_n3A_237, %eq3A_241 : vector<8x4000xf32>
    %mul3A_243 = arith.constant 8 : i32
    %mul3A_244 = arith.muli %mul3A_243, %arg0 : i32
    %swap3A_245 = arith.index_cast %mul3A_244 : i32 to index
    %swap3A_246 = arith.constant 8 : index
    %swap3A_247 = vector.load %arg6[%swap3A_245, %swap3A_246] : memref<200x25xf32, #tpu.memory_space<vmem>>, vector<8x1xf32>
    tpu.vector_store %arg6[%swap3A_245, %swap3A_246], %broadcast_in_dim3A_240 {strides = array<i32>} : memref<200x25xf32, #tpu.memory_space<vmem>>, vector<8x1xf32>,
    %convert_element_type3A_248 = arith.extui %eq3A_242 : vector<8x4000xi1> to vector<8x4000xi32>
    %convert_element_type3A_249 = arith.sitofp %convert_element_type3A_248 : vector<8x4000xi32> to vector<8x4000xf32>
    %reduce_sum3A_250 = arith.constant dense<0.000000e+00> : vector<8xf32>
    %reduce_sum3A_251 = vector.multi_reduction <add>, %convert_element_type3A_249, %reduce_sum3A_250 [1] : vector<8x4000xf32> to vector<8xf32>
    %broadcast_in_dim3A_252 = vector.shape_cast %reduce_sum3A_251 : vector<8xf32> to vector<8x1xf32>
    %mul3A_253 = arith.constant 8 : i32
    %mul3A_254 = arith.muli %mul3A_253, %arg0 : i32
    %swap3A_255 = arith.index_cast %mul3A_254 : i32 to index
    %swap3A_256 = arith.constant 8 : index
    %swap3A_257 = vector.load %arg7[%swap3A_255, %swap3A_256] : memref<200x25xf32, #tpu.memory_space<vmem>>, vector<8x1xf32>
    tpu.vector_store %arg7[%swap3A_255, %swap3A_256], %broadcast_in_dim3A_252 {strides = array<i32>} : memref<200x25xf32, #tpu.memory_space<vmem>>, vector<8x1xf32>,
    %jit3A_258 = arith.constant 0x7F800000 : f32
    %broadcast_in_dim3A_259 = vector.broadcast %jit3A_258 : f32 to vector<8x4000xf32>
    %select_n3A_260 = arith.select %eq3A_242, %broadcast_in_dim3A_259, %select_n3A_237 : vector<8x4000xi1>, vector<8x4000xf32>
    %reduce_min3A_261 = arith.constant dense<0x7F800000> : vector<8xf32>
    %reduce_min3A_262 = vector.multi_reduction <minimumf>, %select_n3A_260, %reduce_min3A_261 [1] : vector<8x4000xf32> to vector<8xf32>
    %broadcast_in_dim3A_263 = vector.shape_cast %reduce_min3A_262 : vector<8xf32> to vector<8x1xf32>
    %eq3A_264 = vector.broadcast %broadcast_in_dim3A_263 : vector<8x1xf32> to vector<8x4000xf32>
    %eq3A_265 = arith.cmpf oeq, %select_n3A_260, %eq3A_264 : vector<8x4000xf32>
    %mul3A_266 = arith.constant 8 : i32
    %mul3A_267 = arith.muli %mul3A_266, %arg0 : i32
    %swap3A_268 = arith.index_cast %mul3A_267 : i32 to index
    %swap3A_269 = arith.constant 9 : index
    %swap3A_270 = vector.load %arg6[%swap3A_268, %swap3A_269] : memref<200x25xf32, #tpu.memory_space<vmem>>, vector<8x1xf32>
    tpu.vector_store %arg6[%swap3A_268, %swap3A_269], %broadcast_in_dim3A_263 {strides = array<i32>} : memref<200x25xf32, #tpu.memory_space<vmem>>, vector<8x1xf32>,
    %convert_element_type3A_271 = arith.extui %eq3A_265 : vector<8x4000xi1> to vector<8x4000xi32>
    %convert_element_type3A_272 = arith.sitofp %convert_element_type3A_271 : vector<8x4000xi32> to vector<8x4000xf32>
    %reduce_sum3A_273 = arith.constant dense<0.000000e+00> : vector<8xf32>
    %reduce_sum3A_274 = vector.multi_reduction <add>, %convert_element_type3A_272, %reduce_sum3A_273 [1] : vector<8x4000xf32> to vector<8xf32>
    %broadcast_in_dim3A_275 = vector.shape_cast %reduce_sum3A_274 : vector<8xf32> to vector<8x1xf32>
    %mul3A_276 = arith.constant 8 : i32
    %mul3A_277 = arith.muli %mul3A_276, %arg0 : i32
    %swap3A_278 = arith.index_cast %mul3A_277 : i32 to index
    %swap3A_279 = arith.constant 9 : index
    %swap3A_280 = vector.load %arg7[%swap3A_278, %swap3A_279] : memref<200x25xf32, #tpu.memory_space<vmem>>, vector<8x1xf32>
    tpu.vector_store %arg7[%swap3A_278, %swap3A_279], %broadcast_in_dim3A_275 {strides = array<i32>} : memref<200x25xf32, #tpu.memory_space<vmem>>, vector<8x1xf32>,
    %jit3A_281 = arith.constant 0x7F800000 : f32
    %broadcast_in_dim3A_282 = vector.broadcast %jit3A_281 : f32 to vector<8x4000xf32>
    %select_n3A_283 = arith.select %eq3A_265, %broadcast_in_dim3A_282, %select_n3A_260 : vector<8x4000xi1>, vector<8x4000xf32>
    %reduce_min3A_284 = arith.constant dense<0x7F800000> : vector<8xf32>
    %reduce_min3A_285 = vector.multi_reduction <minimumf>, %select_n3A_283, %reduce_min3A_284 [1] : vector<8x4000xf32> to vector<8xf32>
    %broadcast_in_dim3A_286 = vector.shape_cast %reduce_min3A_285 : vector<8xf32> to vector<8x1xf32>
    %eq3A_287 = vector.broadcast %broadcast_in_dim3A_286 : vector<8x1xf32> to vector<8x4000xf32>
    %eq3A_288 = arith.cmpf oeq, %select_n3A_283, %eq3A_287 : vector<8x4000xf32>
    %mul3A_289 = arith.constant 8 : i32
    %mul3A_290 = arith.muli %mul3A_289, %arg0 : i32
    %swap3A_291 = arith.index_cast %mul3A_290 : i32 to index
    %swap3A_292 = arith.constant 10 : index
    %swap3A_293 = vector.load %arg6[%swap3A_291, %swap3A_292] : memref<200x25xf32, #tpu.memory_space<vmem>>, vector<8x1xf32>
    tpu.vector_store %arg6[%swap3A_291, %swap3A_292], %broadcast_in_dim3A_286 {strides = array<i32>} : memref<200x25xf32, #tpu.memory_space<vmem>>, vector<8x1xf32>,
    %convert_element_type3A_294 = arith.extui %eq3A_288 : vector<8x4000xi1> to vector<8x4000xi32>
    %convert_element_type3A_295 = arith.sitofp %convert_element_type3A_294 : vector<8x4000xi32> to vector<8x4000xf32>
    %reduce_sum3A_296 = arith.constant dense<0.000000e+00> : vector<8xf32>
    %reduce_sum3A_297 = vector.multi_reduction <add>, %convert_element_type3A_295, %reduce_sum3A_296 [1] : vector<8x4000xf32> to vector<8xf32>
    %broadcast_in_dim3A_298 = vector.shape_cast %reduce_sum3A_297 : vector<8xf32> to vector<8x1xf32>
    %mul3A_299 = arith.constant 8 : i32
    %mul3A_300 = arith.muli %mul3A_299, %arg0 : i32
    %swap3A_301 = arith.index_cast %mul3A_300 : i32 to index
    %swap3A_302 = arith.constant 10 : index
    %swap3A_303 = vector.load %arg7[%swap3A_301, %swap3A_302] : memref<200x25xf32, #tpu.memory_space<vmem>>, vector<8x1xf32>
    tpu.vector_store %arg7[%swap3A_301, %swap3A_302], %broadcast_in_dim3A_298 {strides = array<i32>} : memref<200x25xf32, #tpu.memory_space<vmem>>, vector<8x1xf32>,
    %jit3A_304 = arith.constant 0x7F800000 : f32
    %broadcast_in_dim3A_305 = vector.broadcast %jit3A_304 : f32 to vector<8x4000xf32>
    %select_n3A_306 = arith.select %eq3A_288, %broadcast_in_dim3A_305, %select_n3A_283 : vector<8x4000xi1>, vector<8x4000xf32>
    %reduce_min3A_307 = arith.constant dense<0x7F800000> : vector<8xf32>
    %reduce_min3A_308 = vector.multi_reduction <minimumf>, %select_n3A_306, %reduce_min3A_307 [1] : vector<8x4000xf32> to vector<8xf32>
    %broadcast_in_dim3A_309 = vector.shape_cast %reduce_min3A_308 : vector<8xf32> to vector<8x1xf32>
    %eq3A_310 = vector.broadcast %broadcast_in_dim3A_309 : vector<8x1xf32> to vector<8x4000xf32>
    %eq3A_311 = arith.cmpf oeq, %select_n3A_306, %eq3A_310 : vector<8x4000xf32>
    %mul3A_312 = arith.constant 8 : i32
    %mul3A_313 = arith.muli %mul3A_312, %arg0 : i32
    %swap3A_314 = arith.index_cast %mul3A_313 : i32 to index
    %swap3A_315 = arith.constant 11 : index
    %swap3A_316 = vector.load %arg6[%swap3A_314, %swap3A_315] : memref<200x25xf32, #tpu.memory_space<vmem>>, vector<8x1xf32>
    tpu.vector_store %arg6[%swap3A_314, %swap3A_315], %broadcast_in_dim3A_309 {strides = array<i32>} : memref<200x25xf32, #tpu.memory_space<vmem>>, vector<8x1xf32>,
    %convert_element_type3A_317 = arith.extui %eq3A_311 : vector<8x4000xi1> to vector<8x4000xi32>
    %convert_element_type3A_318 = arith.sitofp %convert_element_type3A_317 : vector<8x4000xi32> to vector<8x4000xf32>
    %reduce_sum3A_319 = arith.constant dense<0.000000e+00> : vector<8xf32>
    %reduce_sum3A_320 = vector.multi_reduction <add>, %convert_element_type3A_318, %reduce_sum3A_319 [1] : vector<8x4000xf32> to vector<8xf32>
    %broadcast_in_dim3A_321 = vector.shape_cast %reduce_sum3A_320 : vector<8xf32> to vector<8x1xf32>
    %mul3A_322 = arith.constant 8 : i32
    %mul3A_323 = arith.muli %mul3A_322, %arg0 : i32
    %swap3A_324 = arith.index_cast %mul3A_323 : i32 to index
    %swap3A_325 = arith.constant 11 : index
    %swap3A_326 = vector.load %arg7[%swap3A_324, %swap3A_325] : memref<200x25xf32, #tpu.memory_space<vmem>>, vector<8x1xf32>
    tpu.vector_store %arg7[%swap3A_324, %swap3A_325], %broadcast_in_dim3A_321 {strides = array<i32>} : memref<200x25xf32, #tpu.memory_space<vmem>>, vector<8x1xf32>,
    %jit3A_327 = arith.constant 0x7F800000 : f32
    %broadcast_in_dim3A_328 = vector.broadcast %jit3A_327 : f32 to vector<8x4000xf32>
    %select_n3A_329 = arith.select %eq3A_311, %broadcast_in_dim3A_328, %select_n3A_306 : vector<8x4000xi1>, vector<8x4000xf32>
    %reduce_min3A_330 = arith.constant dense<0x7F800000> : vector<8xf32>
    %reduce_min3A_331 = vector.multi_reduction <minimumf>, %select_n3A_329, %reduce_min3A_330 [1] : vector<8x4000xf32> to vector<8xf32>
    %broadcast_in_dim3A_332 = vector.shape_cast %reduce_min3A_331 : vector<8xf32> to vector<8x1xf32>
    %eq3A_333 = vector.broadcast %broadcast_in_dim3A_332 : vector<8x1xf32> to vector<8x4000xf32>
    %eq3A_334 = arith.cmpf oeq, %select_n3A_329, %eq3A_333 : vector<8x4000xf32>
    %mul3A_335 = arith.constant 8 : i32
    %mul3A_336 = arith.muli %mul3A_335, %arg0 : i32
    %swap3A_337 = arith.index_cast %mul3A_336 : i32 to index
    %swap3A_338 = arith.constant 12 : index
    %swap3A_339 = vector.load %arg6[%swap3A_337, %swap3A_338] : memref<200x25xf32, #tpu.memory_space<vmem>>, vector<8x1xf32>
    tpu.vector_store %arg6[%swap3A_337, %swap3A_338], %broadcast_in_dim3A_332 {strides = array<i32>} : memref<200x25xf32, #tpu.memory_space<vmem>>, vector<8x1xf32>,
    %convert_element_type3A_340 = arith.extui %eq3A_334 : vector<8x4000xi1> to vector<8x4000xi32>
    %convert_element_type3A_341 = arith.sitofp %convert_element_type3A_340 : vector<8x4000xi32> to vector<8x4000xf32>
    %reduce_sum3A_342 = arith.constant dense<0.000000e+00> : vector<8xf32>
    %reduce_sum3A_343 = vector.multi_reduction <add>, %convert_element_type3A_341, %reduce_sum3A_342 [1] : vector<8x4000xf32> to vector<8xf32>
    %broadcast_in_dim3A_344 = vector.shape_cast %reduce_sum3A_343 : vector<8xf32> to vector<8x1xf32>
    %mul3A_345 = arith.constant 8 : i32
    %mul3A_346 = arith.muli %mul3A_345, %arg0 : i32
    %swap3A_347 = arith.index_cast %mul3A_346 : i32 to index
    %swap3A_348 = arith.constant 12 : index
    %swap3A_349 = vector.load %arg7[%swap3A_347, %swap3A_348] : memref<200x25xf32, #tpu.memory_space<vmem>>, vector<8x1xf32>
    tpu.vector_store %arg7[%swap3A_347, %swap3A_348], %broadcast_in_dim3A_344 {strides = array<i32>} : memref<200x25xf32, #tpu.memory_space<vmem>>, vector<8x1xf32>,
    %jit3A_350 = arith.constant 0x7F800000 : f32
    %broadcast_in_dim3A_351 = vector.broadcast %jit3A_350 : f32 to vector<8x4000xf32>
    %select_n3A_352 = arith.select %eq3A_334, %broadcast_in_dim3A_351, %select_n3A_329 : vector<8x4000xi1>, vector<8x4000xf32>
    %reduce_min3A_353 = arith.constant dense<0x7F800000> : vector<8xf32>
    %reduce_min3A_354 = vector.multi_reduction <minimumf>, %select_n3A_352, %reduce_min3A_353 [1] : vector<8x4000xf32> to vector<8xf32>
    %broadcast_in_dim3A_355 = vector.shape_cast %reduce_min3A_354 : vector<8xf32> to vector<8x1xf32>
    %eq3A_356 = vector.broadcast %broadcast_in_dim3A_355 : vector<8x1xf32> to vector<8x4000xf32>
    %eq3A_357 = arith.cmpf oeq, %select_n3A_352, %eq3A_356 : vector<8x4000xf32>
    %mul3A_358 = arith.constant 8 : i32
    %mul3A_359 = arith.muli %mul3A_358, %arg0 : i32
    %swap3A_360 = arith.index_cast %mul3A_359 : i32 to index
    %swap3A_361 = arith.constant 13 : index
    %swap3A_362 = vector.load %arg6[%swap3A_360, %swap3A_361] : memref<200x25xf32, #tpu.memory_space<vmem>>, vector<8x1xf32>
    tpu.vector_store %arg6[%swap3A_360, %swap3A_361], %broadcast_in_dim3A_355 {strides = array<i32>} : memref<200x25xf32, #tpu.memory_space<vmem>>, vector<8x1xf32>,
    %convert_element_type3A_363 = arith.extui %eq3A_357 : vector<8x4000xi1> to vector<8x4000xi32>
    %convert_element_type3A_364 = arith.sitofp %convert_element_type3A_363 : vector<8x4000xi32> to vector<8x4000xf32>
    %reduce_sum3A_365 = arith.constant dense<0.000000e+00> : vector<8xf32>
    %reduce_sum3A_366 = vector.multi_reduction <add>, %convert_element_type3A_364, %reduce_sum3A_365 [1] : vector<8x4000xf32> to vector<8xf32>
    %broadcast_in_dim3A_367 = vector.shape_cast %reduce_sum3A_366 : vector<8xf32> to vector<8x1xf32>
    %mul3A_368 = arith.constant 8 : i32
    %mul3A_369 = arith.muli %mul3A_368, %arg0 : i32
    %swap3A_370 = arith.index_cast %mul3A_369 : i32 to index
    %swap3A_371 = arith.constant 13 : index
    %swap3A_372 = vector.load %arg7[%swap3A_370, %swap3A_371] : memref<200x25xf32, #tpu.memory_space<vmem>>, vector<8x1xf32>
    tpu.vector_store %arg7[%swap3A_370, %swap3A_371], %broadcast_in_dim3A_367 {strides = array<i32>} : memref<200x25xf32, #tpu.memory_space<vmem>>, vector<8x1xf32>,
    %jit3A_373 = arith.constant 0x7F800000 : f32
    %broadcast_in_dim3A_374 = vector.broadcast %jit3A_373 : f32 to vector<8x4000xf32>
    %select_n3A_375 = arith.select %eq3A_357, %broadcast_in_dim3A_374, %select_n3A_352 : vector<8x4000xi1>, vector<8x4000xf32>
    %reduce_min3A_376 = arith.constant dense<0x7F800000> : vector<8xf32>
    %reduce_min3A_377 = vector.multi_reduction <minimumf>, %select_n3A_375, %reduce_min3A_376 [1] : vector<8x4000xf32> to vector<8xf32>
    %broadcast_in_dim3A_378 = vector.shape_cast %reduce_min3A_377 : vector<8xf32> to vector<8x1xf32>
    %eq3A_379 = vector.broadcast %broadcast_in_dim3A_378 : vector<8x1xf32> to vector<8x4000xf32>
    %eq3A_380 = arith.cmpf oeq, %select_n3A_375, %eq3A_379 : vector<8x4000xf32>
    %mul3A_381 = arith.constant 8 : i32
    %mul3A_382 = arith.muli %mul3A_381, %arg0 : i32
    %swap3A_383 = arith.index_cast %mul3A_382 : i32 to index
    %swap3A_384 = arith.constant 14 : index
    %swap3A_385 = vector.load %arg6[%swap3A_383, %swap3A_384] : memref<200x25xf32, #tpu.memory_space<vmem>>, vector<8x1xf32>
    tpu.vector_store %arg6[%swap3A_383, %swap3A_384], %broadcast_in_dim3A_378 {strides = array<i32>} : memref<200x25xf32, #tpu.memory_space<vmem>>, vector<8x1xf32>,
    %convert_element_type3A_386 = arith.extui %eq3A_380 : vector<8x4000xi1> to vector<8x4000xi32>
    %convert_element_type3A_387 = arith.sitofp %convert_element_type3A_386 : vector<8x4000xi32> to vector<8x4000xf32>
    %reduce_sum3A_388 = arith.constant dense<0.000000e+00> : vector<8xf32>
    %reduce_sum3A_389 = vector.multi_reduction <add>, %convert_element_type3A_387, %reduce_sum3A_388 [1] : vector<8x4000xf32> to vector<8xf32>
    %broadcast_in_dim3A_390 = vector.shape_cast %reduce_sum3A_389 : vector<8xf32> to vector<8x1xf32>
    %mul3A_391 = arith.constant 8 : i32
    %mul3A_392 = arith.muli %mul3A_391, %arg0 : i32
    %swap3A_393 = arith.index_cast %mul3A_392 : i32 to index
    %swap3A_394 = arith.constant 14 : index
    %swap3A_395 = vector.load %arg7[%swap3A_393, %swap3A_394] : memref<200x25xf32, #tpu.memory_space<vmem>>, vector<8x1xf32>
    tpu.vector_store %arg7[%swap3A_393, %swap3A_394], %broadcast_in_dim3A_390 {strides = array<i32>} : memref<200x25xf32, #tpu.memory_space<vmem>>, vector<8x1xf32>,
    %jit3A_396 = arith.constant 0x7F800000 : f32
    %broadcast_in_dim3A_397 = vector.broadcast %jit3A_396 : f32 to vector<8x4000xf32>
    %select_n3A_398 = arith.select %eq3A_380, %broadcast_in_dim3A_397, %select_n3A_375 : vector<8x4000xi1>, vector<8x4000xf32>
    %reduce_min3A_399 = arith.constant dense<0x7F800000> : vector<8xf32>
    %reduce_min3A_400 = vector.multi_reduction <minimumf>, %select_n3A_398, %reduce_min3A_399 [1] : vector<8x4000xf32> to vector<8xf32>
    %broadcast_in_dim3A_401 = vector.shape_cast %reduce_min3A_400 : vector<8xf32> to vector<8x1xf32>
    %eq3A_402 = vector.broadcast %broadcast_in_dim3A_401 : vector<8x1xf32> to vector<8x4000xf32>
    %eq3A_403 = arith.cmpf oeq, %select_n3A_398, %eq3A_402 : vector<8x4000xf32>
    %mul3A_404 = arith.constant 8 : i32
    %mul3A_405 = arith.muli %mul3A_404, %arg0 : i32
    %swap3A_406 = arith.index_cast %mul3A_405 : i32 to index
    %swap3A_407 = arith.constant 15 : index
    %swap3A_408 = vector.load %arg6[%swap3A_406, %swap3A_407] : memref<200x25xf32, #tpu.memory_space<vmem>>, vector<8x1xf32>
    tpu.vector_store %arg6[%swap3A_406, %swap3A_407], %broadcast_in_dim3A_401 {strides = array<i32>} : memref<200x25xf32, #tpu.memory_space<vmem>>, vector<8x1xf32>,
    %convert_element_type3A_409 = arith.extui %eq3A_403 : vector<8x4000xi1> to vector<8x4000xi32>
    %convert_element_type3A_410 = arith.sitofp %convert_element_type3A_409 : vector<8x4000xi32> to vector<8x4000xf32>
    %reduce_sum3A_411 = arith.constant dense<0.000000e+00> : vector<8xf32>
    %reduce_sum3A_412 = vector.multi_reduction <add>, %convert_element_type3A_410, %reduce_sum3A_411 [1] : vector<8x4000xf32> to vector<8xf32>
    %broadcast_in_dim3A_413 = vector.shape_cast %reduce_sum3A_412 : vector<8xf32> to vector<8x1xf32>
    %mul3A_414 = arith.constant 8 : i32
    %mul3A_415 = arith.muli %mul3A_414, %arg0 : i32
    %swap3A_416 = arith.index_cast %mul3A_415 : i32 to index
    %swap3A_417 = arith.constant 15 : index
    %swap3A_418 = vector.load %arg7[%swap3A_416, %swap3A_417] : memref<200x25xf32, #tpu.memory_space<vmem>>, vector<8x1xf32>
    tpu.vector_store %arg7[%swap3A_416, %swap3A_417], %broadcast_in_dim3A_413 {strides = array<i32>} : memref<200x25xf32, #tpu.memory_space<vmem>>, vector<8x1xf32>,
    %jit3A_419 = arith.constant 0x7F800000 : f32
    %broadcast_in_dim3A_420 = vector.broadcast %jit3A_419 : f32 to vector<8x4000xf32>
    %select_n3A_421 = arith.select %eq3A_403, %broadcast_in_dim3A_420, %select_n3A_398 : vector<8x4000xi1>, vector<8x4000xf32>
    %reduce_min3A_422 = arith.constant dense<0x7F800000> : vector<8xf32>
    %reduce_min3A_423 = vector.multi_reduction <minimumf>, %select_n3A_421, %reduce_min3A_422 [1] : vector<8x4000xf32> to vector<8xf32>
    %broadcast_in_dim3A_424 = vector.shape_cast %reduce_min3A_423 : vector<8xf32> to vector<8x1xf32>
    %eq3A_425 = vector.broadcast %broadcast_in_dim3A_424 : vector<8x1xf32> to vector<8x4000xf32>
    %eq3A_426 = arith.cmpf oeq, %select_n3A_421, %eq3A_425 : vector<8x4000xf32>
    %mul3A_427 = arith.constant 8 : i32
    %mul3A_428 = arith.muli %mul3A_427, %arg0 : i32
    %swap3A_429 = arith.index_cast %mul3A_428 : i32 to index
    %swap3A_430 = arith.constant 16 : index
    %swap3A_431 = vector.load %arg6[%swap3A_429, %swap3A_430] : memref<200x25xf32, #tpu.memory_space<vmem>>, vector<8x1xf32>
    tpu.vector_store %arg6[%swap3A_429, %swap3A_430], %broadcast_in_dim3A_424 {strides = array<i32>} : memref<200x25xf32, #tpu.memory_space<vmem>>, vector<8x1xf32>,
    %convert_element_type3A_432 = arith.extui %eq3A_426 : vector<8x4000xi1> to vector<8x4000xi32>
    %convert_element_type3A_433 = arith.sitofp %convert_element_type3A_432 : vector<8x4000xi32> to vector<8x4000xf32>
    %reduce_sum3A_434 = arith.constant dense<0.000000e+00> : vector<8xf32>
    %reduce_sum3A_435 = vector.multi_reduction <add>, %convert_element_type3A_433, %reduce_sum3A_434 [1] : vector<8x4000xf32> to vector<8xf32>
    %broadcast_in_dim3A_436 = vector.shape_cast %reduce_sum3A_435 : vector<8xf32> to vector<8x1xf32>
    %mul3A_437 = arith.constant 8 : i32
    %mul3A_438 = arith.muli %mul3A_437, %arg0 : i32
    %swap3A_439 = arith.index_cast %mul3A_438 : i32 to index
    %swap3A_440 = arith.constant 16 : index
    %swap3A_441 = vector.load %arg7[%swap3A_439, %swap3A_440] : memref<200x25xf32, #tpu.memory_space<vmem>>, vector<8x1xf32>
    tpu.vector_store %arg7[%swap3A_439, %swap3A_440], %broadcast_in_dim3A_436 {strides = array<i32>} : memref<200x25xf32, #tpu.memory_space<vmem>>, vector<8x1xf32>,
    %jit3A_442 = arith.constant 0x7F800000 : f32
    %broadcast_in_dim3A_443 = vector.broadcast %jit3A_442 : f32 to vector<8x4000xf32>
    %select_n3A_444 = arith.select %eq3A_426, %broadcast_in_dim3A_443, %select_n3A_421 : vector<8x4000xi1>, vector<8x4000xf32>
    %reduce_min3A_445 = arith.constant dense<0x7F800000> : vector<8xf32>
    %reduce_min3A_446 = vector.multi_reduction <minimumf>, %select_n3A_444, %reduce_min3A_445 [1] : vector<8x4000xf32> to vector<8xf32>
    %broadcast_in_dim3A_447 = vector.shape_cast %reduce_min3A_446 : vector<8xf32> to vector<8x1xf32>
    %eq3A_448 = vector.broadcast %broadcast_in_dim3A_447 : vector<8x1xf32> to vector<8x4000xf32>
    %eq3A_449 = arith.cmpf oeq, %select_n3A_444, %eq3A_448 : vector<8x4000xf32>
    %mul3A_450 = arith.constant 8 : i32
    %mul3A_451 = arith.muli %mul3A_450, %arg0 : i32
    %swap3A_452 = arith.index_cast %mul3A_451 : i32 to index
    %swap3A_453 = arith.constant 17 : index
    %swap3A_454 = vector.load %arg6[%swap3A_452, %swap3A_453] : memref<200x25xf32, #tpu.memory_space<vmem>>, vector<8x1xf32>
    tpu.vector_store %arg6[%swap3A_452, %swap3A_453], %broadcast_in_dim3A_447 {strides = array<i32>} : memref<200x25xf32, #tpu.memory_space<vmem>>, vector<8x1xf32>,
    %convert_element_type3A_455 = arith.extui %eq3A_449 : vector<8x4000xi1> to vector<8x4000xi32>
    %convert_element_type3A_456 = arith.sitofp %convert_element_type3A_455 : vector<8x4000xi32> to vector<8x4000xf32>
    %reduce_sum3A_457 = arith.constant dense<0.000000e+00> : vector<8xf32>
    %reduce_sum3A_458 = vector.multi_reduction <add>, %convert_element_type3A_456, %reduce_sum3A_457 [1] : vector<8x4000xf32> to vector<8xf32>
    %broadcast_in_dim3A_459 = vector.shape_cast %reduce_sum3A_458 : vector<8xf32> to vector<8x1xf32>
    %mul3A_460 = arith.constant 8 : i32
    %mul3A_461 = arith.muli %mul3A_460, %arg0 : i32
    %swap3A_462 = arith.index_cast %mul3A_461 : i32 to index
    %swap3A_463 = arith.constant 17 : index
    %swap3A_464 = vector.load %arg7[%swap3A_462, %swap3A_463] : memref<200x25xf32, #tpu.memory_space<vmem>>, vector<8x1xf32>
    tpu.vector_store %arg7[%swap3A_462, %swap3A_463], %broadcast_in_dim3A_459 {strides = array<i32>} : memref<200x25xf32, #tpu.memory_space<vmem>>, vector<8x1xf32>,
    %jit3A_465 = arith.constant 0x7F800000 : f32
    %broadcast_in_dim3A_466 = vector.broadcast %jit3A_465 : f32 to vector<8x4000xf32>
    %select_n3A_467 = arith.select %eq3A_449, %broadcast_in_dim3A_466, %select_n3A_444 : vector<8x4000xi1>, vector<8x4000xf32>
    %reduce_min3A_468 = arith.constant dense<0x7F800000> : vector<8xf32>
    %reduce_min3A_469 = vector.multi_reduction <minimumf>, %select_n3A_467, %reduce_min3A_468 [1] : vector<8x4000xf32> to vector<8xf32>
    %broadcast_in_dim3A_470 = vector.shape_cast %reduce_min3A_469 : vector<8xf32> to vector<8x1xf32>
    %eq3A_471 = vector.broadcast %broadcast_in_dim3A_470 : vector<8x1xf32> to vector<8x4000xf32>
    %eq3A_472 = arith.cmpf oeq, %select_n3A_467, %eq3A_471 : vector<8x4000xf32>
    %mul3A_473 = arith.constant 8 : i32
    %mul3A_474 = arith.muli %mul3A_473, %arg0 : i32
    %swap3A_475 = arith.index_cast %mul3A_474 : i32 to index
    %swap3A_476 = arith.constant 18 : index
    %swap3A_477 = vector.load %arg6[%swap3A_475, %swap3A_476] : memref<200x25xf32, #tpu.memory_space<vmem>>, vector<8x1xf32>
    tpu.vector_store %arg6[%swap3A_475, %swap3A_476], %broadcast_in_dim3A_470 {strides = array<i32>} : memref<200x25xf32, #tpu.memory_space<vmem>>, vector<8x1xf32>,
    %convert_element_type3A_478 = arith.extui %eq3A_472 : vector<8x4000xi1> to vector<8x4000xi32>
    %convert_element_type3A_479 = arith.sitofp %convert_element_type3A_478 : vector<8x4000xi32> to vector<8x4000xf32>
    %reduce_sum3A_480 = arith.constant dense<0.000000e+00> : vector<8xf32>
    %reduce_sum3A_481 = vector.multi_reduction <add>, %convert_element_type3A_479, %reduce_sum3A_480 [1] : vector<8x4000xf32> to vector<8xf32>
    %broadcast_in_dim3A_482 = vector.shape_cast %reduce_sum3A_481 : vector<8xf32> to vector<8x1xf32>
    %mul3A_483 = arith.constant 8 : i32
    %mul3A_484 = arith.muli %mul3A_483, %arg0 : i32
    %swap3A_485 = arith.index_cast %mul3A_484 : i32 to index
    %swap3A_486 = arith.constant 18 : index
    %swap3A_487 = vector.load %arg7[%swap3A_485, %swap3A_486] : memref<200x25xf32, #tpu.memory_space<vmem>>, vector<8x1xf32>
    tpu.vector_store %arg7[%swap3A_485, %swap3A_486], %broadcast_in_dim3A_482 {strides = array<i32>} : memref<200x25xf32, #tpu.memory_space<vmem>>, vector<8x1xf32>,
    %jit3A_488 = arith.constant 0x7F800000 : f32
    %broadcast_in_dim3A_489 = vector.broadcast %jit3A_488 : f32 to vector<8x4000xf32>
    %select_n3A_490 = arith.select %eq3A_472, %broadcast_in_dim3A_489, %select_n3A_467 : vector<8x4000xi1>, vector<8x4000xf32>
    %reduce_min3A_491 = arith.constant dense<0x7F800000> : vector<8xf32>
    %reduce_min3A_492 = vector.multi_reduction <minimumf>, %select_n3A_490, %reduce_min3A_491 [1] : vector<8x4000xf32> to vector<8xf32>
    %broadcast_in_dim3A_493 = vector.shape_cast %reduce_min3A_492 : vector<8xf32> to vector<8x1xf32>
    %eq3A_494 = vector.broadcast %broadcast_in_dim3A_493 : vector<8x1xf32> to vector<8x4000xf32>
    %eq3A_495 = arith.cmpf oeq, %select_n3A_490, %eq3A_494 : vector<8x4000xf32>
    %mul3A_496 = arith.constant 8 : i32
    %mul3A_497 = arith.muli %mul3A_496, %arg0 : i32
    %swap3A_498 = arith.index_cast %mul3A_497 : i32 to index
    %swap3A_499 = arith.constant 19 : index
    %swap3A_500 = vector.load %arg6[%swap3A_498, %swap3A_499] : memref<200x25xf32, #tpu.memory_space<vmem>>, vector<8x1xf32>
    tpu.vector_store %arg6[%swap3A_498, %swap3A_499], %broadcast_in_dim3A_493 {strides = array<i32>} : memref<200x25xf32, #tpu.memory_space<vmem>>, vector<8x1xf32>,
    %convert_element_type3A_501 = arith.extui %eq3A_495 : vector<8x4000xi1> to vector<8x4000xi32>
    %convert_element_type3A_502 = arith.sitofp %convert_element_type3A_501 : vector<8x4000xi32> to vector<8x4000xf32>
    %reduce_sum3A_503 = arith.constant dense<0.000000e+00> : vector<8xf32>
    %reduce_sum3A_504 = vector.multi_reduction <add>, %convert_element_type3A_502, %reduce_sum3A_503 [1] : vector<8x4000xf32> to vector<8xf32>
    %broadcast_in_dim3A_505 = vector.shape_cast %reduce_sum3A_504 : vector<8xf32> to vector<8x1xf32>
    %mul3A_506 = arith.constant 8 : i32
    %mul3A_507 = arith.muli %mul3A_506, %arg0 : i32
    %swap3A_508 = arith.index_cast %mul3A_507 : i32 to index
    %swap3A_509 = arith.constant 19 : index
    %swap3A_510 = vector.load %arg7[%swap3A_508, %swap3A_509] : memref<200x25xf32, #tpu.memory_space<vmem>>, vector<8x1xf32>
    tpu.vector_store %arg7[%swap3A_508, %swap3A_509], %broadcast_in_dim3A_505 {strides = array<i32>} : memref<200x25xf32, #tpu.memory_space<vmem>>, vector<8x1xf32>,
    %jit3A_511 = arith.constant 0x7F800000 : f32
    %broadcast_in_dim3A_512 = vector.broadcast %jit3A_511 : f32 to vector<8x4000xf32>
    %select_n3A_513 = arith.select %eq3A_495, %broadcast_in_dim3A_512, %select_n3A_490 : vector<8x4000xi1>, vector<8x4000xf32>
    %reduce_min3A_514 = arith.constant dense<0x7F800000> : vector<8xf32>
    %reduce_min3A_515 = vector.multi_reduction <minimumf>, %select_n3A_513, %reduce_min3A_514 [1] : vector<8x4000xf32> to vector<8xf32>
    %broadcast_in_dim3A_516 = vector.shape_cast %reduce_min3A_515 : vector<8xf32> to vector<8x1xf32>
    %eq3A_517 = vector.broadcast %broadcast_in_dim3A_516 : vector<8x1xf32> to vector<8x4000xf32>
    %eq3A_518 = arith.cmpf oeq, %select_n3A_513, %eq3A_517 : vector<8x4000xf32>
    %mul3A_519 = arith.constant 8 : i32
    %mul3A_520 = arith.muli %mul3A_519, %arg0 : i32
    %swap3A_521 = arith.index_cast %mul3A_520 : i32 to index
    %swap3A_522 = arith.constant 20 : index
    %swap3A_523 = vector.load %arg6[%swap3A_521, %swap3A_522] : memref<200x25xf32, #tpu.memory_space<vmem>>, vector<8x1xf32>
    tpu.vector_store %arg6[%swap3A_521, %swap3A_522], %broadcast_in_dim3A_516 {strides = array<i32>} : memref<200x25xf32, #tpu.memory_space<vmem>>, vector<8x1xf32>,
    %convert_element_type3A_524 = arith.extui %eq3A_518 : vector<8x4000xi1> to vector<8x4000xi32>
    %convert_element_type3A_525 = arith.sitofp %convert_element_type3A_524 : vector<8x4000xi32> to vector<8x4000xf32>
    %reduce_sum3A_526 = arith.constant dense<0.000000e+00> : vector<8xf32>
    %reduce_sum3A_527 = vector.multi_reduction <add>, %convert_element_type3A_525, %reduce_sum3A_526 [1] : vector<8x4000xf32> to vector<8xf32>
    %broadcast_in_dim3A_528 = vector.shape_cast %reduce_sum3A_527 : vector<8xf32> to vector<8x1xf32>
    %mul3A_529 = arith.constant 8 : i32
    %mul3A_530 = arith.muli %mul3A_529, %arg0 : i32
    %swap3A_531 = arith.index_cast %mul3A_530 : i32 to index
    %swap3A_532 = arith.constant 20 : index
    %swap3A_533 = vector.load %arg7[%swap3A_531, %swap3A_532] : memref<200x25xf32, #tpu.memory_space<vmem>>, vector<8x1xf32>
    tpu.vector_store %arg7[%swap3A_531, %swap3A_532], %broadcast_in_dim3A_528 {strides = array<i32>} : memref<200x25xf32, #tpu.memory_space<vmem>>, vector<8x1xf32>,
    %jit3A_534 = arith.constant 0x7F800000 : f32
    %broadcast_in_dim3A_535 = vector.broadcast %jit3A_534 : f32 to vector<8x4000xf32>
    %select_n3A_536 = arith.select %eq3A_518, %broadcast_in_dim3A_535, %select_n3A_513 : vector<8x4000xi1>, vector<8x4000xf32>
    %reduce_min3A_537 = arith.constant dense<0x7F800000> : vector<8xf32>
    %reduce_min3A_538 = vector.multi_reduction <minimumf>, %select_n3A_536, %reduce_min3A_537 [1] : vector<8x4000xf32> to vector<8xf32>
    %broadcast_in_dim3A_539 = vector.shape_cast %reduce_min3A_538 : vector<8xf32> to vector<8x1xf32>
    %eq3A_540 = vector.broadcast %broadcast_in_dim3A_539 : vector<8x1xf32> to vector<8x4000xf32>
    %eq3A_541 = arith.cmpf oeq, %select_n3A_536, %eq3A_540 : vector<8x4000xf32>
    %mul3A_542 = arith.constant 8 : i32
    %mul3A_543 = arith.muli %mul3A_542, %arg0 : i32
    %swap3A_544 = arith.index_cast %mul3A_543 : i32 to index
    %swap3A_545 = arith.constant 21 : index
    %swap3A_546 = vector.load %arg6[%swap3A_544, %swap3A_545] : memref<200x25xf32, #tpu.memory_space<vmem>>, vector<8x1xf32>
    tpu.vector_store %arg6[%swap3A_544, %swap3A_545], %broadcast_in_dim3A_539 {strides = array<i32>} : memref<200x25xf32, #tpu.memory_space<vmem>>, vector<8x1xf32>,
    %convert_element_type3A_547 = arith.extui %eq3A_541 : vector<8x4000xi1> to vector<8x4000xi32>
    %convert_element_type3A_548 = arith.sitofp %convert_element_type3A_547 : vector<8x4000xi32> to vector<8x4000xf32>
    %reduce_sum3A_549 = arith.constant dense<0.000000e+00> : vector<8xf32>
    %reduce_sum3A_550 = vector.multi_reduction <add>, %convert_element_type3A_548, %reduce_sum3A_549 [1] : vector<8x4000xf32> to vector<8xf32>
    %broadcast_in_dim3A_551 = vector.shape_cast %reduce_sum3A_550 : vector<8xf32> to vector<8x1xf32>
    %mul3A_552 = arith.constant 8 : i32
    %mul3A_553 = arith.muli %mul3A_552, %arg0 : i32
    %swap3A_554 = arith.index_cast %mul3A_553 : i32 to index
    %swap3A_555 = arith.constant 21 : index
    %swap3A_556 = vector.load %arg7[%swap3A_554, %swap3A_555] : memref<200x25xf32, #tpu.memory_space<vmem>>, vector<8x1xf32>
    tpu.vector_store %arg7[%swap3A_554, %swap3A_555], %broadcast_in_dim3A_551 {strides = array<i32>} : memref<200x25xf32, #tpu.memory_space<vmem>>, vector<8x1xf32>,
    %jit3A_557 = arith.constant 0x7F800000 : f32
    %broadcast_in_dim3A_558 = vector.broadcast %jit3A_557 : f32 to vector<8x4000xf32>
    %select_n3A_559 = arith.select %eq3A_541, %broadcast_in_dim3A_558, %select_n3A_536 : vector<8x4000xi1>, vector<8x4000xf32>
    %reduce_min3A_560 = arith.constant dense<0x7F800000> : vector<8xf32>
    %reduce_min3A_561 = vector.multi_reduction <minimumf>, %select_n3A_559, %reduce_min3A_560 [1] : vector<8x4000xf32> to vector<8xf32>
    %broadcast_in_dim3A_562 = vector.shape_cast %reduce_min3A_561 : vector<8xf32> to vector<8x1xf32>
    %eq3A_563 = vector.broadcast %broadcast_in_dim3A_562 : vector<8x1xf32> to vector<8x4000xf32>
    %eq3A_564 = arith.cmpf oeq, %select_n3A_559, %eq3A_563 : vector<8x4000xf32>
    %mul3A_565 = arith.constant 8 : i32
    %mul3A_566 = arith.muli %mul3A_565, %arg0 : i32
    %swap3A_567 = arith.index_cast %mul3A_566 : i32 to index
    %swap3A_568 = arith.constant 22 : index
    %swap3A_569 = vector.load %arg6[%swap3A_567, %swap3A_568] : memref<200x25xf32, #tpu.memory_space<vmem>>, vector<8x1xf32>
    tpu.vector_store %arg6[%swap3A_567, %swap3A_568], %broadcast_in_dim3A_562 {strides = array<i32>} : memref<200x25xf32, #tpu.memory_space<vmem>>, vector<8x1xf32>,
    %convert_element_type3A_570 = arith.extui %eq3A_564 : vector<8x4000xi1> to vector<8x4000xi32>
    %convert_element_type3A_571 = arith.sitofp %convert_element_type3A_570 : vector<8x4000xi32> to vector<8x4000xf32>
    %reduce_sum3A_572 = arith.constant dense<0.000000e+00> : vector<8xf32>
    %reduce_sum3A_573 = vector.multi_reduction <add>, %convert_element_type3A_571, %reduce_sum3A_572 [1] : vector<8x4000xf32> to vector<8xf32>
    %broadcast_in_dim3A_574 = vector.shape_cast %reduce_sum3A_573 : vector<8xf32> to vector<8x1xf32>
    %mul3A_575 = arith.constant 8 : i32
    %mul3A_576 = arith.muli %mul3A_575, %arg0 : i32
    %swap3A_577 = arith.index_cast %mul3A_576 : i32 to index
    %swap3A_578 = arith.constant 22 : index
    %swap3A_579 = vector.load %arg7[%swap3A_577, %swap3A_578] : memref<200x25xf32, #tpu.memory_space<vmem>>, vector<8x1xf32>
    tpu.vector_store %arg7[%swap3A_577, %swap3A_578], %broadcast_in_dim3A_574 {strides = array<i32>} : memref<200x25xf32, #tpu.memory_space<vmem>>, vector<8x1xf32>,
    %jit3A_580 = arith.constant 0x7F800000 : f32
    %broadcast_in_dim3A_581 = vector.broadcast %jit3A_580 : f32 to vector<8x4000xf32>
    %select_n3A_582 = arith.select %eq3A_564, %broadcast_in_dim3A_581, %select_n3A_559 : vector<8x4000xi1>, vector<8x4000xf32>
    %reduce_min3A_583 = arith.constant dense<0x7F800000> : vector<8xf32>
    %reduce_min3A_584 = vector.multi_reduction <minimumf>, %select_n3A_582, %reduce_min3A_583 [1] : vector<8x4000xf32> to vector<8xf32>
    %broadcast_in_dim3A_585 = vector.shape_cast %reduce_min3A_584 : vector<8xf32> to vector<8x1xf32>
    %eq3A_586 = vector.broadcast %broadcast_in_dim3A_585 : vector<8x1xf32> to vector<8x4000xf32>
    %eq3A_587 = arith.cmpf oeq, %select_n3A_582, %eq3A_586 : vector<8x4000xf32>
    %mul3A_588 = arith.constant 8 : i32
    %mul3A_589 = arith.muli %mul3A_588, %arg0 : i32
    %swap3A_590 = arith.index_cast %mul3A_589 : i32 to index
    %swap3A_591 = arith.constant 23 : index
    %swap3A_592 = vector.load %arg6[%swap3A_590, %swap3A_591] : memref<200x25xf32, #tpu.memory_space<vmem>>, vector<8x1xf32>
    tpu.vector_store %arg6[%swap3A_590, %swap3A_591], %broadcast_in_dim3A_585 {strides = array<i32>} : memref<200x25xf32, #tpu.memory_space<vmem>>, vector<8x1xf32>,
    %convert_element_type3A_593 = arith.extui %eq3A_587 : vector<8x4000xi1> to vector<8x4000xi32>
    %convert_element_type3A_594 = arith.sitofp %convert_element_type3A_593 : vector<8x4000xi32> to vector<8x4000xf32>
    %reduce_sum3A_595 = arith.constant dense<0.000000e+00> : vector<8xf32>
    %reduce_sum3A_596 = vector.multi_reduction <add>, %convert_element_type3A_594, %reduce_sum3A_595 [1] : vector<8x4000xf32> to vector<8xf32>
    %broadcast_in_dim3A_597 = vector.shape_cast %reduce_sum3A_596 : vector<8xf32> to vector<8x1xf32>
    %mul3A_598 = arith.constant 8 : i32
    %mul3A_599 = arith.muli %mul3A_598, %arg0 : i32
    %swap3A_600 = arith.index_cast %mul3A_599 : i32 to index
    %swap3A_601 = arith.constant 23 : index
    %swap3A_602 = vector.load %arg7[%swap3A_600, %swap3A_601] : memref<200x25xf32, #tpu.memory_space<vmem>>, vector<8x1xf32>
    tpu.vector_store %arg7[%swap3A_600, %swap3A_601], %broadcast_in_dim3A_597 {strides = array<i32>} : memref<200x25xf32, #tpu.memory_space<vmem>>, vector<8x1xf32>,
    %jit3A_603 = arith.constant 0x7F800000 : f32
    %broadcast_in_dim3A_604 = vector.broadcast %jit3A_603 : f32 to vector<8x4000xf32>
    %select_n3A_605 = arith.select %eq3A_587, %broadcast_in_dim3A_604, %select_n3A_582 : vector<8x4000xi1>, vector<8x4000xf32>
    %reduce_min3A_606 = arith.constant dense<0x7F800000> : vector<8xf32>
    %reduce_min3A_607 = vector.multi_reduction <minimumf>, %select_n3A_605, %reduce_min3A_606 [1] : vector<8x4000xf32> to vector<8xf32>
    %broadcast_in_dim3A_608 = vector.shape_cast %reduce_min3A_607 : vector<8xf32> to vector<8x1xf32>
    %eq3A_609 = vector.broadcast %broadcast_in_dim3A_608 : vector<8x1xf32> to vector<8x4000xf32>
    %eq3A_610 = arith.cmpf oeq, %select_n3A_605, %eq3A_609 : vector<8x4000xf32>
    %mul3A_611 = arith.constant 8 : i32
    %mul3A_612 = arith.muli %mul3A_611, %arg0 : i32
    %swap3A_613 = arith.index_cast %mul3A_612 : i32 to index
    %swap3A_614 = arith.constant 24 : index
    %swap3A_615 = vector.load %arg6[%swap3A_613, %swap3A_614] : memref<200x25xf32, #tpu.memory_space<vmem>>, vector<8x1xf32>
    tpu.vector_store %arg6[%swap3A_613, %swap3A_614], %broadcast_in_dim3A_608 {strides = array<i32>} : memref<200x25xf32, #tpu.memory_space<vmem>>, vector<8x1xf32>,
    %convert_element_type3A_616 = arith.extui %eq3A_610 : vector<8x4000xi1> to vector<8x4000xi32>
    %convert_element_type3A_617 = arith.sitofp %convert_element_type3A_616 : vector<8x4000xi32> to vector<8x4000xf32>
    %reduce_sum3A_618 = arith.constant dense<0.000000e+00> : vector<8xf32>
    %reduce_sum3A_619 = vector.multi_reduction <add>, %convert_element_type3A_617, %reduce_sum3A_618 [1] : vector<8x4000xf32> to vector<8xf32>
    %broadcast_in_dim3A_620 = vector.shape_cast %reduce_sum3A_619 : vector<8xf32> to vector<8x1xf32>
    %mul3A_621 = arith.constant 8 : i32
    %mul3A_622 = arith.muli %mul3A_621, %arg0 : i32
    %swap3A_623 = arith.index_cast %mul3A_622 : i32 to index
    %swap3A_624 = arith.constant 24 : index
    %swap3A_625 = vector.load %arg7[%swap3A_623, %swap3A_624] : memref<200x25xf32, #tpu.memory_space<vmem>>, vector<8x1xf32>
    tpu.vector_store %arg7[%swap3A_623, %swap3A_624], %broadcast_in_dim3A_620 {strides = array<i32>} : memref<200x25xf32, #tpu.memory_space<vmem>>, vector<8x1xf32>,
    %eq3A_626 = arith.constant 24 : i32
    %eq3A_627 = arith.cmpi eq, %arg0, %eq3A_626 : i32
    %convert_element_type3A_628 = arith.extui %eq3A_627 : i1 to i32
    %cond3A_629 = arith.constant 0 : i32
    %cond3A_630 = arith.cmpi ne, %convert_element_type3A_628, %cond3A_629 : i32
    scf.if %cond3A_630 {
      %get3A_631 = arith.constant 0 : index
      %get3A_632 = arith.constant 0 : index
      %get3A_633 = vector.load %arg6[%get3A_631, %get3A_632] : memref<200x25xf32, #tpu.memory_space<vmem>>, vector<8x25xf32>
      %get3A_634 = arith.constant 8 : index
      %get3A_635 = arith.constant 0 : index
      %get3A_636 = vector.load %arg6[%get3A_634, %get3A_635] : memref<200x25xf32, #tpu.memory_space<vmem>>, vector<8x25xf32>
      %get3A_637 = arith.constant 16 : index
      %get3A_638 = arith.constant 0 : index
      %get3A_639 = vector.load %arg6[%get3A_637, %get3A_638] : memref<200x25xf32, #tpu.memory_space<vmem>>, vector<8x25xf32>
      %get3A_640 = arith.constant 24 : index
      %get3A_641 = arith.constant 0 : index
      %get3A_642 = vector.load %arg6[%get3A_640, %get3A_641] : memref<200x25xf32, #tpu.memory_space<vmem>>, vector<8x25xf32>
      %get3A_643 = arith.constant 32 : index
      %get3A_644 = arith.constant 0 : index
      %get3A_645 = vector.load %arg6[%get3A_643, %get3A_644] : memref<200x25xf32, #tpu.memory_space<vmem>>, vector<8x25xf32>
      %get3A_646 = arith.constant 40 : index
      %get3A_647 = arith.constant 0 : index
      %get3A_648 = vector.load %arg6[%get3A_646, %get3A_647] : memref<200x25xf32, #tpu.memory_space<vmem>>, vector<8x25xf32>
      %get3A_649 = arith.constant 48 : index
      %get3A_650 = arith.constant 0 : index
      %get3A_651 = vector.load %arg6[%get3A_649, %get3A_650] : memref<200x25xf32, #tpu.memory_space<vmem>>, vector<8x25xf32>
      %get3A_652 = arith.constant 56 : index
      %get3A_653 = arith.constant 0 : index
      %get3A_654 = vector.load %arg6[%get3A_652, %get3A_653] : memref<200x25xf32, #tpu.memory_space<vmem>>, vector<8x25xf32>
      %get3A_655 = arith.constant 64 : index
      %get3A_656 = arith.constant 0 : index
      %get3A_657 = vector.load %arg6[%get3A_655, %get3A_656] : memref<200x25xf32, #tpu.memory_space<vmem>>, vector<8x25xf32>
      %get3A_658 = arith.constant 72 : index
      %get3A_659 = arith.constant 0 : index
      %get3A_660 = vector.load %arg6[%get3A_658, %get3A_659] : memref<200x25xf32, #tpu.memory_space<vmem>>, vector<8x25xf32>
      %get3A_661 = arith.constant 80 : index
      %get3A_662 = arith.constant 0 : index
      %get3A_663 = vector.load %arg6[%get3A_661, %get3A_662] : memref<200x25xf32, #tpu.memory_space<vmem>>, vector<8x25xf32>
      %get3A_664 = arith.constant 88 : index
      %get3A_665 = arith.constant 0 : index
      %get3A_666 = vector.load %arg6[%get3A_664, %get3A_665] : memref<200x25xf32, #tpu.memory_space<vmem>>, vector<8x25xf32>
      %get3A_667 = arith.constant 96 : index
      %get3A_668 = arith.constant 0 : index
      %get3A_669 = vector.load %arg6[%get3A_667, %get3A_668] : memref<200x25xf32, #tpu.memory_space<vmem>>, vector<8x25xf32>
      %get3A_670 = arith.constant 104 : index
      %get3A_671 = arith.constant 0 : index
      %get3A_672 = vector.load %arg6[%get3A_670, %get3A_671] : memref<200x25xf32, #tpu.memory_space<vmem>>, vector<8x25xf32>
      %get3A_673 = arith.constant 112 : index
      %get3A_674 = arith.constant 0 : index
      %get3A_675 = vector.load %arg6[%get3A_673, %get3A_674] : memref<200x25xf32, #tpu.memory_space<vmem>>, vector<8x25xf32>
      %get3A_676 = arith.constant 120 : index
      %get3A_677 = arith.constant 0 : index
      %get3A_678 = vector.load %arg6[%get3A_676, %get3A_677] : memref<200x25xf32, #tpu.memory_space<vmem>>, vector<8x25xf32>
      %get3A_679 = arith.constant 128 : index
      %get3A_680 = arith.constant 0 : index
      %get3A_681 = vector.load %arg6[%get3A_679, %get3A_680] : memref<200x25xf32, #tpu.memory_space<vmem>>, vector<8x25xf32>
      %get3A_682 = arith.constant 136 : index
      %get3A_683 = arith.constant 0 : index
      %get3A_684 = vector.load %arg6[%get3A_682, %get3A_683] : memref<200x25xf32, #tpu.memory_space<vmem>>, vector<8x25xf32>
      %get3A_685 = arith.constant 144 : index
      %get3A_686 = arith.constant 0 : index
      %get3A_687 = vector.load %arg6[%get3A_685, %get3A_686] : memref<200x25xf32, #tpu.memory_space<vmem>>, vector<8x25xf32>
      %get3A_688 = arith.constant 152 : index
      %get3A_689 = arith.constant 0 : index
      %get3A_690 = vector.load %arg6[%get3A_688, %get3A_689] : memref<200x25xf32, #tpu.memory_space<vmem>>, vector<8x25xf32>
      %get3A_691 = arith.constant 160 : index
      %get3A_692 = arith.constant 0 : index
      %get3A_693 = vector.load %arg6[%get3A_691, %get3A_692] : memref<200x25xf32, #tpu.memory_space<vmem>>, vector<8x25xf32>
      %get3A_694 = arith.constant 168 : index
      %get3A_695 = arith.constant 0 : index
      %get3A_696 = vector.load %arg6[%get3A_694, %get3A_695] : memref<200x25xf32, #tpu.memory_space<vmem>>, vector<8x25xf32>
      %get3A_697 = arith.constant 176 : index
      %get3A_698 = arith.constant 0 : index
      %get3A_699 = vector.load %arg6[%get3A_697, %get3A_698] : memref<200x25xf32, #tpu.memory_space<vmem>>, vector<8x25xf32>
      %get3A_700 = arith.constant 184 : index
      %get3A_701 = arith.constant 0 : index
      %get3A_702 = vector.load %arg6[%get3A_700, %get3A_701] : memref<200x25xf32, #tpu.memory_space<vmem>>, vector<8x25xf32>
      %get3A_703 = arith.constant 192 : index
      %get3A_704 = arith.constant 0 : index
      %get3A_705 = vector.load %arg6[%get3A_703, %get3A_704] : memref<200x25xf32, #tpu.memory_space<vmem>>, vector<8x25xf32>
      %concatenate3A = tpu.concatenate %get3A_633, %get3A_636, %get3A_639, %get3A_642, %get3A_645, %get3A_648, %get3A_651, %get3A_654, %get3A_657, %get3A_660, %get3A_663, %get3A_666, %get3A_669, %get3A_672, %get3A_675, %get3A_678, %get3A_681, %get3A_684, %get3A_687, %get3A_690, %get3A_693, %get3A_696, %get3A_699, %get3A_702, %get3A_705 in 1 : vector<8x25xf32>, vector<8x25xf32>, vector<8x25xf32>, vector<8x25xf32>, vector<8x25xf32>, vector<8x25xf32>, vector<8x25xf32>, vector<8x25xf32>, vector<8x25xf32>, vector<8x25xf32>, vector<8x25xf32>, vector<8x25xf32>, vector<8x25xf32>, vector<8x25xf32>, vector<8x25xf32>, vector<8x25xf32>, vector<8x25xf32>, vector<8x25xf32>, vector<8x25xf32>, vector<8x25xf32>, vector<8x25xf32>, vector<8x25xf32>, vector<8x25xf32>, vector<8x25xf32>, vector<8x25xf32> -> vector<8x625xf32>
      %get3A_706 = arith.constant 0 : index
      %get3A_707 = arith.constant 0 : index
      %get3A_708 = vector.load %arg7[%get3A_706, %get3A_707] : memref<200x25xf32, #tpu.memory_space<vmem>>, vector<8x25xf32>
      %get3A_709 = arith.constant 8 : index
      %get3A_710 = arith.constant 0 : index
      %get3A_711 = vector.load %arg7[%get3A_709, %get3A_710] : memref<200x25xf32, #tpu.memory_space<vmem>>, vector<8x25xf32>
      %get3A_712 = arith.constant 16 : index
      %get3A_713 = arith.constant 0 : index
      %get3A_714 = vector.load %arg7[%get3A_712, %get3A_713] : memref<200x25xf32, #tpu.memory_space<vmem>>, vector<8x25xf32>
      %get3A_715 = arith.constant 24 : index
      %get3A_716 = arith.constant 0 : index
      %get3A_717 = vector.load %arg7[%get3A_715, %get3A_716] : memref<200x25xf32, #tpu.memory_space<vmem>>, vector<8x25xf32>
      %get3A_718 = arith.constant 32 : index
      %get3A_719 = arith.constant 0 : index
      %get3A_720 = vector.load %arg7[%get3A_718, %get3A_719] : memref<200x25xf32, #tpu.memory_space<vmem>>, vector<8x25xf32>
      %get3A_721 = arith.constant 40 : index
      %get3A_722 = arith.constant 0 : index
      %get3A_723 = vector.load %arg7[%get3A_721, %get3A_722] : memref<200x25xf32, #tpu.memory_space<vmem>>, vector<8x25xf32>
      %get3A_724 = arith.constant 48 : index
      %get3A_725 = arith.constant 0 : index
      %get3A_726 = vector.load %arg7[%get3A_724, %get3A_725] : memref<200x25xf32, #tpu.memory_space<vmem>>, vector<8x25xf32>
      %get3A_727 = arith.constant 56 : index
      %get3A_728 = arith.constant 0 : index
      %get3A_729 = vector.load %arg7[%get3A_727, %get3A_728] : memref<200x25xf32, #tpu.memory_space<vmem>>, vector<8x25xf32>
      %get3A_730 = arith.constant 64 : index
      %get3A_731 = arith.constant 0 : index
      %get3A_732 = vector.load %arg7[%get3A_730, %get3A_731] : memref<200x25xf32, #tpu.memory_space<vmem>>, vector<8x25xf32>
      %get3A_733 = arith.constant 72 : index
      %get3A_734 = arith.constant 0 : index
      %get3A_735 = vector.load %arg7[%get3A_733, %get3A_734] : memref<200x25xf32, #tpu.memory_space<vmem>>, vector<8x25xf32>
      %get3A_736 = arith.constant 80 : index
      %get3A_737 = arith.constant 0 : index
      %get3A_738 = vector.load %arg7[%get3A_736, %get3A_737] : memref<200x25xf32, #tpu.memory_space<vmem>>, vector<8x25xf32>
      %get3A_739 = arith.constant 88 : index
      %get3A_740 = arith.constant 0 : index
      %get3A_741 = vector.load %arg7[%get3A_739, %get3A_740] : memref<200x25xf32, #tpu.memory_space<vmem>>, vector<8x25xf32>
      %get3A_742 = arith.constant 96 : index
      %get3A_743 = arith.constant 0 : index
      %get3A_744 = vector.load %arg7[%get3A_742, %get3A_743] : memref<200x25xf32, #tpu.memory_space<vmem>>, vector<8x25xf32>
      %get3A_745 = arith.constant 104 : index
      %get3A_746 = arith.constant 0 : index
      %get3A_747 = vector.load %arg7[%get3A_745, %get3A_746] : memref<200x25xf32, #tpu.memory_space<vmem>>, vector<8x25xf32>
      %get3A_748 = arith.constant 112 : index
      %get3A_749 = arith.constant 0 : index
      %get3A_750 = vector.load %arg7[%get3A_748, %get3A_749] : memref<200x25xf32, #tpu.memory_space<vmem>>, vector<8x25xf32>
      %get3A_751 = arith.constant 120 : index
      %get3A_752 = arith.constant 0 : index
      %get3A_753 = vector.load %arg7[%get3A_751, %get3A_752] : memref<200x25xf32, #tpu.memory_space<vmem>>, vector<8x25xf32>
      %get3A_754 = arith.constant 128 : index
      %get3A_755 = arith.constant 0 : index
      %get3A_756 = vector.load %arg7[%get3A_754, %get3A_755] : memref<200x25xf32, #tpu.memory_space<vmem>>, vector<8x25xf32>
      %get3A_757 = arith.constant 136 : index
      %get3A_758 = arith.constant 0 : index
      %get3A_759 = vector.load %arg7[%get3A_757, %get3A_758] : memref<200x25xf32, #tpu.memory_space<vmem>>, vector<8x25xf32>
      %get3A_760 = arith.constant 144 : index
      %get3A_761 = arith.constant 0 : index
      %get3A_762 = vector.load %arg7[%get3A_760, %get3A_761] : memref<200x25xf32, #tpu.memory_space<vmem>>, vector<8x25xf32>
      %get3A_763 = arith.constant 152 : index
      %get3A_764 = arith.constant 0 : index
      %get3A_765 = vector.load %arg7[%get3A_763, %get3A_764] : memref<200x25xf32, #tpu.memory_space<vmem>>, vector<8x25xf32>
      %get3A_766 = arith.constant 160 : index
      %get3A_767 = arith.constant 0 : index
      %get3A_768 = vector.load %arg7[%get3A_766, %get3A_767] : memref<200x25xf32, #tpu.memory_space<vmem>>, vector<8x25xf32>
      %get3A_769 = arith.constant 168 : index
      %get3A_770 = arith.constant 0 : index
      %get3A_771 = vector.load %arg7[%get3A_769, %get3A_770] : memref<200x25xf32, #tpu.memory_space<vmem>>, vector<8x25xf32>
      %get3A_772 = arith.constant 176 : index
      %get3A_773 = arith.constant 0 : index
      %get3A_774 = vector.load %arg7[%get3A_772, %get3A_773] : memref<200x25xf32, #tpu.memory_space<vmem>>, vector<8x25xf32>
      %get3A_775 = arith.constant 184 : index
      %get3A_776 = arith.constant 0 : index
      %get3A_777 = vector.load %arg7[%get3A_775, %get3A_776] : memref<200x25xf32, #tpu.memory_space<vmem>>, vector<8x25xf32>
      %get3A_778 = arith.constant 192 : index
      %get3A_779 = arith.constant 0 : index
      %get3A_780 = vector.load %arg7[%get3A_778, %get3A_779] : memref<200x25xf32, #tpu.memory_space<vmem>>, vector<8x25xf32>
      %concatenate3A_781 = tpu.concatenate %get3A_708, %get3A_711, %get3A_714, %get3A_717, %get3A_720, %get3A_723, %get3A_726, %get3A_729, %get3A_732, %get3A_735, %get3A_738, %get3A_741, %get3A_744, %get3A_747, %get3A_750, %get3A_753, %get3A_756, %get3A_759, %get3A_762, %get3A_765, %get3A_768, %get3A_771, %get3A_774, %get3A_777, %get3A_780 in 1 : vector<8x25xf32>, vector<8x25xf32>, vector<8x25xf32>, vector<8x25xf32>, vector<8x25xf32>, vector<8x25xf32>, vector<8x25xf32>, vector<8x25xf32>, vector<8x25xf32>, vector<8x25xf32>, vector<8x25xf32>, vector<8x25xf32>, vector<8x25xf32>, vector<8x25xf32>, vector<8x25xf32>, vector<8x25xf32>, vector<8x25xf32>, vector<8x25xf32>, vector<8x25xf32>, vector<8x25xf32>, vector<8x25xf32>, vector<8x25xf32>, vector<8x25xf32>, vector<8x25xf32>, vector<8x25xf32> -> vector<8x625xf32>
      %broadcast_in_dim3A_782 = arith.constant true
      %broadcast_in_dim3A_783 = vector.broadcast %broadcast_in_dim3A_782 : i1 to vector<8x1xi1>
      %broadcast_in_dim3A_784 = arith.constant 0.000000e+00 : f32
      %broadcast_in_dim3A_785 = vector.broadcast %broadcast_in_dim3A_784 : f32 to vector<8x1xf32>
      %broadcast_in_dim3A_786 = arith.constant 0.000000e+00 : f32
      %broadcast_in_dim3A_787 = vector.broadcast %broadcast_in_dim3A_786 : f32 to vector<8x1xf32>
      %reduce_min3A_788 = arith.constant dense<0x7F800000> : vector<8xf32>
      %reduce_min3A_789 = vector.multi_reduction <minimumf>, %concatenate3A, %reduce_min3A_788 [1] : vector<8x625xf32> to vector<8xf32>
      %broadcast_in_dim3A_790 = vector.shape_cast %reduce_min3A_789 : vector<8xf32> to vector<8x1xf32>
      %eq3A_791 = vector.broadcast %broadcast_in_dim3A_790 : vector<8x1xf32> to vector<8x625xf32>
      %eq3A_792 = arith.cmpf oeq, %concatenate3A, %eq3A_791 : vector<8x625xf32>
      %jit3A_793 = arith.constant 0.000000e+00 : f32
      %broadcast_in_dim3A_794 = vector.broadcast %jit3A_793 : f32 to vector<8x625xf32>
      %select_n3A_795 = arith.select %eq3A_792, %concatenate3A_781, %broadcast_in_dim3A_794 : vector<8x625xi1>, vector<8x625xf32>
      %reduce_sum3A_796 = arith.constant dense<0.000000e+00> : vector<8xf32>
      %reduce_sum3A_797 = vector.multi_reduction <add>, %select_n3A_795, %reduce_sum3A_796 [1] : vector<8x625xf32> to vector<8xf32>
      %broadcast_in_dim3A_798 = vector.shape_cast %reduce_sum3A_797 : vector<8xf32> to vector<8x1xf32>
      %add3A_799 = arith.addf %broadcast_in_dim3A_785, %broadcast_in_dim3A_798 : vector<8x1xf32>
      %ge3A = arith.constant 2.500000e+01 : f32
      %ge3A_800 = vector.broadcast %ge3A : f32 to vector<8x1xf32>
      %ge3A_801 = arith.cmpf oge, %add3A_799, %ge3A_800 : vector<8x1xf32>
      %and3A = arith.andi %broadcast_in_dim3A_783, %ge3A_801 : vector<8x1xi1>
      %select_n3A_802 = arith.select %and3A, %broadcast_in_dim3A_790, %broadcast_in_dim3A_787 : vector<8x1xi1>, vector<8x1xf32>
      %not3A = arith.constant dense<true> : vector<8x1xi1>
      %not3A_803 = arith.xori %and3A, %not3A : vector<8x1xi1>
      %and3A_804 = arith.andi %broadcast_in_dim3A_783, %not3A_803 : vector<8x1xi1>
      %jit3A_805 = arith.constant 0x7F800000 : f32
      %broadcast_in_dim3A_806 = vector.broadcast %jit3A_805 : f32 to vector<8x625xf32>
      %select_n3A_807 = arith.select %eq3A_792, %broadcast_in_dim3A_806, %concatenate3A : vector<8x625xi1>, vector<8x625xf32>
      %reduce_min3A_808 = arith.constant dense<0x7F800000> : vector<8xf32>
      %reduce_min3A_809 = vector.multi_reduction <minimumf>, %select_n3A_807, %reduce_min3A_808 [1] : vector<8x625xf32> to vector<8xf32>
      %broadcast_in_dim3A_810 = vector.shape_cast %reduce_min3A_809 : vector<8xf32> to vector<8x1xf32>
      %eq3A_811 = vector.broadcast %broadcast_in_dim3A_810 : vector<8x1xf32> to vector<8x625xf32>
      %eq3A_812 = arith.cmpf oeq, %select_n3A_807, %eq3A_811 : vector<8x625xf32>
      %jit3A_813 = arith.constant 0.000000e+00 : f32
      %broadcast_in_dim3A_814 = vector.broadcast %jit3A_813 : f32 to vector<8x625xf32>
      %select_n3A_815 = arith.select %eq3A_812, %concatenate3A_781, %broadcast_in_dim3A_814 : vector<8x625xi1>, vector<8x625xf32>
      %reduce_sum3A_816 = arith.constant dense<0.000000e+00> : vector<8xf32>
      %reduce_sum3A_817 = vector.multi_reduction <add>, %select_n3A_815, %reduce_sum3A_816 [1] : vector<8x625xf32> to vector<8xf32>
      %broadcast_in_dim3A_818 = vector.shape_cast %reduce_sum3A_817 : vector<8xf32> to vector<8x1xf32>
      %add3A_819 = arith.addf %add3A_799, %broadcast_in_dim3A_818 : vector<8x1xf32>
      %ge3A_820 = arith.constant 2.500000e+01 : f32
      %ge3A_821 = vector.broadcast %ge3A_820 : f32 to vector<8x1xf32>
      %ge3A_822 = arith.cmpf oge, %add3A_819, %ge3A_821 : vector<8x1xf32>
      %and3A_823 = arith.andi %and3A_804, %ge3A_822 : vector<8x1xi1>
      %select_n3A_824 = arith.select %and3A_823, %broadcast_in_dim3A_810, %select_n3A_802 : vector<8x1xi1>, vector<8x1xf32>
      %not3A_825 = arith.constant dense<true> : vector<8x1xi1>
      %not3A_826 = arith.xori %and3A_823, %not3A_825 : vector<8x1xi1>
      %and3A_827 = arith.andi %and3A_804, %not3A_826 : vector<8x1xi1>
      %jit3A_828 = arith.constant 0x7F800000 : f32
      %broadcast_in_dim3A_829 = vector.broadcast %jit3A_828 : f32 to vector<8x625xf32>
      %select_n3A_830 = arith.select %eq3A_812, %broadcast_in_dim3A_829, %select_n3A_807 : vector<8x625xi1>, vector<8x625xf32>
      %reduce_min3A_831 = arith.constant dense<0x7F800000> : vector<8xf32>
      %reduce_min3A_832 = vector.multi_reduction <minimumf>, %select_n3A_830, %reduce_min3A_831 [1] : vector<8x625xf32> to vector<8xf32>
      %broadcast_in_dim3A_833 = vector.shape_cast %reduce_min3A_832 : vector<8xf32> to vector<8x1xf32>
      %eq3A_834 = vector.broadcast %broadcast_in_dim3A_833 : vector<8x1xf32> to vector<8x625xf32>
      %eq3A_835 = arith.cmpf oeq, %select_n3A_830, %eq3A_834 : vector<8x625xf32>
      %jit3A_836 = arith.constant 0.000000e+00 : f32
      %broadcast_in_dim3A_837 = vector.broadcast %jit3A_836 : f32 to vector<8x625xf32>
      %select_n3A_838 = arith.select %eq3A_835, %concatenate3A_781, %broadcast_in_dim3A_837 : vector<8x625xi1>, vector<8x625xf32>
      %reduce_sum3A_839 = arith.constant dense<0.000000e+00> : vector<8xf32>
      %reduce_sum3A_840 = vector.multi_reduction <add>, %select_n3A_838, %reduce_sum3A_839 [1] : vector<8x625xf32> to vector<8xf32>
      %broadcast_in_dim3A_841 = vector.shape_cast %reduce_sum3A_840 : vector<8xf32> to vector<8x1xf32>
      %add3A_842 = arith.addf %add3A_819, %broadcast_in_dim3A_841 : vector<8x1xf32>
      %ge3A_843 = arith.constant 2.500000e+01 : f32
      %ge3A_844 = vector.broadcast %ge3A_843 : f32 to vector<8x1xf32>
      %ge3A_845 = arith.cmpf oge, %add3A_842, %ge3A_844 : vector<8x1xf32>
      %and3A_846 = arith.andi %and3A_827, %ge3A_845 : vector<8x1xi1>
      %select_n3A_847 = arith.select %and3A_846, %broadcast_in_dim3A_833, %select_n3A_824 : vector<8x1xi1>, vector<8x1xf32>
      %not3A_848 = arith.constant dense<true> : vector<8x1xi1>
      %not3A_849 = arith.xori %and3A_846, %not3A_848 : vector<8x1xi1>
      %and3A_850 = arith.andi %and3A_827, %not3A_849 : vector<8x1xi1>
      %jit3A_851 = arith.constant 0x7F800000 : f32
      %broadcast_in_dim3A_852 = vector.broadcast %jit3A_851 : f32 to vector<8x625xf32>
      %select_n3A_853 = arith.select %eq3A_835, %broadcast_in_dim3A_852, %select_n3A_830 : vector<8x625xi1>, vector<8x625xf32>
      %reduce_min3A_854 = arith.constant dense<0x7F800000> : vector<8xf32>
      %reduce_min3A_855 = vector.multi_reduction <minimumf>, %select_n3A_853, %reduce_min3A_854 [1] : vector<8x625xf32> to vector<8xf32>
      %broadcast_in_dim3A_856 = vector.shape_cast %reduce_min3A_855 : vector<8xf32> to vector<8x1xf32>
      %eq3A_857 = vector.broadcast %broadcast_in_dim3A_856 : vector<8x1xf32> to vector<8x625xf32>
      %eq3A_858 = arith.cmpf oeq, %select_n3A_853, %eq3A_857 : vector<8x625xf32>
      %jit3A_859 = arith.constant 0.000000e+00 : f32
      %broadcast_in_dim3A_860 = vector.broadcast %jit3A_859 : f32 to vector<8x625xf32>
      %select_n3A_861 = arith.select %eq3A_858, %concatenate3A_781, %broadcast_in_dim3A_860 : vector<8x625xi1>, vector<8x625xf32>
      %reduce_sum3A_862 = arith.constant dense<0.000000e+00> : vector<8xf32>
      %reduce_sum3A_863 = vector.multi_reduction <add>, %select_n3A_861, %reduce_sum3A_862 [1] : vector<8x625xf32> to vector<8xf32>
      %broadcast_in_dim3A_864 = vector.shape_cast %reduce_sum3A_863 : vector<8xf32> to vector<8x1xf32>
      %add3A_865 = arith.addf %add3A_842, %broadcast_in_dim3A_864 : vector<8x1xf32>
      %ge3A_866 = arith.constant 2.500000e+01 : f32
      %ge3A_867 = vector.broadcast %ge3A_866 : f32 to vector<8x1xf32>
      %ge3A_868 = arith.cmpf oge, %add3A_865, %ge3A_867 : vector<8x1xf32>
      %and3A_869 = arith.andi %and3A_850, %ge3A_868 : vector<8x1xi1>
      %select_n3A_870 = arith.select %and3A_869, %broadcast_in_dim3A_856, %select_n3A_847 : vector<8x1xi1>, vector<8x1xf32>
      %not3A_871 = arith.constant dense<true> : vector<8x1xi1>
      %not3A_872 = arith.xori %and3A_869, %not3A_871 : vector<8x1xi1>
      %and3A_873 = arith.andi %and3A_850, %not3A_872 : vector<8x1xi1>
      %jit3A_874 = arith.constant 0x7F800000 : f32
      %broadcast_in_dim3A_875 = vector.broadcast %jit3A_874 : f32 to vector<8x625xf32>
      %select_n3A_876 = arith.select %eq3A_858, %broadcast_in_dim3A_875, %select_n3A_853 : vector<8x625xi1>, vector<8x625xf32>
      %reduce_min3A_877 = arith.constant dense<0x7F800000> : vector<8xf32>
      %reduce_min3A_878 = vector.multi_reduction <minimumf>, %select_n3A_876, %reduce_min3A_877 [1] : vector<8x625xf32> to vector<8xf32>
      %broadcast_in_dim3A_879 = vector.shape_cast %reduce_min3A_878 : vector<8xf32> to vector<8x1xf32>
      %eq3A_880 = vector.broadcast %broadcast_in_dim3A_879 : vector<8x1xf32> to vector<8x625xf32>
      %eq3A_881 = arith.cmpf oeq, %select_n3A_876, %eq3A_880 : vector<8x625xf32>
      %jit3A_882 = arith.constant 0.000000e+00 : f32
      %broadcast_in_dim3A_883 = vector.broadcast %jit3A_882 : f32 to vector<8x625xf32>
      %select_n3A_884 = arith.select %eq3A_881, %concatenate3A_781, %broadcast_in_dim3A_883 : vector<8x625xi1>, vector<8x625xf32>
      %reduce_sum3A_885 = arith.constant dense<0.000000e+00> : vector<8xf32>
      %reduce_sum3A_886 = vector.multi_reduction <add>, %select_n3A_884, %reduce_sum3A_885 [1] : vector<8x625xf32> to vector<8xf32>
      %broadcast_in_dim3A_887 = vector.shape_cast %reduce_sum3A_886 : vector<8xf32> to vector<8x1xf32>
      %add3A_888 = arith.addf %add3A_865, %broadcast_in_dim3A_887 : vector<8x1xf32>
      %ge3A_889 = arith.constant 2.500000e+01 : f32
      %ge3A_890 = vector.broadcast %ge3A_889 : f32 to vector<8x1xf32>
      %ge3A_891 = arith.cmpf oge, %add3A_888, %ge3A_890 : vector<8x1xf32>
      %and3A_892 = arith.andi %and3A_873, %ge3A_891 : vector<8x1xi1>
      %select_n3A_893 = arith.select %and3A_892, %broadcast_in_dim3A_879, %select_n3A_870 : vector<8x1xi1>, vector<8x1xf32>
      %not3A_894 = arith.constant dense<true> : vector<8x1xi1>
      %not3A_895 = arith.xori %and3A_892, %not3A_894 : vector<8x1xi1>
      %and3A_896 = arith.andi %and3A_873, %not3A_895 : vector<8x1xi1>
      %jit3A_897 = arith.constant 0x7F800000 : f32
      %broadcast_in_dim3A_898 = vector.broadcast %jit3A_897 : f32 to vector<8x625xf32>
      %select_n3A_899 = arith.select %eq3A_881, %broadcast_in_dim3A_898, %select_n3A_876 : vector<8x625xi1>, vector<8x625xf32>
      %reduce_min3A_900 = arith.constant dense<0x7F800000> : vector<8xf32>
      %reduce_min3A_901 = vector.multi_reduction <minimumf>, %select_n3A_899, %reduce_min3A_900 [1] : vector<8x625xf32> to vector<8xf32>
      %broadcast_in_dim3A_902 = vector.shape_cast %reduce_min3A_901 : vector<8xf32> to vector<8x1xf32>
      %eq3A_903 = vector.broadcast %broadcast_in_dim3A_902 : vector<8x1xf32> to vector<8x625xf32>
      %eq3A_904 = arith.cmpf oeq, %select_n3A_899, %eq3A_903 : vector<8x625xf32>
      %jit3A_905 = arith.constant 0.000000e+00 : f32
      %broadcast_in_dim3A_906 = vector.broadcast %jit3A_905 : f32 to vector<8x625xf32>
      %select_n3A_907 = arith.select %eq3A_904, %concatenate3A_781, %broadcast_in_dim3A_906 : vector<8x625xi1>, vector<8x625xf32>
      %reduce_sum3A_908 = arith.constant dense<0.000000e+00> : vector<8xf32>
      %reduce_sum3A_909 = vector.multi_reduction <add>, %select_n3A_907, %reduce_sum3A_908 [1] : vector<8x625xf32> to vector<8xf32>
      %broadcast_in_dim3A_910 = vector.shape_cast %reduce_sum3A_909 : vector<8xf32> to vector<8x1xf32>
      %add3A_911 = arith.addf %add3A_888, %broadcast_in_dim3A_910 : vector<8x1xf32>
      %ge3A_912 = arith.constant 2.500000e+01 : f32
      %ge3A_913 = vector.broadcast %ge3A_912 : f32 to vector<8x1xf32>
      %ge3A_914 = arith.cmpf oge, %add3A_911, %ge3A_913 : vector<8x1xf32>
      %and3A_915 = arith.andi %and3A_896, %ge3A_914 : vector<8x1xi1>
      %select_n3A_916 = arith.select %and3A_915, %broadcast_in_dim3A_902, %select_n3A_893 : vector<8x1xi1>, vector<8x1xf32>
      %not3A_917 = arith.constant dense<true> : vector<8x1xi1>
      %not3A_918 = arith.xori %and3A_915, %not3A_917 : vector<8x1xi1>
      %and3A_919 = arith.andi %and3A_896, %not3A_918 : vector<8x1xi1>
      %jit3A_920 = arith.constant 0x7F800000 : f32
      %broadcast_in_dim3A_921 = vector.broadcast %jit3A_920 : f32 to vector<8x625xf32>
      %select_n3A_922 = arith.select %eq3A_904, %broadcast_in_dim3A_921, %select_n3A_899 : vector<8x625xi1>, vector<8x625xf32>
      %reduce_min3A_923 = arith.constant dense<0x7F800000> : vector<8xf32>
      %reduce_min3A_924 = vector.multi_reduction <minimumf>, %select_n3A_922, %reduce_min3A_923 [1] : vector<8x625xf32> to vector<8xf32>
      %broadcast_in_dim3A_925 = vector.shape_cast %reduce_min3A_924 : vector<8xf32> to vector<8x1xf32>
      %eq3A_926 = vector.broadcast %broadcast_in_dim3A_925 : vector<8x1xf32> to vector<8x625xf32>
      %eq3A_927 = arith.cmpf oeq, %select_n3A_922, %eq3A_926 : vector<8x625xf32>
      %jit3A_928 = arith.constant 0.000000e+00 : f32
      %broadcast_in_dim3A_929 = vector.broadcast %jit3A_928 : f32 to vector<8x625xf32>
      %select_n3A_930 = arith.select %eq3A_927, %concatenate3A_781, %broadcast_in_dim3A_929 : vector<8x625xi1>, vector<8x625xf32>
      %reduce_sum3A_931 = arith.constant dense<0.000000e+00> : vector<8xf32>
      %reduce_sum3A_932 = vector.multi_reduction <add>, %select_n3A_930, %reduce_sum3A_931 [1] : vector<8x625xf32> to vector<8xf32>
      %broadcast_in_dim3A_933 = vector.shape_cast %reduce_sum3A_932 : vector<8xf32> to vector<8x1xf32>
      %add3A_934 = arith.addf %add3A_911, %broadcast_in_dim3A_933 : vector<8x1xf32>
      %ge3A_935 = arith.constant 2.500000e+01 : f32
      %ge3A_936 = vector.broadcast %ge3A_935 : f32 to vector<8x1xf32>
      %ge3A_937 = arith.cmpf oge, %add3A_934, %ge3A_936 : vector<8x1xf32>
      %and3A_938 = arith.andi %and3A_919, %ge3A_937 : vector<8x1xi1>
      %select_n3A_939 = arith.select %and3A_938, %broadcast_in_dim3A_925, %select_n3A_916 : vector<8x1xi1>, vector<8x1xf32>
      %not3A_940 = arith.constant dense<true> : vector<8x1xi1>
      %not3A_941 = arith.xori %and3A_938, %not3A_940 : vector<8x1xi1>
      %and3A_942 = arith.andi %and3A_919, %not3A_941 : vector<8x1xi1>
      %jit3A_943 = arith.constant 0x7F800000 : f32
      %broadcast_in_dim3A_944 = vector.broadcast %jit3A_943 : f32 to vector<8x625xf32>
      %select_n3A_945 = arith.select %eq3A_927, %broadcast_in_dim3A_944, %select_n3A_922 : vector<8x625xi1>, vector<8x625xf32>
      %reduce_min3A_946 = arith.constant dense<0x7F800000> : vector<8xf32>
      %reduce_min3A_947 = vector.multi_reduction <minimumf>, %select_n3A_945, %reduce_min3A_946 [1] : vector<8x625xf32> to vector<8xf32>
      %broadcast_in_dim3A_948 = vector.shape_cast %reduce_min3A_947 : vector<8xf32> to vector<8x1xf32>
      %eq3A_949 = vector.broadcast %broadcast_in_dim3A_948 : vector<8x1xf32> to vector<8x625xf32>
      %eq3A_950 = arith.cmpf oeq, %select_n3A_945, %eq3A_949 : vector<8x625xf32>
      %jit3A_951 = arith.constant 0.000000e+00 : f32
      %broadcast_in_dim3A_952 = vector.broadcast %jit3A_951 : f32 to vector<8x625xf32>
      %select_n3A_953 = arith.select %eq3A_950, %concatenate3A_781, %broadcast_in_dim3A_952 : vector<8x625xi1>, vector<8x625xf32>
      %reduce_sum3A_954 = arith.constant dense<0.000000e+00> : vector<8xf32>
      %reduce_sum3A_955 = vector.multi_reduction <add>, %select_n3A_953, %reduce_sum3A_954 [1] : vector<8x625xf32> to vector<8xf32>
      %broadcast_in_dim3A_956 = vector.shape_cast %reduce_sum3A_955 : vector<8xf32> to vector<8x1xf32>
      %add3A_957 = arith.addf %add3A_934, %broadcast_in_dim3A_956 : vector<8x1xf32>
      %ge3A_958 = arith.constant 2.500000e+01 : f32
      %ge3A_959 = vector.broadcast %ge3A_958 : f32 to vector<8x1xf32>
      %ge3A_960 = arith.cmpf oge, %add3A_957, %ge3A_959 : vector<8x1xf32>
      %and3A_961 = arith.andi %and3A_942, %ge3A_960 : vector<8x1xi1>
      %select_n3A_962 = arith.select %and3A_961, %broadcast_in_dim3A_948, %select_n3A_939 : vector<8x1xi1>, vector<8x1xf32>
      %not3A_963 = arith.constant dense<true> : vector<8x1xi1>
      %not3A_964 = arith.xori %and3A_961, %not3A_963 : vector<8x1xi1>
      %and3A_965 = arith.andi %and3A_942, %not3A_964 : vector<8x1xi1>
      %jit3A_966 = arith.constant 0x7F800000 : f32
      %broadcast_in_dim3A_967 = vector.broadcast %jit3A_966 : f32 to vector<8x625xf32>
      %select_n3A_968 = arith.select %eq3A_950, %broadcast_in_dim3A_967, %select_n3A_945 : vector<8x625xi1>, vector<8x625xf32>
      %reduce_min3A_969 = arith.constant dense<0x7F800000> : vector<8xf32>
      %reduce_min3A_970 = vector.multi_reduction <minimumf>, %select_n3A_968, %reduce_min3A_969 [1] : vector<8x625xf32> to vector<8xf32>
      %broadcast_in_dim3A_971 = vector.shape_cast %reduce_min3A_970 : vector<8xf32> to vector<8x1xf32>
      %eq3A_972 = vector.broadcast %broadcast_in_dim3A_971 : vector<8x1xf32> to vector<8x625xf32>
      %eq3A_973 = arith.cmpf oeq, %select_n3A_968, %eq3A_972 : vector<8x625xf32>
      %jit3A_974 = arith.constant 0.000000e+00 : f32
      %broadcast_in_dim3A_975 = vector.broadcast %jit3A_974 : f32 to vector<8x625xf32>
      %select_n3A_976 = arith.select %eq3A_973, %concatenate3A_781, %broadcast_in_dim3A_975 : vector<8x625xi1>, vector<8x625xf32>
      %reduce_sum3A_977 = arith.constant dense<0.000000e+00> : vector<8xf32>
      %reduce_sum3A_978 = vector.multi_reduction <add>, %select_n3A_976, %reduce_sum3A_977 [1] : vector<8x625xf32> to vector<8xf32>
      %broadcast_in_dim3A_979 = vector.shape_cast %reduce_sum3A_978 : vector<8xf32> to vector<8x1xf32>
      %add3A_980 = arith.addf %add3A_957, %broadcast_in_dim3A_979 : vector<8x1xf32>
      %ge3A_981 = arith.constant 2.500000e+01 : f32
      %ge3A_982 = vector.broadcast %ge3A_981 : f32 to vector<8x1xf32>
      %ge3A_983 = arith.cmpf oge, %add3A_980, %ge3A_982 : vector<8x1xf32>
      %and3A_984 = arith.andi %and3A_965, %ge3A_983 : vector<8x1xi1>
      %select_n3A_985 = arith.select %and3A_984, %broadcast_in_dim3A_971, %select_n3A_962 : vector<8x1xi1>, vector<8x1xf32>
      %not3A_986 = arith.constant dense<true> : vector<8x1xi1>
      %not3A_987 = arith.xori %and3A_984, %not3A_986 : vector<8x1xi1>
      %and3A_988 = arith.andi %and3A_965, %not3A_987 : vector<8x1xi1>
      %jit3A_989 = arith.constant 0x7F800000 : f32
      %broadcast_in_dim3A_990 = vector.broadcast %jit3A_989 : f32 to vector<8x625xf32>
      %select_n3A_991 = arith.select %eq3A_973, %broadcast_in_dim3A_990, %select_n3A_968 : vector<8x625xi1>, vector<8x625xf32>
      %reduce_min3A_992 = arith.constant dense<0x7F800000> : vector<8xf32>
      %reduce_min3A_993 = vector.multi_reduction <minimumf>, %select_n3A_991, %reduce_min3A_992 [1] : vector<8x625xf32> to vector<8xf32>
      %broadcast_in_dim3A_994 = vector.shape_cast %reduce_min3A_993 : vector<8xf32> to vector<8x1xf32>
      %eq3A_995 = vector.broadcast %broadcast_in_dim3A_994 : vector<8x1xf32> to vector<8x625xf32>
      %eq3A_996 = arith.cmpf oeq, %select_n3A_991, %eq3A_995 : vector<8x625xf32>
      %jit3A_997 = arith.constant 0.000000e+00 : f32
      %broadcast_in_dim3A_998 = vector.broadcast %jit3A_997 : f32 to vector<8x625xf32>
      %select_n3A_999 = arith.select %eq3A_996, %concatenate3A_781, %broadcast_in_dim3A_998 : vector<8x625xi1>, vector<8x625xf32>
      %reduce_sum3A_1000 = arith.constant dense<0.000000e+00> : vector<8xf32>
      %reduce_sum3A_1001 = vector.multi_reduction <add>, %select_n3A_999, %reduce_sum3A_1000 [1] : vector<8x625xf32> to vector<8xf32>
      %broadcast_in_dim3A_1002 = vector.shape_cast %reduce_sum3A_1001 : vector<8xf32> to vector<8x1xf32>
      %add3A_1003 = arith.addf %add3A_980, %broadcast_in_dim3A_1002 : vector<8x1xf32>
      %ge3A_1004 = arith.constant 2.500000e+01 : f32
      %ge3A_1005 = vector.broadcast %ge3A_1004 : f32 to vector<8x1xf32>
      %ge3A_1006 = arith.cmpf oge, %add3A_1003, %ge3A_1005 : vector<8x1xf32>
      %and3A_1007 = arith.andi %and3A_988, %ge3A_1006 : vector<8x1xi1>
      %select_n3A_1008 = arith.select %and3A_1007, %broadcast_in_dim3A_994, %select_n3A_985 : vector<8x1xi1>, vector<8x1xf32>
      %not3A_1009 = arith.constant dense<true> : vector<8x1xi1>
      %not3A_1010 = arith.xori %and3A_1007, %not3A_1009 : vector<8x1xi1>
      %and3A_1011 = arith.andi %and3A_988, %not3A_1010 : vector<8x1xi1>
      %jit3A_1012 = arith.constant 0x7F800000 : f32
      %broadcast_in_dim3A_1013 = vector.broadcast %jit3A_1012 : f32 to vector<8x625xf32>
      %select_n3A_1014 = arith.select %eq3A_996, %broadcast_in_dim3A_1013, %select_n3A_991 : vector<8x625xi1>, vector<8x625xf32>
      %reduce_min3A_1015 = arith.constant dense<0x7F800000> : vector<8xf32>
      %reduce_min3A_1016 = vector.multi_reduction <minimumf>, %select_n3A_1014, %reduce_min3A_1015 [1] : vector<8x625xf32> to vector<8xf32>
      %broadcast_in_dim3A_1017 = vector.shape_cast %reduce_min3A_1016 : vector<8xf32> to vector<8x1xf32>
      %eq3A_1018 = vector.broadcast %broadcast_in_dim3A_1017 : vector<8x1xf32> to vector<8x625xf32>
      %eq3A_1019 = arith.cmpf oeq, %select_n3A_1014, %eq3A_1018 : vector<8x625xf32>
      %jit3A_1020 = arith.constant 0.000000e+00 : f32
      %broadcast_in_dim3A_1021 = vector.broadcast %jit3A_1020 : f32 to vector<8x625xf32>
      %select_n3A_1022 = arith.select %eq3A_1019, %concatenate3A_781, %broadcast_in_dim3A_1021 : vector<8x625xi1>, vector<8x625xf32>
      %reduce_sum3A_1023 = arith.constant dense<0.000000e+00> : vector<8xf32>
      %reduce_sum3A_1024 = vector.multi_reduction <add>, %select_n3A_1022, %reduce_sum3A_1023 [1] : vector<8x625xf32> to vector<8xf32>
      %broadcast_in_dim3A_1025 = vector.shape_cast %reduce_sum3A_1024 : vector<8xf32> to vector<8x1xf32>
      %add3A_1026 = arith.addf %add3A_1003, %broadcast_in_dim3A_1025 : vector<8x1xf32>
      %ge3A_1027 = arith.constant 2.500000e+01 : f32
      %ge3A_1028 = vector.broadcast %ge3A_1027 : f32 to vector<8x1xf32>
      %ge3A_1029 = arith.cmpf oge, %add3A_1026, %ge3A_1028 : vector<8x1xf32>
      %and3A_1030 = arith.andi %and3A_1011, %ge3A_1029 : vector<8x1xi1>
      %select_n3A_1031 = arith.select %and3A_1030, %broadcast_in_dim3A_1017, %select_n3A_1008 : vector<8x1xi1>, vector<8x1xf32>
      %not3A_1032 = arith.constant dense<true> : vector<8x1xi1>
      %not3A_1033 = arith.xori %and3A_1030, %not3A_1032 : vector<8x1xi1>
      %and3A_1034 = arith.andi %and3A_1011, %not3A_1033 : vector<8x1xi1>
      %jit3A_1035 = arith.constant 0x7F800000 : f32
      %broadcast_in_dim3A_1036 = vector.broadcast %jit3A_1035 : f32 to vector<8x625xf32>
      %select_n3A_1037 = arith.select %eq3A_1019, %broadcast_in_dim3A_1036, %select_n3A_1014 : vector<8x625xi1>, vector<8x625xf32>
      %reduce_min3A_1038 = arith.constant dense<0x7F800000> : vector<8xf32>
      %reduce_min3A_1039 = vector.multi_reduction <minimumf>, %select_n3A_1037, %reduce_min3A_1038 [1] : vector<8x625xf32> to vector<8xf32>
      %broadcast_in_dim3A_1040 = vector.shape_cast %reduce_min3A_1039 : vector<8xf32> to vector<8x1xf32>
      %eq3A_1041 = vector.broadcast %broadcast_in_dim3A_1040 : vector<8x1xf32> to vector<8x625xf32>
      %eq3A_1042 = arith.cmpf oeq, %select_n3A_1037, %eq3A_1041 : vector<8x625xf32>
      %jit3A_1043 = arith.constant 0.000000e+00 : f32
      %broadcast_in_dim3A_1044 = vector.broadcast %jit3A_1043 : f32 to vector<8x625xf32>
      %select_n3A_1045 = arith.select %eq3A_1042, %concatenate3A_781, %broadcast_in_dim3A_1044 : vector<8x625xi1>, vector<8x625xf32>
      %reduce_sum3A_1046 = arith.constant dense<0.000000e+00> : vector<8xf32>
      %reduce_sum3A_1047 = vector.multi_reduction <add>, %select_n3A_1045, %reduce_sum3A_1046 [1] : vector<8x625xf32> to vector<8xf32>
      %broadcast_in_dim3A_1048 = vector.shape_cast %reduce_sum3A_1047 : vector<8xf32> to vector<8x1xf32>
      %add3A_1049 = arith.addf %add3A_1026, %broadcast_in_dim3A_1048 : vector<8x1xf32>
      %ge3A_1050 = arith.constant 2.500000e+01 : f32
      %ge3A_1051 = vector.broadcast %ge3A_1050 : f32 to vector<8x1xf32>
      %ge3A_1052 = arith.cmpf oge, %add3A_1049, %ge3A_1051 : vector<8x1xf32>
      %and3A_1053 = arith.andi %and3A_1034, %ge3A_1052 : vector<8x1xi1>
      %select_n3A_1054 = arith.select %and3A_1053, %broadcast_in_dim3A_1040, %select_n3A_1031 : vector<8x1xi1>, vector<8x1xf32>
      %not3A_1055 = arith.constant dense<true> : vector<8x1xi1>
      %not3A_1056 = arith.xori %and3A_1053, %not3A_1055 : vector<8x1xi1>
      %and3A_1057 = arith.andi %and3A_1034, %not3A_1056 : vector<8x1xi1>
      %jit3A_1058 = arith.constant 0x7F800000 : f32
      %broadcast_in_dim3A_1059 = vector.broadcast %jit3A_1058 : f32 to vector<8x625xf32>
      %select_n3A_1060 = arith.select %eq3A_1042, %broadcast_in_dim3A_1059, %select_n3A_1037 : vector<8x625xi1>, vector<8x625xf32>
      %reduce_min3A_1061 = arith.constant dense<0x7F800000> : vector<8xf32>
      %reduce_min3A_1062 = vector.multi_reduction <minimumf>, %select_n3A_1060, %reduce_min3A_1061 [1] : vector<8x625xf32> to vector<8xf32>
      %broadcast_in_dim3A_1063 = vector.shape_cast %reduce_min3A_1062 : vector<8xf32> to vector<8x1xf32>
      %eq3A_1064 = vector.broadcast %broadcast_in_dim3A_1063 : vector<8x1xf32> to vector<8x625xf32>
      %eq3A_1065 = arith.cmpf oeq, %select_n3A_1060, %eq3A_1064 : vector<8x625xf32>
      %jit3A_1066 = arith.constant 0.000000e+00 : f32
      %broadcast_in_dim3A_1067 = vector.broadcast %jit3A_1066 : f32 to vector<8x625xf32>
      %select_n3A_1068 = arith.select %eq3A_1065, %concatenate3A_781, %broadcast_in_dim3A_1067 : vector<8x625xi1>, vector<8x625xf32>
      %reduce_sum3A_1069 = arith.constant dense<0.000000e+00> : vector<8xf32>
      %reduce_sum3A_1070 = vector.multi_reduction <add>, %select_n3A_1068, %reduce_sum3A_1069 [1] : vector<8x625xf32> to vector<8xf32>
      %broadcast_in_dim3A_1071 = vector.shape_cast %reduce_sum3A_1070 : vector<8xf32> to vector<8x1xf32>
      %add3A_1072 = arith.addf %add3A_1049, %broadcast_in_dim3A_1071 : vector<8x1xf32>
      %ge3A_1073 = arith.constant 2.500000e+01 : f32
      %ge3A_1074 = vector.broadcast %ge3A_1073 : f32 to vector<8x1xf32>
      %ge3A_1075 = arith.cmpf oge, %add3A_1072, %ge3A_1074 : vector<8x1xf32>
      %and3A_1076 = arith.andi %and3A_1057, %ge3A_1075 : vector<8x1xi1>
      %select_n3A_1077 = arith.select %and3A_1076, %broadcast_in_dim3A_1063, %select_n3A_1054 : vector<8x1xi1>, vector<8x1xf32>
      %not3A_1078 = arith.constant dense<true> : vector<8x1xi1>
      %not3A_1079 = arith.xori %and3A_1076, %not3A_1078 : vector<8x1xi1>
      %and3A_1080 = arith.andi %and3A_1057, %not3A_1079 : vector<8x1xi1>
      %jit3A_1081 = arith.constant 0x7F800000 : f32
      %broadcast_in_dim3A_1082 = vector.broadcast %jit3A_1081 : f32 to vector<8x625xf32>
      %select_n3A_1083 = arith.select %eq3A_1065, %broadcast_in_dim3A_1082, %select_n3A_1060 : vector<8x625xi1>, vector<8x625xf32>
      %reduce_min3A_1084 = arith.constant dense<0x7F800000> : vector<8xf32>
      %reduce_min3A_1085 = vector.multi_reduction <minimumf>, %select_n3A_1083, %reduce_min3A_1084 [1] : vector<8x625xf32> to vector<8xf32>
      %broadcast_in_dim3A_1086 = vector.shape_cast %reduce_min3A_1085 : vector<8xf32> to vector<8x1xf32>
      %eq3A_1087 = vector.broadcast %broadcast_in_dim3A_1086 : vector<8x1xf32> to vector<8x625xf32>
      %eq3A_1088 = arith.cmpf oeq, %select_n3A_1083, %eq3A_1087 : vector<8x625xf32>
      %jit3A_1089 = arith.constant 0.000000e+00 : f32
      %broadcast_in_dim3A_1090 = vector.broadcast %jit3A_1089 : f32 to vector<8x625xf32>
      %select_n3A_1091 = arith.select %eq3A_1088, %concatenate3A_781, %broadcast_in_dim3A_1090 : vector<8x625xi1>, vector<8x625xf32>
      %reduce_sum3A_1092 = arith.constant dense<0.000000e+00> : vector<8xf32>
      %reduce_sum3A_1093 = vector.multi_reduction <add>, %select_n3A_1091, %reduce_sum3A_1092 [1] : vector<8x625xf32> to vector<8xf32>
      %broadcast_in_dim3A_1094 = vector.shape_cast %reduce_sum3A_1093 : vector<8xf32> to vector<8x1xf32>
      %add3A_1095 = arith.addf %add3A_1072, %broadcast_in_dim3A_1094 : vector<8x1xf32>
      %ge3A_1096 = arith.constant 2.500000e+01 : f32
      %ge3A_1097 = vector.broadcast %ge3A_1096 : f32 to vector<8x1xf32>
      %ge3A_1098 = arith.cmpf oge, %add3A_1095, %ge3A_1097 : vector<8x1xf32>
      %and3A_1099 = arith.andi %and3A_1080, %ge3A_1098 : vector<8x1xi1>
      %select_n3A_1100 = arith.select %and3A_1099, %broadcast_in_dim3A_1086, %select_n3A_1077 : vector<8x1xi1>, vector<8x1xf32>
      %not3A_1101 = arith.constant dense<true> : vector<8x1xi1>
      %not3A_1102 = arith.xori %and3A_1099, %not3A_1101 : vector<8x1xi1>
      %and3A_1103 = arith.andi %and3A_1080, %not3A_1102 : vector<8x1xi1>
      %jit3A_1104 = arith.constant 0x7F800000 : f32
      %broadcast_in_dim3A_1105 = vector.broadcast %jit3A_1104 : f32 to vector<8x625xf32>
      %select_n3A_1106 = arith.select %eq3A_1088, %broadcast_in_dim3A_1105, %select_n3A_1083 : vector<8x625xi1>, vector<8x625xf32>
      %reduce_min3A_1107 = arith.constant dense<0x7F800000> : vector<8xf32>
      %reduce_min3A_1108 = vector.multi_reduction <minimumf>, %select_n3A_1106, %reduce_min3A_1107 [1] : vector<8x625xf32> to vector<8xf32>
      %broadcast_in_dim3A_1109 = vector.shape_cast %reduce_min3A_1108 : vector<8xf32> to vector<8x1xf32>
      %eq3A_1110 = vector.broadcast %broadcast_in_dim3A_1109 : vector<8x1xf32> to vector<8x625xf32>
      %eq3A_1111 = arith.cmpf oeq, %select_n3A_1106, %eq3A_1110 : vector<8x625xf32>
      %jit3A_1112 = arith.constant 0.000000e+00 : f32
      %broadcast_in_dim3A_1113 = vector.broadcast %jit3A_1112 : f32 to vector<8x625xf32>
      %select_n3A_1114 = arith.select %eq3A_1111, %concatenate3A_781, %broadcast_in_dim3A_1113 : vector<8x625xi1>, vector<8x625xf32>
      %reduce_sum3A_1115 = arith.constant dense<0.000000e+00> : vector<8xf32>
      %reduce_sum3A_1116 = vector.multi_reduction <add>, %select_n3A_1114, %reduce_sum3A_1115 [1] : vector<8x625xf32> to vector<8xf32>
      %broadcast_in_dim3A_1117 = vector.shape_cast %reduce_sum3A_1116 : vector<8xf32> to vector<8x1xf32>
      %add3A_1118 = arith.addf %add3A_1095, %broadcast_in_dim3A_1117 : vector<8x1xf32>
      %ge3A_1119 = arith.constant 2.500000e+01 : f32
      %ge3A_1120 = vector.broadcast %ge3A_1119 : f32 to vector<8x1xf32>
      %ge3A_1121 = arith.cmpf oge, %add3A_1118, %ge3A_1120 : vector<8x1xf32>
      %and3A_1122 = arith.andi %and3A_1103, %ge3A_1121 : vector<8x1xi1>
      %select_n3A_1123 = arith.select %and3A_1122, %broadcast_in_dim3A_1109, %select_n3A_1100 : vector<8x1xi1>, vector<8x1xf32>
      %not3A_1124 = arith.constant dense<true> : vector<8x1xi1>
      %not3A_1125 = arith.xori %and3A_1122, %not3A_1124 : vector<8x1xi1>
      %and3A_1126 = arith.andi %and3A_1103, %not3A_1125 : vector<8x1xi1>
      %jit3A_1127 = arith.constant 0x7F800000 : f32
      %broadcast_in_dim3A_1128 = vector.broadcast %jit3A_1127 : f32 to vector<8x625xf32>
      %select_n3A_1129 = arith.select %eq3A_1111, %broadcast_in_dim3A_1128, %select_n3A_1106 : vector<8x625xi1>, vector<8x625xf32>
      %reduce_min3A_1130 = arith.constant dense<0x7F800000> : vector<8xf32>
      %reduce_min3A_1131 = vector.multi_reduction <minimumf>, %select_n3A_1129, %reduce_min3A_1130 [1] : vector<8x625xf32> to vector<8xf32>
      %broadcast_in_dim3A_1132 = vector.shape_cast %reduce_min3A_1131 : vector<8xf32> to vector<8x1xf32>
      %eq3A_1133 = vector.broadcast %broadcast_in_dim3A_1132 : vector<8x1xf32> to vector<8x625xf32>
      %eq3A_1134 = arith.cmpf oeq, %select_n3A_1129, %eq3A_1133 : vector<8x625xf32>
      %jit3A_1135 = arith.constant 0.000000e+00 : f32
      %broadcast_in_dim3A_1136 = vector.broadcast %jit3A_1135 : f32 to vector<8x625xf32>
      %select_n3A_1137 = arith.select %eq3A_1134, %concatenate3A_781, %broadcast_in_dim3A_1136 : vector<8x625xi1>, vector<8x625xf32>
      %reduce_sum3A_1138 = arith.constant dense<0.000000e+00> : vector<8xf32>
      %reduce_sum3A_1139 = vector.multi_reduction <add>, %select_n3A_1137, %reduce_sum3A_1138 [1] : vector<8x625xf32> to vector<8xf32>
      %broadcast_in_dim3A_1140 = vector.shape_cast %reduce_sum3A_1139 : vector<8xf32> to vector<8x1xf32>
      %add3A_1141 = arith.addf %add3A_1118, %broadcast_in_dim3A_1140 : vector<8x1xf32>
      %ge3A_1142 = arith.constant 2.500000e+01 : f32
      %ge3A_1143 = vector.broadcast %ge3A_1142 : f32 to vector<8x1xf32>
      %ge3A_1144 = arith.cmpf oge, %add3A_1141, %ge3A_1143 : vector<8x1xf32>
      %and3A_1145 = arith.andi %and3A_1126, %ge3A_1144 : vector<8x1xi1>
      %select_n3A_1146 = arith.select %and3A_1145, %broadcast_in_dim3A_1132, %select_n3A_1123 : vector<8x1xi1>, vector<8x1xf32>
      %not3A_1147 = arith.constant dense<true> : vector<8x1xi1>
      %not3A_1148 = arith.xori %and3A_1145, %not3A_1147 : vector<8x1xi1>
      %and3A_1149 = arith.andi %and3A_1126, %not3A_1148 : vector<8x1xi1>
      %jit3A_1150 = arith.constant 0x7F800000 : f32
      %broadcast_in_dim3A_1151 = vector.broadcast %jit3A_1150 : f32 to vector<8x625xf32>
      %select_n3A_1152 = arith.select %eq3A_1134, %broadcast_in_dim3A_1151, %select_n3A_1129 : vector<8x625xi1>, vector<8x625xf32>
      %reduce_min3A_1153 = arith.constant dense<0x7F800000> : vector<8xf32>
      %reduce_min3A_1154 = vector.multi_reduction <minimumf>, %select_n3A_1152, %reduce_min3A_1153 [1] : vector<8x625xf32> to vector<8xf32>
      %broadcast_in_dim3A_1155 = vector.shape_cast %reduce_min3A_1154 : vector<8xf32> to vector<8x1xf32>
      %eq3A_1156 = vector.broadcast %broadcast_in_dim3A_1155 : vector<8x1xf32> to vector<8x625xf32>
      %eq3A_1157 = arith.cmpf oeq, %select_n3A_1152, %eq3A_1156 : vector<8x625xf32>
      %jit3A_1158 = arith.constant 0.000000e+00 : f32
      %broadcast_in_dim3A_1159 = vector.broadcast %jit3A_1158 : f32 to vector<8x625xf32>
      %select_n3A_1160 = arith.select %eq3A_1157, %concatenate3A_781, %broadcast_in_dim3A_1159 : vector<8x625xi1>, vector<8x625xf32>
      %reduce_sum3A_1161 = arith.constant dense<0.000000e+00> : vector<8xf32>
      %reduce_sum3A_1162 = vector.multi_reduction <add>, %select_n3A_1160, %reduce_sum3A_1161 [1] : vector<8x625xf32> to vector<8xf32>
      %broadcast_in_dim3A_1163 = vector.shape_cast %reduce_sum3A_1162 : vector<8xf32> to vector<8x1xf32>
      %add3A_1164 = arith.addf %add3A_1141, %broadcast_in_dim3A_1163 : vector<8x1xf32>
      %ge3A_1165 = arith.constant 2.500000e+01 : f32
      %ge3A_1166 = vector.broadcast %ge3A_1165 : f32 to vector<8x1xf32>
      %ge3A_1167 = arith.cmpf oge, %add3A_1164, %ge3A_1166 : vector<8x1xf32>
      %and3A_1168 = arith.andi %and3A_1149, %ge3A_1167 : vector<8x1xi1>
      %select_n3A_1169 = arith.select %and3A_1168, %broadcast_in_dim3A_1155, %select_n3A_1146 : vector<8x1xi1>, vector<8x1xf32>
      %not3A_1170 = arith.constant dense<true> : vector<8x1xi1>
      %not3A_1171 = arith.xori %and3A_1168, %not3A_1170 : vector<8x1xi1>
      %and3A_1172 = arith.andi %and3A_1149, %not3A_1171 : vector<8x1xi1>
      %jit3A_1173 = arith.constant 0x7F800000 : f32
      %broadcast_in_dim3A_1174 = vector.broadcast %jit3A_1173 : f32 to vector<8x625xf32>
      %select_n3A_1175 = arith.select %eq3A_1157, %broadcast_in_dim3A_1174, %select_n3A_1152 : vector<8x625xi1>, vector<8x625xf32>
      %reduce_min3A_1176 = arith.constant dense<0x7F800000> : vector<8xf32>
      %reduce_min3A_1177 = vector.multi_reduction <minimumf>, %select_n3A_1175, %reduce_min3A_1176 [1] : vector<8x625xf32> to vector<8xf32>
      %broadcast_in_dim3A_1178 = vector.shape_cast %reduce_min3A_1177 : vector<8xf32> to vector<8x1xf32>
      %eq3A_1179 = vector.broadcast %broadcast_in_dim3A_1178 : vector<8x1xf32> to vector<8x625xf32>
      %eq3A_1180 = arith.cmpf oeq, %select_n3A_1175, %eq3A_1179 : vector<8x625xf32>
      %jit3A_1181 = arith.constant 0.000000e+00 : f32
      %broadcast_in_dim3A_1182 = vector.broadcast %jit3A_1181 : f32 to vector<8x625xf32>
      %select_n3A_1183 = arith.select %eq3A_1180, %concatenate3A_781, %broadcast_in_dim3A_1182 : vector<8x625xi1>, vector<8x625xf32>
      %reduce_sum3A_1184 = arith.constant dense<0.000000e+00> : vector<8xf32>
      %reduce_sum3A_1185 = vector.multi_reduction <add>, %select_n3A_1183, %reduce_sum3A_1184 [1] : vector<8x625xf32> to vector<8xf32>
      %broadcast_in_dim3A_1186 = vector.shape_cast %reduce_sum3A_1185 : vector<8xf32> to vector<8x1xf32>
      %add3A_1187 = arith.addf %add3A_1164, %broadcast_in_dim3A_1186 : vector<8x1xf32>
      %ge3A_1188 = arith.constant 2.500000e+01 : f32
      %ge3A_1189 = vector.broadcast %ge3A_1188 : f32 to vector<8x1xf32>
      %ge3A_1190 = arith.cmpf oge, %add3A_1187, %ge3A_1189 : vector<8x1xf32>
      %and3A_1191 = arith.andi %and3A_1172, %ge3A_1190 : vector<8x1xi1>
      %select_n3A_1192 = arith.select %and3A_1191, %broadcast_in_dim3A_1178, %select_n3A_1169 : vector<8x1xi1>, vector<8x1xf32>
      %not3A_1193 = arith.constant dense<true> : vector<8x1xi1>
      %not3A_1194 = arith.xori %and3A_1191, %not3A_1193 : vector<8x1xi1>
      %and3A_1195 = arith.andi %and3A_1172, %not3A_1194 : vector<8x1xi1>
      %jit3A_1196 = arith.constant 0x7F800000 : f32
      %broadcast_in_dim3A_1197 = vector.broadcast %jit3A_1196 : f32 to vector<8x625xf32>
      %select_n3A_1198 = arith.select %eq3A_1180, %broadcast_in_dim3A_1197, %select_n3A_1175 : vector<8x625xi1>, vector<8x625xf32>
      %reduce_min3A_1199 = arith.constant dense<0x7F800000> : vector<8xf32>
      %reduce_min3A_1200 = vector.multi_reduction <minimumf>, %select_n3A_1198, %reduce_min3A_1199 [1] : vector<8x625xf32> to vector<8xf32>
      %broadcast_in_dim3A_1201 = vector.shape_cast %reduce_min3A_1200 : vector<8xf32> to vector<8x1xf32>
      %eq3A_1202 = vector.broadcast %broadcast_in_dim3A_1201 : vector<8x1xf32> to vector<8x625xf32>
      %eq3A_1203 = arith.cmpf oeq, %select_n3A_1198, %eq3A_1202 : vector<8x625xf32>
      %jit3A_1204 = arith.constant 0.000000e+00 : f32
      %broadcast_in_dim3A_1205 = vector.broadcast %jit3A_1204 : f32 to vector<8x625xf32>
      %select_n3A_1206 = arith.select %eq3A_1203, %concatenate3A_781, %broadcast_in_dim3A_1205 : vector<8x625xi1>, vector<8x625xf32>
      %reduce_sum3A_1207 = arith.constant dense<0.000000e+00> : vector<8xf32>
      %reduce_sum3A_1208 = vector.multi_reduction <add>, %select_n3A_1206, %reduce_sum3A_1207 [1] : vector<8x625xf32> to vector<8xf32>
      %broadcast_in_dim3A_1209 = vector.shape_cast %reduce_sum3A_1208 : vector<8xf32> to vector<8x1xf32>
      %add3A_1210 = arith.addf %add3A_1187, %broadcast_in_dim3A_1209 : vector<8x1xf32>
      %ge3A_1211 = arith.constant 2.500000e+01 : f32
      %ge3A_1212 = vector.broadcast %ge3A_1211 : f32 to vector<8x1xf32>
      %ge3A_1213 = arith.cmpf oge, %add3A_1210, %ge3A_1212 : vector<8x1xf32>
      %and3A_1214 = arith.andi %and3A_1195, %ge3A_1213 : vector<8x1xi1>
      %select_n3A_1215 = arith.select %and3A_1214, %broadcast_in_dim3A_1201, %select_n3A_1192 : vector<8x1xi1>, vector<8x1xf32>
      %not3A_1216 = arith.constant dense<true> : vector<8x1xi1>
      %not3A_1217 = arith.xori %and3A_1214, %not3A_1216 : vector<8x1xi1>
      %and3A_1218 = arith.andi %and3A_1195, %not3A_1217 : vector<8x1xi1>
      %jit3A_1219 = arith.constant 0x7F800000 : f32
      %broadcast_in_dim3A_1220 = vector.broadcast %jit3A_1219 : f32 to vector<8x625xf32>
      %select_n3A_1221 = arith.select %eq3A_1203, %broadcast_in_dim3A_1220, %select_n3A_1198 : vector<8x625xi1>, vector<8x625xf32>
      %reduce_min3A_1222 = arith.constant dense<0x7F800000> : vector<8xf32>
      %reduce_min3A_1223 = vector.multi_reduction <minimumf>, %select_n3A_1221, %reduce_min3A_1222 [1] : vector<8x625xf32> to vector<8xf32>
      %broadcast_in_dim3A_1224 = vector.shape_cast %reduce_min3A_1223 : vector<8xf32> to vector<8x1xf32>
      %eq3A_1225 = vector.broadcast %broadcast_in_dim3A_1224 : vector<8x1xf32> to vector<8x625xf32>
      %eq3A_1226 = arith.cmpf oeq, %select_n3A_1221, %eq3A_1225 : vector<8x625xf32>
      %jit3A_1227 = arith.constant 0.000000e+00 : f32
      %broadcast_in_dim3A_1228 = vector.broadcast %jit3A_1227 : f32 to vector<8x625xf32>
      %select_n3A_1229 = arith.select %eq3A_1226, %concatenate3A_781, %broadcast_in_dim3A_1228 : vector<8x625xi1>, vector<8x625xf32>
      %reduce_sum3A_1230 = arith.constant dense<0.000000e+00> : vector<8xf32>
      %reduce_sum3A_1231 = vector.multi_reduction <add>, %select_n3A_1229, %reduce_sum3A_1230 [1] : vector<8x625xf32> to vector<8xf32>
      %broadcast_in_dim3A_1232 = vector.shape_cast %reduce_sum3A_1231 : vector<8xf32> to vector<8x1xf32>
      %add3A_1233 = arith.addf %add3A_1210, %broadcast_in_dim3A_1232 : vector<8x1xf32>
      %ge3A_1234 = arith.constant 2.500000e+01 : f32
      %ge3A_1235 = vector.broadcast %ge3A_1234 : f32 to vector<8x1xf32>
      %ge3A_1236 = arith.cmpf oge, %add3A_1233, %ge3A_1235 : vector<8x1xf32>
      %and3A_1237 = arith.andi %and3A_1218, %ge3A_1236 : vector<8x1xi1>
      %select_n3A_1238 = arith.select %and3A_1237, %broadcast_in_dim3A_1224, %select_n3A_1215 : vector<8x1xi1>, vector<8x1xf32>
      %not3A_1239 = arith.constant dense<true> : vector<8x1xi1>
      %not3A_1240 = arith.xori %and3A_1237, %not3A_1239 : vector<8x1xi1>
      %and3A_1241 = arith.andi %and3A_1218, %not3A_1240 : vector<8x1xi1>
      %jit3A_1242 = arith.constant 0x7F800000 : f32
      %broadcast_in_dim3A_1243 = vector.broadcast %jit3A_1242 : f32 to vector<8x625xf32>
      %select_n3A_1244 = arith.select %eq3A_1226, %broadcast_in_dim3A_1243, %select_n3A_1221 : vector<8x625xi1>, vector<8x625xf32>
      %reduce_min3A_1245 = arith.constant dense<0x7F800000> : vector<8xf32>
      %reduce_min3A_1246 = vector.multi_reduction <minimumf>, %select_n3A_1244, %reduce_min3A_1245 [1] : vector<8x625xf32> to vector<8xf32>
      %broadcast_in_dim3A_1247 = vector.shape_cast %reduce_min3A_1246 : vector<8xf32> to vector<8x1xf32>
      %eq3A_1248 = vector.broadcast %broadcast_in_dim3A_1247 : vector<8x1xf32> to vector<8x625xf32>
      %eq3A_1249 = arith.cmpf oeq, %select_n3A_1244, %eq3A_1248 : vector<8x625xf32>
      %jit3A_1250 = arith.constant 0.000000e+00 : f32
      %broadcast_in_dim3A_1251 = vector.broadcast %jit3A_1250 : f32 to vector<8x625xf32>
      %select_n3A_1252 = arith.select %eq3A_1249, %concatenate3A_781, %broadcast_in_dim3A_1251 : vector<8x625xi1>, vector<8x625xf32>
      %reduce_sum3A_1253 = arith.constant dense<0.000000e+00> : vector<8xf32>
      %reduce_sum3A_1254 = vector.multi_reduction <add>, %select_n3A_1252, %reduce_sum3A_1253 [1] : vector<8x625xf32> to vector<8xf32>
      %broadcast_in_dim3A_1255 = vector.shape_cast %reduce_sum3A_1254 : vector<8xf32> to vector<8x1xf32>
      %add3A_1256 = arith.addf %add3A_1233, %broadcast_in_dim3A_1255 : vector<8x1xf32>
      %ge3A_1257 = arith.constant 2.500000e+01 : f32
      %ge3A_1258 = vector.broadcast %ge3A_1257 : f32 to vector<8x1xf32>
      %ge3A_1259 = arith.cmpf oge, %add3A_1256, %ge3A_1258 : vector<8x1xf32>
      %and3A_1260 = arith.andi %and3A_1241, %ge3A_1259 : vector<8x1xi1>
      %select_n3A_1261 = arith.select %and3A_1260, %broadcast_in_dim3A_1247, %select_n3A_1238 : vector<8x1xi1>, vector<8x1xf32>
      %not3A_1262 = arith.constant dense<true> : vector<8x1xi1>
      %not3A_1263 = arith.xori %and3A_1260, %not3A_1262 : vector<8x1xi1>
      %and3A_1264 = arith.andi %and3A_1241, %not3A_1263 : vector<8x1xi1>
      %jit3A_1265 = arith.constant 0x7F800000 : f32
      %broadcast_in_dim3A_1266 = vector.broadcast %jit3A_1265 : f32 to vector<8x625xf32>
      %select_n3A_1267 = arith.select %eq3A_1249, %broadcast_in_dim3A_1266, %select_n3A_1244 : vector<8x625xi1>, vector<8x625xf32>
      %reduce_min3A_1268 = arith.constant dense<0x7F800000> : vector<8xf32>
      %reduce_min3A_1269 = vector.multi_reduction <minimumf>, %select_n3A_1267, %reduce_min3A_1268 [1] : vector<8x625xf32> to vector<8xf32>
      %broadcast_in_dim3A_1270 = vector.shape_cast %reduce_min3A_1269 : vector<8xf32> to vector<8x1xf32>
      %eq3A_1271 = vector.broadcast %broadcast_in_dim3A_1270 : vector<8x1xf32> to vector<8x625xf32>
      %eq3A_1272 = arith.cmpf oeq, %select_n3A_1267, %eq3A_1271 : vector<8x625xf32>
      %jit3A_1273 = arith.constant 0.000000e+00 : f32
      %broadcast_in_dim3A_1274 = vector.broadcast %jit3A_1273 : f32 to vector<8x625xf32>
      %select_n3A_1275 = arith.select %eq3A_1272, %concatenate3A_781, %broadcast_in_dim3A_1274 : vector<8x625xi1>, vector<8x625xf32>
      %reduce_sum3A_1276 = arith.constant dense<0.000000e+00> : vector<8xf32>
      %reduce_sum3A_1277 = vector.multi_reduction <add>, %select_n3A_1275, %reduce_sum3A_1276 [1] : vector<8x625xf32> to vector<8xf32>
      %broadcast_in_dim3A_1278 = vector.shape_cast %reduce_sum3A_1277 : vector<8xf32> to vector<8x1xf32>
      %add3A_1279 = arith.addf %add3A_1256, %broadcast_in_dim3A_1278 : vector<8x1xf32>
      %ge3A_1280 = arith.constant 2.500000e+01 : f32
      %ge3A_1281 = vector.broadcast %ge3A_1280 : f32 to vector<8x1xf32>
      %ge3A_1282 = arith.cmpf oge, %add3A_1279, %ge3A_1281 : vector<8x1xf32>
      %and3A_1283 = arith.andi %and3A_1264, %ge3A_1282 : vector<8x1xi1>
      %select_n3A_1284 = arith.select %and3A_1283, %broadcast_in_dim3A_1270, %select_n3A_1261 : vector<8x1xi1>, vector<8x1xf32>
      %not3A_1285 = arith.constant dense<true> : vector<8x1xi1>
      %not3A_1286 = arith.xori %and3A_1283, %not3A_1285 : vector<8x1xi1>
      %and3A_1287 = arith.andi %and3A_1264, %not3A_1286 : vector<8x1xi1>
      %jit3A_1288 = arith.constant 0x7F800000 : f32
      %broadcast_in_dim3A_1289 = vector.broadcast %jit3A_1288 : f32 to vector<8x625xf32>
      %select_n3A_1290 = arith.select %eq3A_1272, %broadcast_in_dim3A_1289, %select_n3A_1267 : vector<8x625xi1>, vector<8x625xf32>
      %reduce_min3A_1291 = arith.constant dense<0x7F800000> : vector<8xf32>
      %reduce_min3A_1292 = vector.multi_reduction <minimumf>, %select_n3A_1290, %reduce_min3A_1291 [1] : vector<8x625xf32> to vector<8xf32>
      %broadcast_in_dim3A_1293 = vector.shape_cast %reduce_min3A_1292 : vector<8xf32> to vector<8x1xf32>
      %eq3A_1294 = vector.broadcast %broadcast_in_dim3A_1293 : vector<8x1xf32> to vector<8x625xf32>
      %eq3A_1295 = arith.cmpf oeq, %select_n3A_1290, %eq3A_1294 : vector<8x625xf32>
      %jit3A_1296 = arith.constant 0.000000e+00 : f32
      %broadcast_in_dim3A_1297 = vector.broadcast %jit3A_1296 : f32 to vector<8x625xf32>
      %select_n3A_1298 = arith.select %eq3A_1295, %concatenate3A_781, %broadcast_in_dim3A_1297 : vector<8x625xi1>, vector<8x625xf32>
      %reduce_sum3A_1299 = arith.constant dense<0.000000e+00> : vector<8xf32>
      %reduce_sum3A_1300 = vector.multi_reduction <add>, %select_n3A_1298, %reduce_sum3A_1299 [1] : vector<8x625xf32> to vector<8xf32>
      %broadcast_in_dim3A_1301 = vector.shape_cast %reduce_sum3A_1300 : vector<8xf32> to vector<8x1xf32>
      %add3A_1302 = arith.addf %add3A_1279, %broadcast_in_dim3A_1301 : vector<8x1xf32>
      %ge3A_1303 = arith.constant 2.500000e+01 : f32
      %ge3A_1304 = vector.broadcast %ge3A_1303 : f32 to vector<8x1xf32>
      %ge3A_1305 = arith.cmpf oge, %add3A_1302, %ge3A_1304 : vector<8x1xf32>
      %and3A_1306 = arith.andi %and3A_1287, %ge3A_1305 : vector<8x1xi1>
      %select_n3A_1307 = arith.select %and3A_1306, %broadcast_in_dim3A_1293, %select_n3A_1284 : vector<8x1xi1>, vector<8x1xf32>
      %not3A_1308 = arith.constant dense<true> : vector<8x1xi1>
      %not3A_1309 = arith.xori %and3A_1306, %not3A_1308 : vector<8x1xi1>
      %and3A_1310 = arith.andi %and3A_1287, %not3A_1309 : vector<8x1xi1>
      %jit3A_1311 = arith.constant 0x7F800000 : f32
      %broadcast_in_dim3A_1312 = vector.broadcast %jit3A_1311 : f32 to vector<8x625xf32>
      %select_n3A_1313 = arith.select %eq3A_1295, %broadcast_in_dim3A_1312, %select_n3A_1290 : vector<8x625xi1>, vector<8x625xf32>
      %reduce_min3A_1314 = arith.constant dense<0x7F800000> : vector<8xf32>
      %reduce_min3A_1315 = vector.multi_reduction <minimumf>, %select_n3A_1313, %reduce_min3A_1314 [1] : vector<8x625xf32> to vector<8xf32>
      %broadcast_in_dim3A_1316 = vector.shape_cast %reduce_min3A_1315 : vector<8xf32> to vector<8x1xf32>
      %eq3A_1317 = vector.broadcast %broadcast_in_dim3A_1316 : vector<8x1xf32> to vector<8x625xf32>
      %eq3A_1318 = arith.cmpf oeq, %select_n3A_1313, %eq3A_1317 : vector<8x625xf32>
      %jit3A_1319 = arith.constant 0.000000e+00 : f32
      %broadcast_in_dim3A_1320 = vector.broadcast %jit3A_1319 : f32 to vector<8x625xf32>
      %select_n3A_1321 = arith.select %eq3A_1318, %concatenate3A_781, %broadcast_in_dim3A_1320 : vector<8x625xi1>, vector<8x625xf32>
      %reduce_sum3A_1322 = arith.constant dense<0.000000e+00> : vector<8xf32>
      %reduce_sum3A_1323 = vector.multi_reduction <add>, %select_n3A_1321, %reduce_sum3A_1322 [1] : vector<8x625xf32> to vector<8xf32>
      %broadcast_in_dim3A_1324 = vector.shape_cast %reduce_sum3A_1323 : vector<8xf32> to vector<8x1xf32>
      %add3A_1325 = arith.addf %add3A_1302, %broadcast_in_dim3A_1324 : vector<8x1xf32>
      %ge3A_1326 = arith.constant 2.500000e+01 : f32
      %ge3A_1327 = vector.broadcast %ge3A_1326 : f32 to vector<8x1xf32>
      %ge3A_1328 = arith.cmpf oge, %add3A_1325, %ge3A_1327 : vector<8x1xf32>
      %and3A_1329 = arith.andi %and3A_1310, %ge3A_1328 : vector<8x1xi1>
      %select_n3A_1330 = arith.select %and3A_1329, %broadcast_in_dim3A_1316, %select_n3A_1307 : vector<8x1xi1>, vector<8x1xf32>
      %not3A_1331 = arith.constant dense<true> : vector<8x1xi1>
      %not3A_1332 = arith.xori %and3A_1329, %not3A_1331 : vector<8x1xi1>
      %and3A_1333 = arith.andi %and3A_1310, %not3A_1332 : vector<8x1xi1>
      %jit3A_1334 = arith.constant 0x7F800000 : f32
      %broadcast_in_dim3A_1335 = vector.broadcast %jit3A_1334 : f32 to vector<8x625xf32>
      %select_n3A_1336 = arith.select %eq3A_1318, %broadcast_in_dim3A_1335, %select_n3A_1313 : vector<8x625xi1>, vector<8x625xf32>
      %reduce_min3A_1337 = arith.constant dense<0x7F800000> : vector<8xf32>
      %reduce_min3A_1338 = vector.multi_reduction <minimumf>, %select_n3A_1336, %reduce_min3A_1337 [1] : vector<8x625xf32> to vector<8xf32>
      %broadcast_in_dim3A_1339 = vector.shape_cast %reduce_min3A_1338 : vector<8xf32> to vector<8x1xf32>
      %eq3A_1340 = vector.broadcast %broadcast_in_dim3A_1339 : vector<8x1xf32> to vector<8x625xf32>
      %eq3A_1341 = arith.cmpf oeq, %select_n3A_1336, %eq3A_1340 : vector<8x625xf32>
      %jit3A_1342 = arith.constant 0.000000e+00 : f32
      %broadcast_in_dim3A_1343 = vector.broadcast %jit3A_1342 : f32 to vector<8x625xf32>
      %select_n3A_1344 = arith.select %eq3A_1341, %concatenate3A_781, %broadcast_in_dim3A_1343 : vector<8x625xi1>, vector<8x625xf32>
      %reduce_sum3A_1345 = arith.constant dense<0.000000e+00> : vector<8xf32>
      %reduce_sum3A_1346 = vector.multi_reduction <add>, %select_n3A_1344, %reduce_sum3A_1345 [1] : vector<8x625xf32> to vector<8xf32>
      %broadcast_in_dim3A_1347 = vector.shape_cast %reduce_sum3A_1346 : vector<8xf32> to vector<8x1xf32>
      %add3A_1348 = arith.addf %add3A_1325, %broadcast_in_dim3A_1347 : vector<8x1xf32>
      %ge3A_1349 = arith.constant 2.500000e+01 : f32
      %ge3A_1350 = vector.broadcast %ge3A_1349 : f32 to vector<8x1xf32>
      %ge3A_1351 = arith.cmpf oge, %add3A_1348, %ge3A_1350 : vector<8x1xf32>
      %and3A_1352 = arith.andi %and3A_1333, %ge3A_1351 : vector<8x1xi1>
      %select_n3A_1353 = arith.select %and3A_1352, %broadcast_in_dim3A_1339, %select_n3A_1330 : vector<8x1xi1>, vector<8x1xf32>
      %broadcast_in_dim3A_1354 = arith.constant 0.000000e+00 : f32
      %broadcast_in_dim3A_1355 = vector.broadcast %broadcast_in_dim3A_1354 : f32 to vector<8x7xf32>
      %concatenate3A_1356 = tpu.concatenate %select_n3A_1353, %broadcast_in_dim3A_1355 in 1 : vector<8x1xf32>, vector<8x7xf32> -> vector<8x8xf32>
      %swap3A_1357 = arith.constant 0 : index
      %swap3A_1358 = arith.constant 0 : index
      %swap3A_1359 = vector.load %arg5[%swap3A_1357, %swap3A_1358] : memref<8x8xf32, #tpu.memory_space<vmem>>, vector<8x8xf32>
      tpu.vector_store %arg5[%swap3A_1357, %swap3A_1358], %concatenate3A_1356 {strides = array<i32>} : memref<8x8xf32, #tpu.memory_space<vmem>>, vector<8x8xf32>,
    } else {
    }
    return
  }
  func.func @transform_0(%arg0: i32) -> (i32, i32, i32) {
    %c0_i32 = arith.constant 0 : i32
    %c0_i32_0 = arith.constant 0 : i32
    %c0_i32_1 = arith.constant 0 : i32
    return %arg0, %c0_i32, %c0_i32_0 : i32, i32, i32
  }
  func.func @transform_1(%arg0: i32) -> (i32, i32, i32) {
    %c0_i32 = arith.constant 0 : i32
    %c0_i32_0 = arith.constant 0 : i32
    %c0_i32_1 = arith.constant 0 : i32
    %c0_i32_2 = arith.constant 0 : i32
    return %c0_i32, %c0_i32_0, %c0_i32_1 : i32, i32, i32
  }
  func.func @transform_2(%arg0: i32) -> (i32, i32, i32) {
    %c0_i32 = arith.constant 0 : i32
    %c0_i32_0 = arith.constant 0 : i32
    %c0_i32_1 = arith.constant 0 : i32
    return %arg0, %c0_i32, %c0_i32_0 : i32, i32, i32
  }
  func.func @transform_3(%arg0: i32) -> (i32, i32, i32) {
    %c0_i32 = arith.constant 0 : i32
    %c0_i32_0 = arith.constant 0 : i32
    %c0_i32_1 = arith.constant 0 : i32
    return %arg0, %c0_i32, %c0_i32_0 : i32, i32, i32
  }
  func.func @transform_4(%arg0: i32) -> (i32, i32) {
    %c0_i32 = arith.constant 0 : i32
    %c0_i32_0 = arith.constant 0 : i32
    %c0_i32_1 = arith.constant 0 : i32
    return %c0_i32, %c0_i32_0 : i32, i32
  }
}

</mosaic_0001>

<sc_bundles>
// kernel: kernel.5.cloned.1.call-start
scs
__scs_entry_jumppad:
0x0: {  	(pc) =	sbr.rel $0x88, $3  }
0x1: {  	(tag) =	ssettag $0x0;
	lr =	simm.s32 $0x1  }
0x2: {  	[smem:$0x3F9D] =	sst lr;
	_ =	strace $0xD0000000  }
0x3: {  	_ = 	snop  }
0x4: {  	_ = 	snop  }
0x5: {  	_ = 	snop  }
0x6: {  	_ = 	snop  }
0x7: {  	_ = 	snop  }
__scs_overlays_trampoline_lowered:
0x8: {  	[smem:$0x3FAC] =	sst s0  }
0x9: {  	[smem:$0x3FAD] =	sst s1  }
0xa: {  	[smem:$0x3FAE] =	sst s2  }
0xb: {  	[smem:$0x3FAF] =	sst s3  }
0xc: {  	[smem:$0x3FB0] =	sst s4  }
0xd: {  	[smem:$0x3FB1] =	sst s5  }
0xe: {  	[smem:$0x3FB2] =	sst s6  }
0xf: {  	[smem:$0x3FB3] =	sst s7  }
0x10: {  	[smem:$0x3FB4] =	sst s8  }
0x11: {  	[smem:$0x3FB5] =	sst s9;
	s0 =	simm.s32 @!p0 $0x0  }
0x12: {  	s1 =	sld [smem:$0x3F9B];
	s0 =	simm.s32 @p0 $0x1  }
0x13: {  	[smem:$0x3FB6] =	sst s0;
	s0 =	simm.s32 @!p1 $0x0  }
0x14: {  	s2 =	sld [smem:$0x3F9A];
	s0 =	simm.s32 @p1 $0x1  }
0x15: {  	[smem:$0x3FB7] =	sst s0;
	s0 =	simm.s32 @!p2 $0x0  }
0x16: {  	s3 =	sld [smem:$0x3FDB];
	s0 =	simm.s32 @p2 $0x1  }
0x17: {  	s4 =	simm.s32 $0x1BF5;
	[smem:$0x3FB9] =	sst s0  }
0x18: {  	s0 =	sld [smem:$0x3F9C];
	_ =	swait.ge [sflag:s4], $0x0  }
0x19: {  	s7 =	sld [smem:$0x3F9D]  }
0x1a: {  	s8 =	sadd.s32 $0xFFFFE003, lr  }
0x1b: {  	s9 =	sadd.s32 $0xFFFFFEF7, lr;
	s5 =	simm.s32 $0xFFFFFFFF;
	p2 =	slt.u32 s8, $0xFFFFF086  }
0x1c: {  	p1 =	slt.u32 s9, $0xF7A;
	s5 =	simm.s32 @!p2 $0x0  }
0x1d: {  	s5 =	simm.s32 @p1 $0x1;
	p0 =	seq.s32 s7, s2  }
0x1e: {  	s7 =	smul.u32 @!p0 $0xF7A, s2;
	p2 =	seq.s32 @!p0 s5, $0x0  }
0x1f: {  	s9 =	smul.u32 $0xF7A, s1;
	s8 =	simm.s32 @!p0 $0x1BF5;
	p2 =	por !p2, p0  }
0x20: {  	[sflag:s8] =	ssyncset.s32 @!p0 $0xFFFFF086;
	s6 =	sadd.s32 @!p0 s3, s7;
	s7 =	simm.s32 @!p0 $0x108  }
0x21: {  	s3 =	sadd.s32 s3, s9;
	s6 =	sadd.s32 @!p0 $0x88, s6;
	s7 =	simm.s32 @p2 $0x1082  }
0x22: {  	[simem:s7], [sflag:s8] =	dma.local @!p0 [hbm:s6], $0xF7A  }
0x23: {  	s9 =	sor.u32 $0xD0000000, s2;
	s6 =	simm.s32 $0x108;
	_ =	swait.ge @!p0 [sflag:s8], $0x0  }
0x24: {  	s3 =	sadd.s32 $0x88, s3;
	s6 =	simm.s32 @!p1 $0x1082;
	[sflag:s4] =	ssyncset.s32 $0xFFFFF086  }
0x25: {  	[simem:s6], [sflag:s4] =	dma.local [hbm:s3], $0xF7A  }
0x26: {  	[smem:$0x3F9D] =	sst s1;
	(tag) =	ssettag s2;
	_ =	strace s9  }
0x27: {  	s1 =	sld [smem:$0x3FAD]  }
0x28: {  	s2 =	sld [smem:$0x3FAE]  }
0x29: {  	s4 =	sld [smem:$0x3FB0]  }
0x2a: {  	p0 =	seq.s32 s5, $0x0;
	s5 =	sld [smem:$0x3FB1]  }
0x2b: {  	s6 =	sld [smem:$0x3FB2]  }
0x2c: {  	s7 =	sld [smem:$0x3FB3]  }
0x2d: {  	s3 =	simm.s32 $0x108;
	s8 =	sld [smem:$0x3FB4]  }
0x2e: {  	s3 =	simm.s32 @!p0 $0x1082;
	s9 =	sld [smem:$0x3FB5]  }
0x2f: {  	lr =	sadd.s32 s0, s3;
	s0 =	sld [smem:$0x3FAC]  }
0x30: {  	s3 =	sld [smem:$0x3FAF]  }
0x31: {  	[smem:$0x3FB8] =	sst s10  }
0x32: {  	s10 =	sld [smem:$0x3FB6];
	_ =	sdelay $0x3  }
0x33: {  	p0 =	seq.s32 s10, $0x1;
	s10 =	sld [smem:$0x3FB8];
	_ =	sdelay $0x3  }
0x34: {  	[smem:$0x3FB8] =	sst s10  }
0x35: {  	s10 =	sld [smem:$0x3FB7];
	_ =	sdelay $0x3  }
0x36: {  	p1 =	seq.s32 s10, $0x1;
	s10 =	sld [smem:$0x3FB8];
	_ =	sdelay $0x3  }
0x37: {  	[smem:$0x3FB8] =	sst s10  }
0x38: {  	s10 =	sld [smem:$0x3FB9]  }
0x39: {  	_ = 	snop;
	(pc) =	sbr.ind lr, $3  }
0x3a: {  	_ = 	snop  }
0x3b: {  	_ = 	snop  }
0x3c: {  	p2 =	seq.s32 s10, $0x1;
	s10 =	sld [smem:$0x3FB8]  }
0x3d: {  	_ =	shalt  }
0x3e: {  	_ =	shalt  }
0x3f: {  	_ =	shalt  }
0x40: {  	_ =	shalt  }
0x41: {  	_ =	shalt  }
0x42: {  	_ =	shalt  }
0x43: {  	_ =	shalt  }
0x44: {  	_ =	shalt  }
0x45: {  	_ =	shalt  }
0x46: {  	_ =	shalt  }
0x47: {  	_ =	shalt  }
0x48: {  	_ =	shalt  }
0x49: {  	_ =	shalt  }
0x4a: {  	_ =	shalt  }
0x4b: {  	_ =	shalt  }
0x4c: {  	_ =	shalt  }
0x4d: {  	_ =	shalt  }
0x4e: {  	_ =	shalt  }
0x4f: {  	_ =	shalt  }
0x50: {  	_ =	shalt  }
0x51: {  	_ =	shalt  }
0x52: {  	_ =	shalt  }
0x53: {  	_ =	shalt  }
0x54: {  	_ =	shalt  }
0x55: {  	_ =	shalt  }
0x56: {  	_ =	shalt  }
0x57: {  	_ =	shalt  }
0x58: {  	_ =	shalt  }
0x59: {  	_ =	shalt  }
0x5a: {  	_ =	shalt  }
0x5b: {  	_ =	shalt  }
0x5c: {  	_ =	shalt  }
0x5d: {  	_ =	shalt  }
0x5e: {  	_ =	shalt  }
0x5f: {  	_ =	shalt  }
0x60: {  	_ =	shalt  }
0x61: {  	_ =	shalt  }
0x62: {  	_ =	shalt  }
0x63: {  	_ =	shalt  }
0x64: {  	_ =	shalt  }
0x65: {  	_ =	shalt  }
0x66: {  	_ =	shalt  }
0x67: {  	_ =	shalt  }
0x68: {  	_ =	shalt  }
0x69: {  	_ =	shalt  }
0x6a: {  	_ =	shalt  }
0x6b: {  	_ =	shalt  }
0x6c: {  	_ =	shalt  }
0x6d: {  	_ =	shalt  }
0x6e: {  	_ =	shalt  }
0x6f: {  	_ =	shalt  }
0x70: {  	_ =	shalt  }
0x71: {  	_ =	shalt  }
0x72: {  	_ =	shalt  }
0x73: {  	_ =	shalt  }
0x74: {  	_ =	shalt  }
0x75: {  	_ =	shalt  }
0x76: {  	_ =	shalt  }
0x77: {  	_ =	shalt  }
0x78: {  	_ =	shalt  }
0x79: {  	_ =	shalt  }
0x7a: {  	_ =	shalt  }
0x7b: {  	_ =	shalt  }
0x7c: {  	_ =	shalt  }
0x7d: {  	_ =	shalt  }
0x7e: {  	_ =	shalt  }
0x7f: {  	_ =	shalt  }
0x80: {  	_ =	shalt  }
0x81: {  	_ =	shalt  }
0x82: {  	_ =	shalt  }
0x83: {  	_ =	shalt  }
0x84: {  	_ =	shalt  }
0x85: {  	_ =	shalt  }
0x86: {  	_ =	shalt  }
0x87: {  	_ =	shalt  }
.Lfunc_end0:
.L_simem_size_0:
called_computation_lowered:
.L_overlay_start_0:
0x88: {  	s2 =	sld [smem:$0x3FD9]  }
0x89: {  	s3 =	sld [smem:$0x3FFE];
	_ =	sdelay $0x1  }
0x8a: {  	s1 =	srdreg.scid  }
0x8b: {  	s0 =	sand.u32 $0x1, s1  }
0x8c: {  	s17 =	sshll.u32 s0, $0xA;
	s2 =	sadd.s32 s3, s2  }
0x8d: {  	s2 =	sadd.s32 s2, s17  }
0x8e: {  	[smem:$0x3FC4] =	sst s2  }
0x8f: {  	_ = 	snop  }
0x90: {  	s2 =	sld [smem:$0x3FD0];
	(tm) =	ssettm $0x1  }
0x91: {  	s18 =	sld [smem:$0x3FFB];
	_ =	sdelay $0x3  }
0x92: {  	_ =	strace s18  }
0x93: {  	s3 =	sld [smem:$0x3FFC];
	_ =	sdelay $0x3  }
0x94: {  	_ =	strace s3  }
0x95: {  	s3 =	sld [smem:$0x3FFD];
	_ =	sdelay $0x3  }
0x96: {  	_ =	strace s3  }
0x97: {  	_ =	strace $0x8FFFFFFF  }
0x98: {  	s19 =	sld [smem:$0x3FDB];
	_ =	sdelay $0x1  }
0x99: {  	s4 =	simm.s32 $_scs_section_size  }
0x9a: {  	s5 =	simm.s32 $_size__tile_overlayer_lowered;
	s6 =	simm.s32 $_tile_overlayer_lowered  }
0x9b: {  	s22 =	simm.s32 $0x1BFF;
	s21 =	sshll.u32 s6, $0x1;
	s3 =	sadd.s32 s4, s19  }
0x9c: {  	s7 =	simm.s32 $0x0;
	s20 =	sshll.u32 s5, $0x1;
	s5 =	sadd.s32 s21, s3  }
0x9d: {  	[timem:s7], [sflag:s22] =	dma.local [hbm:s5], s20  }
0x9e: {  	_ =	swait.ge [sflag:s22], s20  }
0x9f: {  	s4 =	ssub.s32 $0x0, s20;
	[sflag:s22] =	ssyncset.done $0x0  }
0xa0: {  	[sflag:s22] =	ssyncadd.s32 s4;
	_ =	sdelay $0x1  }
0xa1: {  	s23 =	simm.s32 $0x1B8B  }
0xa2: {  	_ =	swait.ge [sflag:s23], $0x1  }
0xa3: {  	[sflag:s23] =	ssyncset.done $0x0  }
0xa4: {  	s25 =	simm.s32 $0x1B8E;
	s24 =	sld [smem:$0x3FFE];
	[sflag:s23] =	ssyncadd.s32 $0xFFFFFFFF  }
0xa5: {  	s26 =	simm.s32 $execute0_lowered;
	[smem:$0x3FD2] =	sst s25  }
0xa6: {  	s5 =	sshll.u32 s26, $0x1;
	_ =	strace $0x80000046;
	[dreg:$0x1] =	wrdreg $0xFFFFFFFF  }
0xa7: {  	s28 =	simm.s32 $_size_execute0_lowered;
	s3 =	sadd.s32 s3, s5;
	[dreg:$0x0] =	wrdreg $0x0  }
0xa8: {  	s5 =	sshll.u32 s28, $0x1;
	[dreg:$0x2] =	wrdreg s3  }
0xa9: {  	[dreg:$0x3] =	wrdreg s5  }
0xaa: {  	[dreg:$0x4] =	wrdreg $0xC0  }
0xab: {  	_ =	task [dreg:s7], $0x5FFFF  }
0xac: {  	[dreg:$0x1] =	wrdreg $0xFFFFFFFF  }
0xad: {  	[dreg:$0x0] =	wrdreg $0x60  }
0xae: {  	[dreg:$0x2] =	wrdreg s24  }
0xaf: {  	[dreg:$0x3] =	wrdreg s2  }
0xb0: {  	[dreg:$0x4] =	wrdreg $0x9  }
0xb1: {  	_ =	task.clear_ibuf [dreg:s7], $0x5FFFF;
	_ =	strace $0x90000046  }
0xb2: {  	s29 =	simm.s32 $0x9;
	_ =	strace $0x80000048  }
0xb3: {  	_ =	swait.ge [sflag:s29], $0x1  }
0xb4: {  	[sflag:s29] =	ssyncadd.s32 $0xFFFFFFFF  }
0xb5: {  	_ =	strace $0x90000048  }
0xb6: {  	_ =	sfence  }
0xb7: {  	s30 =	sld [smem:$0x0];
	_ =	sdelay $0x2  }
0xb8: {  	s31 =	sshll.u32 s1, $0xD;
	s1 =	sshrl.u32 s1, $0x2  }
0xb9: {  	s3 =	sand.u32 $0x4000, s31;
	s1 =	sadd.s32 s1, s30  }
0xba: {  	s0 =	sor.u32 s3, s0;
	s1 =	sshll.u32 s1, $0x11  }
0xbb: {  	s0 =	sor.u32 s1, s0  }
0xbc: {  	s0 =	sadd.s32 $0x8F2B, s0  }
0xbd: {  	[sflag:s0] =	ssyncadd.remote.s32 $0x1  }
0xbe: {  	_ =	sfence.sel $0xFFFF  }
0xbf: {  	[dreg:$0x0] =	wrdreg $0xFFFFFFFF;
	(pc) =	sbr.abs _section_cstart, $3  }
0xc0: {  	[dreg:$0x1] =	wrdreg $0xFFFFFFFF  }
0xc1: {  	_ =	task.clear_ibuf [dreg:s7], $0x2FFFF;
	_ =	strace $0x9FFFFFFF  }
0xc2: {  	(tm) =	ssettm $0x7FFFFFFF  }
0xc3: {  	_ =	shalt  }
tec
execute0_lowered:
.L_overlay_start_1:
0x0: {  	(tag) =	ssettag $0x1  }
0x1: {  	s8 =	rddreg [dreg:$0x0]  }
0x2: {  	s1 =	rddreg [dreg:$0x1]  }
0x3: {  	s0 =	rddreg [dreg:$0x2]  }
0x4: {  	s3 =	simm.s32 $0x0;
	s4 =	srdreg.scid;
	s2 =	stileid.u32  }
0x5: {  	s11 =	simm.s32 $0x19700;
	s12 =	simm.s32 $0x1;
	s13 =	simm.s32 $0x0  }
0x6: {  	[smem:$0x7FF] =	sst s3;
	s6 =	sand.u32 $0x1, s4;
	s4 =	sadd.s32 $0x187000, s8  }
0x7: {  	s7 =	sshll.u32 s2, $0x1;
	s5 =	sadd.s32 $0x800, s8;
	s9 =	ssub.s32 $0x2, s6  }
0x8: {  	_ =	strace $0x80000047;
	s6 =	sor.u32 s7, s6;
	s10 =	sshrl.u32 s9, $0x1  }
0x9: {  	v0 =	vlaneseq.u32;
	s7 =	sadd.s32 $0x600, s8;
	s31 =	ssub.s32 $0x9C, s6;
	s10 =	ssub.s32 s9, s10  }
0xa: {  	v1 =	vimm.f32 $0.0e+00;
	v2 =	vimm.f32 $1.000000000e+01;
	v0 =	vmul.u32 $0x80, v0;
	s8 =	sadd.s32 $0x30DA00, s8;
	s9 =	sshrl.u32 s31, $0x5;
	s10 =	smax.u32 s10, $0x1  }
.LBB2_1:
0xb: {  	[tilespmem:s11], [sflag:$0x1] =	stream.linear.gather [hbm4b:s7+s3], $0x400, $0x38;
	[tilespmem:$0x19B00] =	vst v63  }
0xc: {  	_ =	swait.ge [sflag:s12], $0x400  }
0xd: {  	[sflag:s12] =	ssyncset.done $0x0  }
0xe: {  	s14 =	simm.s32 $0x0;
	[sflag:s12] =	ssyncadd.s32 $0xFFFFFC00  }
.LBB2_2:
0xf: {  	s15 =	sshll.u32 s14, $0x5  }
0x10: {  	s16 =	sor.u32 s6, s15  }
0x11: {  	s15 =	smul.u32 $0x19000, s16;
	_ =	sdelay $0x1  }
0x12: {  	s15 =	sshrl.u32 s15, $0x3  }
0x13: {  	s17 =	smul.u32 $0x320, s16;
	s16 =	simm.s32 $0x0;
	s18 =	sadd.s32 s4, s15  }
0x14: {  	[tilespmem:s16], [sflag:$0x1] =	stream.linear.gather [hbm4b:s18+s16], $0x19000, $0x38;
	[tilespmem:$0x19B00] =	vst v63  }
0x15: {  	_ =	swait.ge [sflag:s12], $0x19000  }
0x16: {  	s30 =	sshrl.u32 s17, $0x3;
	[sflag:s12] =	ssyncset.done $0x0  }
0x17: {  	s17 =	simm.s32 $0x19000;
	s19 =	sadd.s32 s1, s30;
	[sflag:s12] =	ssyncadd.s32 $0xFFFE7000  }
0x18: {  	[tilespmem:s17], [sflag:$0x1] =	stream.linear.gather [hbm4b:s19+s16], $0x320, $0x38;
	[tilespmem:$0x19B00] =	vst v63  }
0x19: {  	_ =	swait.ge [sflag:s12], $0x320  }
0x1a: {  	[sflag:s12] =	ssyncset.done $0x0  }
0x1b: {  	s31 =	sadd.s32 s5, s30;
	s18 =	simm.s32 $0x19380;
	[sflag:s12] =	ssyncadd.s32 $0xFFFFFCE0  }
0x1c: {  	[tilespmem:s18], [sflag:$0x1] =	stream.linear.gather [hbm4b:s31+s16], $0x320, $0x38;
	[tilespmem:$0x19B00] =	vst v63  }
0x1d: {  	_ =	swait.ge [sflag:s12], $0x320  }
0x1e: {  	[sflag:s12] =	ssyncset.done $0x0  }
0x1f: {  	[sflag:s12] =	ssyncadd.s32 $0xFFFFFCE0  }
.LBB2_3:
0x20: {  	v3 =	vld [tilespmem:s17+$0x0];
	_ =	sdelay $0x4  }
0x21: {  	v3 =	vtrunc.f32 v3  }
0x22: {  	v3 =	vcvt.f32.s32 v3;
	_ =	sdelay $0x1  }
0x23: {  	v4 =	vand.u32 $0xFFFFFFF8, v3;
	v3 =	vshll.u32 v3, $0x7  }
0x24: {  	vm0 =	veq.s32 v4, $0x8;
	v3 =	vadd.s32 $0xFFFFFC00, v3  }
0x25: {  	v3 =	vnsel vm0, $0x0, v3;
	_ =	sdelay $0x3  }
0x26: {  	v48 =	vld [tilespmem:s18+$0x0]  }
0x27: {  	v3 =	vld.idx.msk [tilespmem:v3+s11+$0x0], $0xffff;
	_ =	sdelay $0x4  }
0x28: {  	v5 =	vmov s16;
	vm1 =	vgt.f32 v48, v3  }
0x29: {  	v3 =	vshll.u32 v5, $0x7;
	vm0 =	vmand vm0, vm1  }
0x2a: {  	v3 =	vor.u32 v0, v3  }
0x2b: {  	v49 =	vor.u32 $0x1, v3  }
0x2c: {  	v50 =	vor.u32 $0x2, v3  }
0x2d: {  	v6 =	vor.u32 $0x3, v3  }
0x2e: {  	v7 =	vor.u32 $0x4, v3  }
0x2f: {  	v8 =	vor.u32 $0x5, v3;
	[tilespmem:v3+s3+$0x0] =	vst.idx.msk vm0, v1  }
0x30: {  	v51 =	vor.u32 $0x6, v3;
	[tilespmem:v49+s3+$0x0] =	vst.idx.msk vm0, v2  }
0x31: {  	v52 =	vor.u32 $0x7, v3;
	[tilespmem:v50+s3+$0x0] =	vst.idx.msk vm0, v1  }
0x32: {  	v53 =	vor.u32 $0x8, v3;
	[tilespmem:v6+s3+$0x0] =	vst.idx.msk vm0, v1  }
0x33: {  	v54 =	vor.u32 $0x9, v3;
	[tilespmem:v7+s3+$0x0] =	vst.idx.msk vm0, v1  }
0x34: {  	v55 =	vor.u32 $0xA, v3;
	[tilespmem:v8+s3+$0x0] =	vst.idx.msk vm0, v1  }
0x35: {  	v56 =	vor.u32 $0xB, v3;
	[tilespmem:v51+s3+$0x0] =	vst.idx.msk vm0, v1  }
0x36: {  	v57 =	vor.u32 $0xC, v3;
	[tilespmem:v52+s3+$0x0] =	vst.idx.msk vm0, v1  }
0x37: {  	v58 =	vor.u32 $0xD, v3;
	[tilespmem:v53+s3+$0x0] =	vst.idx.msk vm0, v1  }
0x38: {  	v59 =	vor.u32 $0xE, v3;
	[tilespmem:v54+s3+$0x0] =	vst.idx.msk vm0, v1  }
0x39: {  	v60 =	vor.u32 $0xF, v3;
	[tilespmem:v55+s3+$0x0] =	vst.idx.msk vm0, v1  }
0x3a: {  	v61 =	vor.u32 $0x10, v3;
	[tilespmem:v56+s3+$0x0] =	vst.idx.msk vm0, v1  }
0x3b: {  	v62 =	vor.u32 $0x11, v3;
	[tilespmem:v57+s3+$0x0] =	vst.idx.msk vm0, v1  }
0x3c: {  	v63 =	vor.u32 $0x12, v3;
	[tilespmem:v58+s3+$0x0] =	vst.idx.msk vm0, v1  }
0x3d: {  	p0 =	sne.s32 s16, $0x310;
	v3 =	vor.u32 $0x13, v3;
	[tilespmem:v59+s3+$0x0] =	vst.idx.msk vm0, v1  }
.Ltmp0:
0x3e: {  	[tilespmem:v60+s3+$0x0] =	vst.idx.msk vm0, v1;
	(pc) =	sbr.rel @p0 .LBB2_3-.Ltmp0, $4  }
0x3f: {  	[tilespmem:v61+s3+$0x0] =	vst.idx.msk vm0, v1  }
0x40: {  	[tilespmem:v62+s3+$0x0] =	vst.idx.msk vm0, v1  }
0x41: {  	[tilespmem:v63+s3+$0x0] =	vst.idx.msk vm0, v1  }
0x42: {  	s17 =	sadd.s32 $0x10, s17;
	s18 =	sadd.s32 $0x10, s18;
	s16 =	sadd.s32 $0x10, s16;
	[tilespmem:v3+s3+$0x0] =	vst.idx.msk vm0, v1  }
0x43: {  	s14 =	sadd.s32 $0x1, s14  }
0x44: {  	p0 =	sne.s32 s14, s9  }
.Ltmp1:
0x45: {  	s15 =	sadd.s32 s8, s15;
	(pc) =	sbr.rel @p0 .LBB2_2-.Ltmp1, $4  }
0x46: {  	[hbm4b:s15+s3] =	stream.linear.scatter [tilespmem:s3], [sflag:$0x1], $0x19000, $0x38;
	[tilespmem:$0x19B00] =	vst v63  }
0x47: {  	_ =	swait.ge [sflag:s12], $0x19000  }
0x48: {  	[sflag:s12] =	ssyncset.done $0x0  }
0x49: {  	[sflag:s12] =	ssyncadd.s32 $0xFFFE7000  }
0x4a: {  	s13 =	sadd.s32 $0x1, s13  }
0x4b: {  	p0 =	sne.s32 s13, s10  }
.Ltmp2:
0x4c: {  	_ = 	snop;
	(pc) =	sbr.rel @p0 .LBB2_1-.Ltmp2, $1  }
0x4d: {  	_ =	sdelay $0x3  }
0x4e: {  	_ =	sfence.sel $0x180000  }
0x4f: {  	[bflag:$0x0] =	sbarrier.arrive $0xFFFF  }
0x50: {  	p0 =	sne.s32 s2, $0x0;
	_ =	strace $0x90000047  }
0x51: {  	s0 =	sadd.s32 @!p0 $0x100000, s0;
	[bflag:$0x2] =	sbarrier.arrive $0xFFFF  }
0x52: {  	[sflag:s0] =	ssyncadd.tile.s32 @!p0 $0x1;
	_ =	shalt  }
.Lfunc_end2:
_tile_overlayer_lowered:
.L_overlay_start_2:
0x53: {  	(tag) =	ssettag $0x2  }
0x54: {  	s0 =	rddreg [dreg:$0x0];
	s2 =	stileid.u32  }
0x55: {  	s1 =	rddreg [dreg:$0x1];
	p0 =	sne.s32 s2, $0x0  }
0x56: {  	s3 =	rddreg [dreg:$0x2];
	[bflag:$0x3] =	sbarrier.arrive $0xFFFF;
	s2 =	simm.s32 @!p0 $0x1C01  }
0x57: {  	[timem:s3], [sflag:s2] =	dma.local @!p0 [hbm:s0], s1  }
0x58: {  	s0 =	simm.s32 @!p0 $0x1  }
0x59: {  	_ =	swait.ge @!p0 [sflag:s0], s1  }
0x5a: {  	s1 =	ssub.s32 @!p0 $0x0, s1;
	[sflag:s0] =	ssyncset.done @!p0 $0x0  }
0x5b: {  	[sflag:s0] =	ssyncadd.s32 @!p0 s1  }
0x5c: {  	[bflag:$0x3] =	sbarrier.arrive $0xFFFF  }
0x5d: {  	_ =	shalt  }

</sc_bundles>
